<compile_context>
chip_gen: v7x
topology: tpu7x:2x2x1
jax: 0.10.2.dev20260603
libtpu: 0.0.44.dev20260713+nightly
codegen_flags: <defaults>
</compile_context>

<pallas_src>
import functools

import jax
import jax.numpy as jnp
from jax import lax
from jax.experimental import pallas as pl
from jax.experimental.pallas import tpu as pltpu
from jax.experimental.pallas import tpu_sc as plsc

_N_NODES = 100000
_N_EDGES = 1600000
_BN = 5000
_BE = 4000
_CH = 128
_NW = 32
_NPAD = 100096


def _wspec(shape):
    return pl.BlockSpec(shape, lambda i: (0,) * len(shape))


def _rspec(b, w):
    return pl.BlockSpec((b, w), lambda i: (i, 0))



def _enc_node_body(c, f, w1, b1, w2, b2, w3, b3, out):
    h = jnp.maximum(c[...] * w1[0:1, :] + f[...] * w1[1:2, :] + b1[...], 0.0)
    h = jnp.maximum(jnp.dot(h, w2[...], preferred_element_type=jnp.float32) + b2[...], 0.0)
    out[...] = jax.nn.sigmoid(jnp.dot(h, w3[...], preferred_element_type=jnp.float32) + b3[...])


def _enc_edge_body(a, sp1, sp0, w1, b1, w2, b2, w3, b3, out):
    h = jnp.maximum(a[...] * w1[0:1, :] + sp1[...] * w1[1:2, :] + sp0[...] * w1[2:3, :] + b1[...], 0.0)
    h = jnp.maximum(jnp.dot(h, w2[...], preferred_element_type=jnp.float32) + b2[...], 0.0)
    out[...] = jax.nn.sigmoid(jnp.dot(h, w3[...], preferred_element_type=jnp.float32) + b3[...])


def _proj_body(n, wa, wb, oa, ob):
    x = n[...]
    oa[...] = jnp.dot(x, wa[...], preferred_element_type=jnp.float32)
    ob[...] = jnp.dot(x, wb[...], preferred_element_type=jnp.float32)


def _edge_mlp_body(e, gs, gd, w1e, b1, w2, b2, w3, b3, v1h, enew, eproj):
    h = jnp.dot(e[...], w1e[...], preferred_element_type=jnp.float32)
    h = jnp.maximum(h + gs[...] + gd[...] + b1[...], 0.0)
    h = jnp.maximum(jnp.dot(h, w2[...], preferred_element_type=jnp.float32) + b2[...], 0.0)
    en = jax.nn.sigmoid(jnp.dot(h, w3[...], preferred_element_type=jnp.float32) + b3[...])
    enew[...] = en
    eproj[...] = jnp.dot(en, v1h[...], preferred_element_type=jnp.float32)


def _node_mlp_body(n, s0, s1, d0, d1, v1n, c1, v2, c2, v3, c3, out):
    agg = (s0[...] + s1[...]) / jnp.maximum(d0[...] + d1[...], 1.0)
    h = jnp.dot(n[...], v1n[...], preferred_element_type=jnp.float32)
    h = jnp.maximum(h + agg + c1[...], 0.0)
    h = jnp.maximum(jnp.dot(h, v2[...], preferred_element_type=jnp.float32) + c2[...], 0.0)
    out[...] = jax.nn.sigmoid(jnp.dot(h, v3[...], preferred_element_type=jnp.float32) + c3[...])


def _dec_body(e, gs, gd, u1e, u1, w2, u2, w3, u3, out):
    h = jnp.dot(e[...], u1e[...], preferred_element_type=jnp.float32)
    h = jnp.maximum(h + gs[...] + gd[...] + u1[...], 0.0)
    h = jnp.maximum(jnp.dot(h, w2[...], preferred_element_type=jnp.float32) + u2[...], 0.0)
    out[...] = jax.nn.sigmoid(jnp.dot(h, w3[...], preferred_element_type=jnp.float32) + u3[...])


def _enc_nodes(C, F, w1, b1, w2, b2, w3, b3):
    return pl.pallas_call(
        _enc_node_body,
        grid=(_N_NODES // _BN,),
        in_specs=[_rspec(_BN, 1), _rspec(_BN, 1),
                  _wspec((2, 16)), _wspec((1, 16)), _wspec((16, 16)), _wspec((1, 16)),
                  _wspec((16, 64)), _wspec((1, 64))],
        out_specs=_rspec(_BN, 64),
        out_shape=jax.ShapeDtypeStruct((_N_NODES, 64), jnp.float32),
    )(C, F, w1, b1, w2, b2, w3, b3)


def _enc_edges(A, SP1, SP0, w1, b1, w2, b2, w3, b3):
    return pl.pallas_call(
        _enc_edge_body,
        grid=(_N_EDGES // _BE,),
        in_specs=[_rspec(_BE, 1), _rspec(_BE, 1), _rspec(_BE, 1),
                  _wspec((3, 16)), _wspec((1, 16)), _wspec((16, 16)), _wspec((1, 16)),
                  _wspec((16, 64)), _wspec((1, 64))],
        out_specs=_rspec(_BE, 64),
        out_shape=jax.ShapeDtypeStruct((_N_EDGES, 64), jnp.float32),
    )(A, SP1, SP0, w1, b1, w2, b2, w3, b3)


def _proj(n, wa, wb):
    k = wa.shape[1]
    return pl.pallas_call(
        _proj_body,
        grid=(_N_NODES // _BN,),
        in_specs=[_rspec(_BN, 64), _wspec((64, k)), _wspec((64, k))],
        out_specs=[_rspec(_BN, k), _rspec(_BN, k)],
        out_shape=[jax.ShapeDtypeStruct((_N_NODES, k), jnp.float32)] * 2,
    )(n, wa, wb)


def _edge_mlp(e, gs, gd, w1e, b1, w2, b2, w3, b3, v1h):
    return pl.pallas_call(
        _edge_mlp_body,
        grid=(_N_EDGES // _BE,),
        in_specs=[_rspec(_BE, 64), _rspec(_BE, 16), _rspec(_BE, 16),
                  _wspec((64, 16)), _wspec((1, 16)), _wspec((16, 16)), _wspec((1, 16)),
                  _wspec((16, 64)), _wspec((1, 64)), _wspec((64, 16))],
        out_specs=[_rspec(_BE, 64), _rspec(_BE, 16)],
        out_shape=[jax.ShapeDtypeStruct((_N_EDGES, 64), jnp.float32),
                   jax.ShapeDtypeStruct((_N_EDGES, 16), jnp.float32)],
    )(e, gs, gd, w1e, b1, w2, b2, w3, b3, v1h)


def _node_mlp(n, s0, s1, d0, d1, v1n, c1, v2, c2, v3, c3):
    return pl.pallas_call(
        _node_mlp_body,
        grid=(_N_NODES // _BN,),
        in_specs=[_rspec(_BN, 64)] + [_rspec(_BN, 16)] * 4 +
                 [_wspec((64, 16)), _wspec((1, 16)), _wspec((16, 16)), _wspec((1, 16)),
                  _wspec((16, 64)), _wspec((1, 64))],
        out_specs=_rspec(_BN, 64),
        out_shape=jax.ShapeDtypeStruct((_N_NODES, 64), jnp.float32),
    )(n, s0, s1, d0, d1, v1n, c1, v2, c2, v3, c3)


def _decode(e, gs, gd, u1e, u1, w2, u2, w3, u3):
    return pl.pallas_call(
        _dec_body,
        grid=(_N_EDGES // _BE,),
        in_specs=[_rspec(_BE, 64), _rspec(_BE, 64), _rspec(_BE, 64),
                  _wspec((64, 64)), _wspec((1, 64)), _wspec((64, 64)), _wspec((1, 64)),
                  _wspec((64, 1)), _wspec((1, 1))],
        out_specs=_rspec(_BE, 1),
        out_shape=jax.ShapeDtypeStruct((_N_EDGES, 1), jnp.float32),
    )(e, gs, gd, u1e, u1, w2, u2, w3, u3)



def _make_gather(d):
    n_chunks = _N_EDGES // _CH
    iters = (n_chunks + _NW - 1) // _NW
    mesh = plsc.VectorSubcoreMesh(core_axis_name="c", subcore_axis_name="s")

    @functools.partial(
        pl.kernel,
        out_type=[jax.ShapeDtypeStruct((_N_EDGES, d), jnp.float32),
                  jax.ShapeDtypeStruct((_N_EDGES, d), jnp.float32)],
        mesh=mesh,
        compiler_params=pltpu.CompilerParams(use_tc_tiling_on_sc=False),
        scratch_types=[pltpu.VMEM((_CH,), jnp.int32), pltpu.VMEM((_CH,), jnp.int32),
                       pltpu.VMEM((_CH, d), jnp.float32), pltpu.VMEM((_CH, d), jnp.float32),
                       pltpu.SemaphoreType.DMA, pltpu.SemaphoreType.DMA],
    )
    def gather_k(ts_hbm, td_hbm, src_hbm, dst_hbm, gs_hbm, gd_hbm,
                 idx_s, idx_d, buf_s, buf_d, sem_s, sem_d):
        wid = lax.axis_index("s") * 2 + lax.axis_index("c")

        def body(i, carry):
            cid = wid + i * _NW

            @pl.when(cid < n_chunks)
            def _():
                base = cid * _CH
                pltpu.sync_copy(src_hbm.at[pl.ds(base, _CH)], idx_s)
                pltpu.sync_copy(dst_hbm.at[pl.ds(base, _CH)], idx_d)
                cs = pltpu.async_copy(ts_hbm.at[idx_s], buf_s, sem_s)
                cd = pltpu.async_copy(td_hbm.at[idx_d], buf_d, sem_d)
                cs.wait()
                cd.wait()
                pltpu.sync_copy(buf_s, gs_hbm.at[pl.ds(base, _CH)])
                pltpu.sync_copy(buf_d, gd_hbm.at[pl.ds(base, _CH)])

            return carry

        lax.fori_loop(0, iters, body, 0)

    return gather_k


def _make_scatter(with_payload):
    n_chunks = _N_EDGES // _CH
    iters = (n_chunks + _NW - 1) // _NW
    n_zchunks = _NPAD // _CH
    z_iters = (n_zchunks + 15) // 16
    mesh = plsc.VectorSubcoreMesh(core_axis_name="c", subcore_axis_name="s")

    def body_fn(*refs):
        if with_payload:
            (ep_hbm, dst_hbm, out_hbm, idx, pbuf, zbuf, acc) = refs
        else:
            (dst_hbm, out_hbm, idx, pbuf, zbuf, acc) = refs
            ep_hbm = None
        cid = lax.axis_index("c")
        sid = lax.axis_index("s")
        wid = sid * 2 + cid

        def fill(r, carry):
            zbuf[r, :] = jnp.zeros((16,), jnp.float32)
            if not with_payload:
                pbuf[r, :] = jnp.ones((16,), jnp.float32)
            return carry

        lax.fori_loop(0, _CH, fill, 0)

        def zero_chunk(i, carry):
            c = sid + i * 16

            @pl.when(c < n_zchunks)
            def _():
                pltpu.sync_copy(zbuf, acc.at[pl.ds(c * _CH, _CH)])

            return carry

        lax.fori_loop(0, z_iters, zero_chunk, 0)
        plsc.subcore_barrier()

        def scat(i, carry):
            ch = wid + i * _NW

            @pl.when(ch < n_chunks)
            def _():
                base = ch * _CH
                pltpu.sync_copy(dst_hbm.at[pl.ds(base, _CH)], idx)
                if with_payload:
                    pltpu.sync_copy(ep_hbm.at[pl.ds(base, _CH)], pbuf)
                pltpu.sync_copy(pbuf, acc.at[idx], add=True)

            return carry

        lax.fori_loop(0, iters, scat, 0)
        plsc.subcore_barrier()

        def wb(i, carry):
            c = sid + i * 16

            @pl.when(c < n_zchunks)
            def _():
                pltpu.sync_copy(acc.at[pl.ds(c * _CH, _CH)],
                                out_hbm.at[cid, pl.ds(c * _CH, _CH)])

            return carry

        lax.fori_loop(0, z_iters, wb, 0)

    return pl.kernel(
        body_fn,
        out_type=jax.ShapeDtypeStruct((2, _NPAD, 16), jnp.float32),
        mesh=mesh,
        compiler_params=pltpu.CompilerParams(use_tc_tiling_on_sc=False),
        scratch_types=[pltpu.VMEM((_CH,), jnp.int32),
                       pltpu.VMEM((_CH, 16), jnp.float32),
                       pltpu.VMEM((_CH, 16), jnp.float32),
                       pltpu.VMEM_SHARED((_NPAD, 16), jnp.float32)],
    )


_gather16 = _make_gather(16)
_gather64 = _make_gather(64)
_scatter16 = _make_scatter(True)
_degree = _make_scatter(False)



def _b2(v):
    return v.reshape(1, -1)


def kernel(C, F, A, SP1, SP0, params, edge_index):
    src = edge_index[0].astype(jnp.int32)
    dst = edge_index[1].astype(jnp.int32)

    (ew1, eb1), (ew2, eb2), (ew3, eb3) = params['enc_n']
    n = _enc_nodes(C, F, ew1, _b2(eb1), ew2, _b2(eb2), ew3, _b2(eb3))
    (fw1, fb1), (fw2, fb2), (fw3, fb3) = params['enc_e']
    e = _enc_edges(A, SP1, SP0, fw1, _b2(fb1), fw2, _b2(fb2), fw3, _b2(fb3))

    degp = _degree(dst)
    d0 = degp[0, :_N_NODES]
    d1 = degp[1, :_N_NODES]

    for blk in ('c1', 'c3'):
        (w1, b1), (w2, b2), (w3, b3) = params[blk + '_e']
        (v1, c1), (v2, c2), (v3, c3) = params[blk + '_n']
        ps, pd = _proj(n, w1[64:128], w1[128:192])
        gs, gd = _gather16(ps, pd, src, dst)
        e, ep = _edge_mlp(e, gs, gd, w1[:64], _b2(b1), w2, _b2(b2), w3, _b2(b3), v1[64:128])
        sp = _scatter16(ep, dst)
        n = _node_mlp(n, sp[0, :_N_NODES], sp[1, :_N_NODES], d0, d1,
                      v1[:64], _b2(c1), v2, _b2(c2), v3, _b2(c3))

    (u1, ub1), (u2, ub2), (u3, ub3) = params['dec']
    qs, qd = _proj(n, u1[64:128], u1[128:192])
    gs, gd = _gather64(qs, qd, src, dst)
    p = _decode(e, gs, gd, u1[:64], _b2(ub1), u2, _b2(ub2), u3, _b2(ub3))
    return p[:, 0]

# --- scband reference (transcript-rebuilt; emitter-appended) ---
"""Pipeline reference for scband-encode-process-decode-12309376270350 (READ-ONLY COPY).

The authoritative reference and input builder live on the scoring server;
editing this copy changes nothing except your own understanding.
"""

import jax, jax.numpy as jnp
import numpy as np

N_NODES = 100000
N_EDGES = 1600000


def _mlp_params(key, dims):
    ps = []
    for a, b in zip(dims[:-1], dims[1:]):
        key, k1 = jax.random.split(key)
        W = jax.random.normal(k1, (a, b), dtype=jnp.float32) * jnp.sqrt(2.0 / (a + b))
        ps.append((W, jnp.zeros((b,), dtype=jnp.float32)))
    return ps


def _mlp(ps, x):
    # torch make_mlp with num_layers=1: Linear+ReLU, Linear+ReLU, Linear+Sigmoid
    for W, b in ps[:-1]:
        x = jax.nn.relu(x @ W + b)
    W, b = ps[-1]
    return jax.nn.sigmoid(x @ W + b)


def setup_inputs(seed: int = 0) -> dict:
    key = jax.random.key(seed)
    ks = jax.random.split(key, 16)
    C = jax.random.normal(ks[0], (N_NODES, 1), dtype=jnp.float32)
    F = jax.random.normal(ks[1], (N_NODES, 1), dtype=jnp.float32)
    A = jax.random.normal(ks[2], (N_EDGES, 1), dtype=jnp.float32)
    SP1 = jax.random.normal(ks[3], (N_EDGES, 1), dtype=jnp.float32)
    SP0 = jax.random.normal(ks[4], (N_EDGES, 1), dtype=jnp.float32)
    edge_index = jax.random.randint(ks[5], (2, N_EDGES), 0, N_NODES)
    params = {
        'enc_n': _mlp_params(ks[6], [2, 16, 16, 64]),
        'enc_e': _mlp_params(ks[7], [3, 16, 16, 64]),
        'c1_e': _mlp_params(ks[8], [64 + 64 + 64, 16, 16, 64]),
        'c1_n': _mlp_params(ks[9], [64 + 64, 16, 16, 64]),
        'c3_e': _mlp_params(ks[10], [64 + 64 + 64, 16, 16, 64]),
        'c3_n': _mlp_params(ks[11], [64 + 64, 16, 16, 64]),
        'dec': _mlp_params(ks[12], [64 * 3, 64, 64, 1]),
    }
    return {'C': C, 'F': F, 'A': A, 'SP1': SP1, 'SP0': SP0, 'params': params, 'edge_index': edge_index}


def _gnblock(pe, pn, src, dst, n_h, e_h, n_nodes):
    # process_edges: mlp_e([e_h, src_h, dst_h])
    e_new = _mlp(pe, jnp.concatenate([e_h, n_h[src], n_h[dst]], axis=1))
    # update_all(copy_edge, mean): mean of incoming edge feats per dst node
    s = jax.ops.segment_sum(e_new, dst, num_segments=n_nodes)
    deg = jax.ops.segment_sum(jnp.ones((dst.shape[0], 1), dtype=jnp.float32), dst, num_segments=n_nodes)
    h_N = s / jnp.maximum(deg, 1.0)
    # process_nodes: mlp_n([h, h_N])
    n_new = _mlp(pn, jnp.concatenate([n_h, h_N], axis=1))
    return n_new, e_new


def reference(C, F, A, SP1, SP0, params, edge_index):
    src = edge_index[0]
    dst = edge_index[1]
    n_nodes = C.shape[0]
    n = _mlp(params['enc_n'], jnp.concatenate([C, F], axis=1))
    e = _mlp(params['enc_e'], jnp.concatenate([A, SP1, SP0], axis=1))
    n, e = _gnblock(params['c1_e'], params['c1_n'], src, dst, n, e, n_nodes)
    n, e = _gnblock(params['c3_e'], params['c3_n'], src, dst, n, e, n_nodes)
    P = _mlp(params['dec'], jnp.concatenate([e, n[src], n[dst]], axis=1))[:, 0]
    return P

if __name__ == "__main__":
    import jax
    _d = setup_inputs()
    print(jax.jit(kernel)(*tuple(_d.values())))

</pallas_src>

<mosaic_0001>
#map = affine_map<(d0, d1) -> (0, 0)>
#map1 = affine_map<(d0, d1) -> (0)>
module attributes {stable_mosaic.version = 14 : i64} {
  func.func @gather_k(%arg0: i32, %arg1: i32, %arg2: memref<100000x16xf32, #tpu.memory_space<hbm>>, %arg3: memref<100000x16xf32, #tpu.memory_space<hbm>>, %arg4: memref<1600000xi32, #tpu.memory_space<hbm>>, %arg5: memref<1600000xi32, #tpu.memory_space<hbm>>, %arg6: memref<1600000x16xf32, #tpu.memory_space<hbm>>, %arg7: memref<1600000x16xf32, #tpu.memory_space<hbm>>, %arg8: memref<128xi32, #tpu.memory_space<vmem>>, %arg9: memref<128xi32, #tpu.memory_space<vmem>>, %arg10: memref<128x16xf32, #tpu.memory_space<vmem>>, %arg11: memref<128x16xf32, #tpu.memory_space<vmem>>, %arg12: memref<!tpu.dma_semaphore, #tpu.memory_space<semaphore_mem>>, %arg13: memref<!tpu.dma_semaphore, #tpu.memory_space<semaphore_mem>>) attributes {dimension_semantics = [#tpu.dimension_semantics<core_parallel>, #tpu.dimension_semantics<subcore_parallel>], iteration_bounds = array<i64: 2, 16>, scalar_prefetch = 0 : i64, scratch_operands = 6 : i64, tpu.core_type = #tpu.core_type<sc_vector_subcore>, window_params = [{transform_indices = #map}, {transform_indices = #map}, {transform_indices = #map1}, {transform_indices = #map1}, {transform_indices = #map}, {transform_indices = #map}]} {
    %mul3A = arith.constant 2 : i32
    %mul3A_0 = arith.muli %arg1, %mul3A : i32
    %add3A = arith.addi %mul3A_0, %arg0 : i32
    %scan3A = arith.constant 0 : i32
    %scan3A_1 = arith.constant 0 : i32
    %scan3A_2 = arith.constant 391 : i32
    %scan3A_3 = arith.addi %scan3A_1, %scan3A_2 : i32
    %scan3A_4 = arith.constant 1 : i32
    scf.for %scan3A_6 = %scan3A_1 to %scan3A_3 step %scan3A_4  : i32 {
      %mul3A_7 = arith.constant 32 : i32
      %mul3A_8 = arith.muli %scan3A_6, %mul3A_7 : i32
      %add3A_9 = arith.addi %add3A, %mul3A_8 : i32
      %lt3A = arith.constant 12500 : i32
      %lt3A_10 = arith.cmpi slt, %add3A_9, %lt3A : i32
      %convert_element_type3A = arith.extui %lt3A_10 : i1 to i32
      %cond3A = arith.constant 0 : i32
      %cond3A_11 = arith.cmpi ne, %convert_element_type3A, %cond3A : i32
      scf.if %cond3A_11 {
        %mul3A_12 = arith.constant 128 : i32
        %mul3A_13 = arith.muli %add3A_9, %mul3A_12 : i32
        "tpu.region"() ({
          %run_scoped3A = tpu.sem_alloc : memref<!tpu.dma_semaphore, #tpu.memory_space<semaphore_mem>>
          %dma_start3A_24 = tpu.memref_slice %arg4[%mul3A_13] : memref<1600000xi32, #tpu.memory_space<hbm>> -> memref<128xi32, #tpu.memory_space<hbm>>
          %dma_start3A_25 = tpu.memref_slice %arg4[%mul3A_13] : memref<1600000xi32, #tpu.memory_space<hbm>> -> memref<128xi32, #tpu.memory_space<hbm>>
          tpu.enqueue_dma source(%dma_start3A_25 : memref<128xi32, #tpu.memory_space<hbm>>) target(%arg8 : memref<128xi32, #tpu.memory_space<vmem>>) target_semaphore(%run_scoped3A : memref<!tpu.dma_semaphore, #tpu.memory_space<semaphore_mem>>)
          %dma_wait3A_26 = tpu.memref_slice %arg4[%mul3A_13] : memref<1600000xi32, #tpu.memory_space<hbm>> -> memref<128xi32, #tpu.memory_space<hbm>>
          %dma_wait3A_27 = tpu.memref_slice %arg4[%mul3A_13] : memref<1600000xi32, #tpu.memory_space<hbm>> -> memref<128xi32, #tpu.memory_space<hbm>>
          tpu.wait_dma2 semaphore(%run_scoped3A : memref<!tpu.dma_semaphore, #tpu.memory_space<semaphore_mem>>) src(%dma_wait3A_27 : memref<128xi32, #tpu.memory_space<hbm>>) dst(%arg8 : memref<128xi32, #tpu.memory_space<vmem>>)
          tpu.yield
        }) : () -> ()
        "tpu.region"() ({
          %run_scoped3A = tpu.sem_alloc : memref<!tpu.dma_semaphore, #tpu.memory_space<semaphore_mem>>
          %dma_start3A_24 = tpu.memref_slice %arg5[%mul3A_13] : memref<1600000xi32, #tpu.memory_space<hbm>> -> memref<128xi32, #tpu.memory_space<hbm>>
          %dma_start3A_25 = tpu.memref_slice %arg5[%mul3A_13] : memref<1600000xi32, #tpu.memory_space<hbm>> -> memref<128xi32, #tpu.memory_space<hbm>>
          tpu.enqueue_dma source(%dma_start3A_25 : memref<128xi32, #tpu.memory_space<hbm>>) target(%arg9 : memref<128xi32, #tpu.memory_space<vmem>>) target_semaphore(%run_scoped3A : memref<!tpu.dma_semaphore, #tpu.memory_space<semaphore_mem>>)
          %dma_wait3A_26 = tpu.memref_slice %arg5[%mul3A_13] : memref<1600000xi32, #tpu.memory_space<hbm>> -> memref<128xi32, #tpu.memory_space<hbm>>
          %dma_wait3A_27 = tpu.memref_slice %arg5[%mul3A_13] : memref<1600000xi32, #tpu.memory_space<hbm>> -> memref<128xi32, #tpu.memory_space<hbm>>
          tpu.wait_dma2 semaphore(%run_scoped3A : memref<!tpu.dma_semaphore, #tpu.memory_space<semaphore_mem>>) src(%dma_wait3A_27 : memref<128xi32, #tpu.memory_space<hbm>>) dst(%arg9 : memref<128xi32, #tpu.memory_space<vmem>>)
          tpu.yield
        }) : () -> ()
        %dma_start3A = arith.constant 0 : i32
        %dma_start3A_14 = arith.constant 0 : i32
        %dma_start3A_15 = tpu.memref_slice %arg2[%dma_start3A, %dma_start3A_14] : memref<100000x16xf32, #tpu.memory_space<hbm>> -> memref<100000x16xf32, #tpu.memory_space<hbm>>
        tpu.enqueue_indirect_dma source(%dma_start3A_15 : memref<100000x16xf32, #tpu.memory_space<hbm>>) target(%arg10 : memref<128x16xf32, #tpu.memory_space<vmem>>) offsets(%arg8 : memref<128xi32, #tpu.memory_space<vmem>>) semaphore(%arg12 : memref<!tpu.dma_semaphore, #tpu.memory_space<semaphore_mem>>)
        %dma_start3A_16 = arith.constant 0 : i32
        %dma_start3A_17 = arith.constant 0 : i32
        %dma_start3A_18 = tpu.memref_slice %arg3[%dma_start3A_16, %dma_start3A_17] : memref<100000x16xf32, #tpu.memory_space<hbm>> -> memref<100000x16xf32, #tpu.memory_space<hbm>>
        tpu.enqueue_indirect_dma source(%dma_start3A_18 : memref<100000x16xf32, #tpu.memory_space<hbm>>) target(%arg11 : memref<128x16xf32, #tpu.memory_space<vmem>>) offsets(%arg9 : memref<128xi32, #tpu.memory_space<vmem>>) semaphore(%arg13 : memref<!tpu.dma_semaphore, #tpu.memory_space<semaphore_mem>>)
        %dma_wait3A = arith.constant 0 : i32
        %dma_wait3A_19 = arith.constant 0 : i32
        %dma_wait3A_20 = tpu.memref_slice %arg2[%dma_wait3A, %dma_wait3A_19] : memref<100000x16xf32, #tpu.memory_space<hbm>> -> memref<100000x16xf32, #tpu.memory_space<hbm>>
        tpu.wait_indirect_dma semaphore(%arg12 : memref<!tpu.dma_semaphore, #tpu.memory_space<semaphore_mem>>) src(%dma_wait3A_20 : memref<100000x16xf32, #tpu.memory_space<hbm>>) dst(%arg10 : memref<128x16xf32, #tpu.memory_space<vmem>>)
        %dma_wait3A_21 = arith.constant 0 : i32
        %dma_wait3A_22 = arith.constant 0 : i32
        %dma_wait3A_23 = tpu.memref_slice %arg3[%dma_wait3A_21, %dma_wait3A_22] : memref<100000x16xf32, #tpu.memory_space<hbm>> -> memref<100000x16xf32, #tpu.memory_space<hbm>>
        tpu.wait_indirect_dma semaphore(%arg13 : memref<!tpu.dma_semaphore, #tpu.memory_space<semaphore_mem>>) src(%dma_wait3A_23 : memref<100000x16xf32, #tpu.memory_space<hbm>>) dst(%arg11 : memref<128x16xf32, #tpu.memory_space<vmem>>)
        "tpu.region"() ({
          %run_scoped3A = tpu.sem_alloc : memref<!tpu.dma_semaphore, #tpu.memory_space<semaphore_mem>>
          %dma_start3A_24 = arith.constant 0 : i32
          %dma_start3A_25 = tpu.memref_slice %arg6[%mul3A_13, %dma_start3A_24] : memref<1600000x16xf32, #tpu.memory_space<hbm>> -> memref<128x16xf32, #tpu.memory_space<hbm>>
          %dma_start3A_26 = arith.constant 0 : i32
          %dma_start3A_27 = tpu.memref_slice %arg6[%mul3A_13, %dma_start3A_26] : memref<1600000x16xf32, #tpu.memory_space<hbm>> -> memref<128x16xf32, #tpu.memory_space<hbm>>
          tpu.enqueue_dma source(%arg10 : memref<128x16xf32, #tpu.memory_space<vmem>>) target(%dma_start3A_27 : memref<128x16xf32, #tpu.memory_space<hbm>>) target_semaphore(%run_scoped3A : memref<!tpu.dma_semaphore, #tpu.memory_space<semaphore_mem>>)
          %dma_wait3A_28 = arith.constant 0 : i32
          %dma_wait3A_29 = tpu.memref_slice %arg6[%mul3A_13, %dma_wait3A_28] : memref<1600000x16xf32, #tpu.memory_space<hbm>> -> memref<128x16xf32, #tpu.memory_space<hbm>>
          %dma_wait3A_30 = arith.constant 0 : i32
          %dma_wait3A_31 = tpu.memref_slice %arg6[%mul3A_13, %dma_wait3A_30] : memref<1600000x16xf32, #tpu.memory_space<hbm>> -> memref<128x16xf32, #tpu.memory_space<hbm>>
          tpu.wait_dma2 semaphore(%run_scoped3A : memref<!tpu.dma_semaphore, #tpu.memory_space<semaphore_mem>>) src(%arg10 : memref<128x16xf32, #tpu.memory_space<vmem>>) dst(%dma_wait3A_31 : memref<128x16xf32, #tpu.memory_space<hbm>>)
          tpu.yield
        }) : () -> ()
        "tpu.region"() ({
          %run_scoped3A = tpu.sem_alloc : memref<!tpu.dma_semaphore, #tpu.memory_space<semaphore_mem>>
          %dma_start3A_24 = arith.constant 0 : i32
          %dma_start3A_25 = tpu.memref_slice %arg7[%mul3A_13, %dma_start3A_24] : memref<1600000x16xf32, #tpu.memory_space<hbm>> -> memref<128x16xf32, #tpu.memory_space<hbm>>
          %dma_start3A_26 = arith.constant 0 : i32
          %dma_start3A_27 = tpu.memref_slice %arg7[%mul3A_13, %dma_start3A_26] : memref<1600000x16xf32, #tpu.memory_space<hbm>> -> memref<128x16xf32, #tpu.memory_space<hbm>>
          tpu.enqueue_dma source(%arg11 : memref<128x16xf32, #tpu.memory_space<vmem>>) target(%dma_start3A_27 : memref<128x16xf32, #tpu.memory_space<hbm>>) target_semaphore(%run_scoped3A : memref<!tpu.dma_semaphore, #tpu.memory_space<semaphore_mem>>)
          %dma_wait3A_28 = arith.constant 0 : i32
          %dma_wait3A_29 = tpu.memref_slice %arg7[%mul3A_13, %dma_wait3A_28] : memref<1600000x16xf32, #tpu.memory_space<hbm>> -> memref<128x16xf32, #tpu.memory_space<hbm>>
          %dma_wait3A_30 = arith.constant 0 : i32
          %dma_wait3A_31 = tpu.memref_slice %arg7[%mul3A_13, %dma_wait3A_30] : memref<1600000x16xf32, #tpu.memory_space<hbm>> -> memref<128x16xf32, #tpu.memory_space<hbm>>
          tpu.wait_dma2 semaphore(%run_scoped3A : memref<!tpu.dma_semaphore, #tpu.memory_space<semaphore_mem>>) src(%arg11 : memref<128x16xf32, #tpu.memory_space<vmem>>) dst(%dma_wait3A_31 : memref<128x16xf32, #tpu.memory_space<hbm>>)
          tpu.yield
        }) : () -> ()
      } else {
      }
    }
    %scan3A_5 = arith.constant 391 : i32
    return
  }
}

#map = affine_map<(d0, d1) -> (0, 0)>
#map1 = affine_map<(d0, d1) -> (0)>
#map2 = affine_map<(d0, d1) -> (0, 0, 0)>
module attributes {stable_mosaic.version = 14 : i64} {
  func.func @body_fn(%arg0: i32, %arg1: i32, %arg2: memref<1600000x16xf32, #tpu.memory_space<hbm>>, %arg3: memref<1600000xi32, #tpu.memory_space<hbm>>, %arg4: memref<2x100096x16xf32, #tpu.memory_space<hbm>>, %arg5: memref<128xi32, #tpu.memory_space<vmem>>, %arg6: memref<128x16xf32, #tpu.memory_space<vmem>>, %arg7: memref<128x16xf32, #tpu.memory_space<vmem>>, %arg8: memref<100096x16xf32, #tpu.memory_space<vmem_shared>>) attributes {dimension_semantics = [#tpu.dimension_semantics<core_parallel>, #tpu.dimension_semantics<subcore_parallel>], iteration_bounds = array<i64: 2, 16>, scalar_prefetch = 0 : i64, scratch_operands = 4 : i64, tpu.core_type = #tpu.core_type<sc_vector_subcore>, window_params = [{transform_indices = #map}, {transform_indices = #map1}, {transform_indices = #map2}]} {
    %mul3A = arith.constant 2 : i32
    %mul3A_0 = arith.muli %arg1, %mul3A : i32
    %add3A = arith.addi %mul3A_0, %arg0 : i32
    %scan3A = arith.constant 0 : i32
    %scan3A_1 = arith.constant 0 : i32
    %scan3A_2 = arith.constant 128 : i32
    %scan3A_3 = arith.addi %scan3A_1, %scan3A_2 : i32
    %scan3A_4 = arith.constant 1 : i32
    scf.for %scan3A_25 = %scan3A_1 to %scan3A_3 step %scan3A_4  : i32 {
      %broadcast_in_dim3A = arith.constant 0.000000e+00 : f32
      %broadcast_in_dim3A_26 = vector.broadcast %broadcast_in_dim3A : f32 to vector<16xf32>
      %swap3A = arith.index_cast %scan3A_25 : i32 to index
      %swap3A_27 = arith.constant 0 : index
      %swap3A_28 = tpu.vector_load %arg7[%swap3A, %swap3A_27] {strides = array<i32>} : memref<128x16xf32, #tpu.memory_space<vmem>>, vector<1x16xf32>,
      %swap3A_29 = vector.shape_cast %swap3A_28 : vector<1x16xf32> to vector<16xf32>
      %swap3A_30 = vector.shape_cast %broadcast_in_dim3A_26 : vector<16xf32> to vector<1x16xf32>
      tpu.vector_store %arg7[%swap3A, %swap3A_27], %swap3A_30 {strides = array<i32>} : memref<128x16xf32, #tpu.memory_space<vmem>>, vector<1x16xf32>,
    }
    %scan3A_5 = arith.constant 128 : i32
    %scan3A_6 = arith.constant 0 : i32
    %scan3A_7 = arith.constant 0 : i32
    %scan3A_8 = arith.constant 49 : i32
    %scan3A_9 = arith.addi %scan3A_7, %scan3A_8 : i32
    %scan3A_10 = arith.constant 1 : i32
    scf.for %scan3A_25 = %scan3A_7 to %scan3A_9 step %scan3A_10  : i32 {
      %mul3A_26 = arith.constant 16 : i32
      %mul3A_27 = arith.muli %scan3A_25, %mul3A_26 : i32
      %add3A_28 = arith.addi %arg1, %mul3A_27 : i32
      %lt3A = arith.constant 782 : i32
      %lt3A_29 = arith.cmpi slt, %add3A_28, %lt3A : i32
      %convert_element_type3A = arith.extui %lt3A_29 : i1 to i32
      %cond3A = arith.constant 0 : i32
      %cond3A_30 = arith.cmpi ne, %convert_element_type3A, %cond3A : i32
      scf.if %cond3A_30 {
        %mul3A_31 = arith.constant 128 : i32
        %mul3A_32 = arith.muli %add3A_28, %mul3A_31 : i32
        "tpu.region"() ({
          %run_scoped3A = tpu.sem_alloc : memref<!tpu.dma_semaphore, #tpu.memory_space<semaphore_mem>>
          %dma_start3A = arith.constant 0 : i32
          %dma_start3A_33 = tpu.memref_slice %arg8[%mul3A_32, %dma_start3A] : memref<100096x16xf32, #tpu.memory_space<vmem_shared>> -> memref<128x16xf32, #tpu.memory_space<vmem_shared>>
          %dma_start3A_34 = arith.constant 0 : i32
          %dma_start3A_35 = tpu.memref_slice %arg8[%mul3A_32, %dma_start3A_34] : memref<100096x16xf32, #tpu.memory_space<vmem_shared>> -> memref<128x16xf32, #tpu.memory_space<vmem_shared>>
          tpu.enqueue_dma source(%arg7 : memref<128x16xf32, #tpu.memory_space<vmem>>) target(%dma_start3A_35 : memref<128x16xf32, #tpu.memory_space<vmem_shared>>) target_semaphore(%run_scoped3A : memref<!tpu.dma_semaphore, #tpu.memory_space<semaphore_mem>>)
          %dma_wait3A = arith.constant 0 : i32
          %dma_wait3A_36 = tpu.memref_slice %arg8[%mul3A_32, %dma_wait3A] : memref<100096x16xf32, #tpu.memory_space<vmem_shared>> -> memref<128x16xf32, #tpu.memory_space<vmem_shared>>
          %dma_wait3A_37 = arith.constant 0 : i32
          %dma_wait3A_38 = tpu.memref_slice %arg8[%mul3A_32, %dma_wait3A_37] : memref<100096x16xf32, #tpu.memory_space<vmem_shared>> -> memref<128x16xf32, #tpu.memory_space<vmem_shared>>
          tpu.wait_dma2 semaphore(%run_scoped3A : memref<!tpu.dma_semaphore, #tpu.memory_space<semaphore_mem>>) src(%arg7 : memref<128x16xf32, #tpu.memory_space<vmem>>) dst(%dma_wait3A_38 : memref<128x16xf32, #tpu.memory_space<vmem_shared>>)
          tpu.yield
        }) : () -> ()
      } else {
      }
    }
    %scan3A_11 = arith.constant 49 : i32
    %barrier3A = arith.constant 0 : index
    tpu.barrier barrier_id(%barrier3A)
    %scan3A_12 = arith.constant 0 : i32
    %scan3A_13 = arith.constant 0 : i32
    %scan3A_14 = arith.constant 391 : i32
    %scan3A_15 = arith.addi %scan3A_13, %scan3A_14 : i32
    %scan3A_16 = arith.constant 1 : i32
    scf.for %scan3A_25 = %scan3A_13 to %scan3A_15 step %scan3A_16  : i32 {
      %mul3A_26 = arith.constant 32 : i32
      %mul3A_27 = arith.muli %scan3A_25, %mul3A_26 : i32
      %add3A_28 = arith.addi %add3A, %mul3A_27 : i32
      %lt3A = arith.constant 12500 : i32
      %lt3A_29 = arith.cmpi slt, %add3A_28, %lt3A : i32
      %convert_element_type3A = arith.extui %lt3A_29 : i1 to i32
      %cond3A = arith.constant 0 : i32
      %cond3A_30 = arith.cmpi ne, %convert_element_type3A, %cond3A : i32
      scf.if %cond3A_30 {
        %mul3A_31 = arith.constant 128 : i32
        %mul3A_32 = arith.muli %add3A_28, %mul3A_31 : i32
        "tpu.region"() ({
          %run_scoped3A = tpu.sem_alloc : memref<!tpu.dma_semaphore, #tpu.memory_space<semaphore_mem>>
          %dma_start3A = tpu.memref_slice %arg3[%mul3A_32] : memref<1600000xi32, #tpu.memory_space<hbm>> -> memref<128xi32, #tpu.memory_space<hbm>>
          %dma_start3A_33 = tpu.memref_slice %arg3[%mul3A_32] : memref<1600000xi32, #tpu.memory_space<hbm>> -> memref<128xi32, #tpu.memory_space<hbm>>
          tpu.enqueue_dma source(%dma_start3A_33 : memref<128xi32, #tpu.memory_space<hbm>>) target(%arg5 : memref<128xi32, #tpu.memory_space<vmem>>) target_semaphore(%run_scoped3A : memref<!tpu.dma_semaphore, #tpu.memory_space<semaphore_mem>>)
          %dma_wait3A = tpu.memref_slice %arg3[%mul3A_32] : memref<1600000xi32, #tpu.memory_space<hbm>> -> memref<128xi32, #tpu.memory_space<hbm>>
          %dma_wait3A_34 = tpu.memref_slice %arg3[%mul3A_32] : memref<1600000xi32, #tpu.memory_space<hbm>> -> memref<128xi32, #tpu.memory_space<hbm>>
          tpu.wait_dma2 semaphore(%run_scoped3A : memref<!tpu.dma_semaphore, #tpu.memory_space<semaphore_mem>>) src(%dma_wait3A_34 : memref<128xi32, #tpu.memory_space<hbm>>) dst(%arg5 : memref<128xi32, #tpu.memory_space<vmem>>)
          tpu.yield
        }) : () -> ()
        "tpu.region"() ({
          %run_scoped3A = tpu.sem_alloc : memref<!tpu.dma_semaphore, #tpu.memory_space<semaphore_mem>>
          %dma_start3A = arith.constant 0 : i32
          %dma_start3A_33 = tpu.memref_slice %arg2[%mul3A_32, %dma_start3A] : memref<1600000x16xf32, #tpu.memory_space<hbm>> -> memref<128x16xf32, #tpu.memory_space<hbm>>
          %dma_start3A_34 = arith.constant 0 : i32
          %dma_start3A_35 = tpu.memref_slice %arg2[%mul3A_32, %dma_start3A_34] : memref<1600000x16xf32, #tpu.memory_space<hbm>> -> memref<128x16xf32, #tpu.memory_space<hbm>>
          tpu.enqueue_dma source(%dma_start3A_35 : memref<128x16xf32, #tpu.memory_space<hbm>>) target(%arg6 : memref<128x16xf32, #tpu.memory_space<vmem>>) target_semaphore(%run_scoped3A : memref<!tpu.dma_semaphore, #tpu.memory_space<semaphore_mem>>)
          %dma_wait3A = arith.constant 0 : i32
          %dma_wait3A_36 = tpu.memref_slice %arg2[%mul3A_32, %dma_wait3A] : memref<1600000x16xf32, #tpu.memory_space<hbm>> -> memref<128x16xf32, #tpu.memory_space<hbm>>
          %dma_wait3A_37 = arith.constant 0 : i32
          %dma_wait3A_38 = tpu.memref_slice %arg2[%mul3A_32, %dma_wait3A_37] : memref<1600000x16xf32, #tpu.memory_space<hbm>> -> memref<128x16xf32, #tpu.memory_space<hbm>>
          tpu.wait_dma2 semaphore(%run_scoped3A : memref<!tpu.dma_semaphore, #tpu.memory_space<semaphore_mem>>) src(%dma_wait3A_38 : memref<128x16xf32, #tpu.memory_space<hbm>>) dst(%arg6 : memref<128x16xf32, #tpu.memory_space<vmem>>)
          tpu.yield
        }) : () -> ()
        "tpu.region"() ({
          %run_scoped3A = tpu.sem_alloc : memref<!tpu.dma_semaphore, #tpu.memory_space<semaphore_mem>>
          %dma_start3A = arith.constant 0 : i32
          %dma_start3A_33 = arith.constant 0 : i32
          %dma_start3A_34 = tpu.memref_slice %arg8[%dma_start3A, %dma_start3A_33] : memref<100096x16xf32, #tpu.memory_space<vmem_shared>> -> memref<100096x16xf32, #tpu.memory_space<vmem_shared>>
          tpu.enqueue_indirect_dma source(%arg6 : memref<128x16xf32, #tpu.memory_space<vmem>>) target(%dma_start3A_34 : memref<100096x16xf32, #tpu.memory_space<vmem_shared>>) offsets(%arg5 : memref<128xi32, #tpu.memory_space<vmem>>) semaphore(%run_scoped3A : memref<!tpu.dma_semaphore, #tpu.memory_space<semaphore_mem>>) {add = true}
          %dma_wait3A = arith.constant 0 : i32
          %dma_wait3A_35 = arith.constant 0 : i32
          %dma_wait3A_36 = tpu.memref_slice %arg8[%dma_wait3A, %dma_wait3A_35] : memref<100096x16xf32, #tpu.memory_space<vmem_shared>> -> memref<100096x16xf32, #tpu.memory_space<vmem_shared>>
          tpu.wait_indirect_dma semaphore(%run_scoped3A : memref<!tpu.dma_semaphore, #tpu.memory_space<semaphore_mem>>) src(%arg6 : memref<128x16xf32, #tpu.memory_space<vmem>>) dst(%dma_wait3A_36 : memref<100096x16xf32, #tpu.memory_space<vmem_shared>>)
          tpu.yield
        }) : () -> ()
      } else {
      }
    }
    %scan3A_17 = arith.constant 391 : i32
    %barrier3A_18 = arith.constant 0 : index
    tpu.barrier barrier_id(%barrier3A_18)
    %scan3A_19 = arith.constant 0 : i32
    %scan3A_20 = arith.constant 0 : i32
    %scan3A_21 = arith.constant 49 : i32
    %scan3A_22 = arith.addi %scan3A_20, %scan3A_21 : i32
    %scan3A_23 = arith.constant 1 : i32
    scf.for %scan3A_25 = %scan3A_20 to %scan3A_22 step %scan3A_23  : i32 {
      %mul3A_26 = arith.constant 16 : i32
      %mul3A_27 = arith.muli %scan3A_25, %mul3A_26 : i32
      %add3A_28 = arith.addi %arg1, %mul3A_27 : i32
      %lt3A = arith.constant 782 : i32
      %lt3A_29 = arith.cmpi slt, %add3A_28, %lt3A : i32
      %convert_element_type3A = arith.extui %lt3A_29 : i1 to i32
      %cond3A = arith.constant 0 : i32
      %cond3A_30 = arith.cmpi ne, %convert_element_type3A, %cond3A : i32
      scf.if %cond3A_30 {
        %mul3A_31 = arith.constant 128 : i32
        %mul3A_32 = arith.muli %add3A_28, %mul3A_31 : i32
        %mul3A_33 = arith.constant 128 : i32
        %mul3A_34 = arith.muli %add3A_28, %mul3A_33 : i32
        "tpu.region"() ({
          %run_scoped3A = tpu.sem_alloc : memref<!tpu.dma_semaphore, #tpu.memory_space<semaphore_mem>>
          %dma_start3A = arith.constant 0 : i32
          %dma_start3A_35 = tpu.memref_slice %arg4[%arg0, %mul3A_34, %dma_start3A] : memref<2x100096x16xf32, #tpu.memory_space<hbm>> -> memref<1x128x16xf32, #tpu.memory_space<hbm>>
          %dma_start3A_36 = tpu.memref_squeeze %dma_start3A_35 : memref<1x128x16xf32, #tpu.memory_space<hbm>> -> memref<128x16xf32, #tpu.memory_space<hbm>>
          %dma_start3A_37 = arith.constant 0 : i32
          %dma_start3A_38 = tpu.memref_slice %arg8[%mul3A_32, %dma_start3A_37] : memref<100096x16xf32, #tpu.memory_space<vmem_shared>> -> memref<128x16xf32, #tpu.memory_space<vmem_shared>>
          tpu.enqueue_dma source(%dma_start3A_38 : memref<128x16xf32, #tpu.memory_space<vmem_shared>>) target(%dma_start3A_36 : memref<128x16xf32, #tpu.memory_space<hbm>>) target_semaphore(%run_scoped3A : memref<!tpu.dma_semaphore, #tpu.memory_space<semaphore_mem>>)
          %dma_wait3A = arith.constant 0 : i32
          %dma_wait3A_39 = tpu.memref_slice %arg4[%arg0, %mul3A_34, %dma_wait3A] : memref<2x100096x16xf32, #tpu.memory_space<hbm>> -> memref<1x128x16xf32, #tpu.memory_space<hbm>>
          %dma_wait3A_40 = tpu.memref_squeeze %dma_wait3A_39 : memref<1x128x16xf32, #tpu.memory_space<hbm>> -> memref<128x16xf32, #tpu.memory_space<hbm>>
          %dma_wait3A_41 = arith.constant 0 : i32
          %dma_wait3A_42 = tpu.memref_slice %arg8[%mul3A_32, %dma_wait3A_41] : memref<100096x16xf32, #tpu.memory_space<vmem_shared>> -> memref<128x16xf32, #tpu.memory_space<vmem_shared>>
          tpu.wait_dma2 semaphore(%run_scoped3A : memref<!tpu.dma_semaphore, #tpu.memory_space<semaphore_mem>>) src(%dma_wait3A_42 : memref<128x16xf32, #tpu.memory_space<vmem_shared>>) dst(%dma_wait3A_40 : memref<128x16xf32, #tpu.memory_space<hbm>>)
          tpu.yield
        }) : () -> ()
      } else {
      }
    }
    %scan3A_24 = arith.constant 49 : i32
    return
  }
}

#map = affine_map<(d0, d1) -> (0)>
#map1 = affine_map<(d0, d1) -> (0, 0, 0)>
module attributes {stable_mosaic.version = 14 : i64} {
  func.func @body_fn(%arg0: i32, %arg1: i32, %arg2: memref<1600000xi32, #tpu.memory_space<hbm>>, %arg3: memref<2x100096x16xf32, #tpu.memory_space<hbm>>, %arg4: memref<128xi32, #tpu.memory_space<vmem>>, %arg5: memref<128x16xf32, #tpu.memory_space<vmem>>, %arg6: memref<128x16xf32, #tpu.memory_space<vmem>>, %arg7: memref<100096x16xf32, #tpu.memory_space<vmem_shared>>) attributes {dimension_semantics = [#tpu.dimension_semantics<core_parallel>, #tpu.dimension_semantics<subcore_parallel>], iteration_bounds = array<i64: 2, 16>, scalar_prefetch = 0 : i64, scratch_operands = 4 : i64, tpu.core_type = #tpu.core_type<sc_vector_subcore>, window_params = [{transform_indices = #map}, {transform_indices = #map1}]} {
    %mul3A = arith.constant 2 : i32
    %mul3A_0 = arith.muli %arg1, %mul3A : i32
    %add3A = arith.addi %mul3A_0, %arg0 : i32
    %scan3A = arith.constant 0 : i32
    %scan3A_1 = arith.constant 0 : i32
    %scan3A_2 = arith.constant 128 : i32
    %scan3A_3 = arith.addi %scan3A_1, %scan3A_2 : i32
    %scan3A_4 = arith.constant 1 : i32
    scf.for %scan3A_25 = %scan3A_1 to %scan3A_3 step %scan3A_4  : i32 {
      %broadcast_in_dim3A = arith.constant 0.000000e+00 : f32
      %broadcast_in_dim3A_26 = vector.broadcast %broadcast_in_dim3A : f32 to vector<16xf32>
      %swap3A = arith.index_cast %scan3A_25 : i32 to index
      %swap3A_27 = arith.constant 0 : index
      %swap3A_28 = tpu.vector_load %arg6[%swap3A, %swap3A_27] {strides = array<i32>} : memref<128x16xf32, #tpu.memory_space<vmem>>, vector<1x16xf32>,
      %swap3A_29 = vector.shape_cast %swap3A_28 : vector<1x16xf32> to vector<16xf32>
      %swap3A_30 = vector.shape_cast %broadcast_in_dim3A_26 : vector<16xf32> to vector<1x16xf32>
      tpu.vector_store %arg6[%swap3A, %swap3A_27], %swap3A_30 {strides = array<i32>} : memref<128x16xf32, #tpu.memory_space<vmem>>, vector<1x16xf32>,
      %broadcast_in_dim3A_31 = arith.constant 1.000000e+00 : f32
      %broadcast_in_dim3A_32 = vector.broadcast %broadcast_in_dim3A_31 : f32 to vector<16xf32>
      %swap3A_33 = arith.index_cast %scan3A_25 : i32 to index
      %swap3A_34 = arith.constant 0 : index
      %swap3A_35 = tpu.vector_load %arg5[%swap3A_33, %swap3A_34] {strides = array<i32>} : memref<128x16xf32, #tpu.memory_space<vmem>>, vector<1x16xf32>,
      %swap3A_36 = vector.shape_cast %swap3A_35 : vector<1x16xf32> to vector<16xf32>
      %swap3A_37 = vector.shape_cast %broadcast_in_dim3A_32 : vector<16xf32> to vector<1x16xf32>
      tpu.vector_store %arg5[%swap3A_33, %swap3A_34], %swap3A_37 {strides = array<i32>} : memref<128x16xf32, #tpu.memory_space<vmem>>, vector<1x16xf32>,
    }
    %scan3A_5 = arith.constant 128 : i32
    %scan3A_6 = arith.constant 0 : i32
    %scan3A_7 = arith.constant 0 : i32
    %scan3A_8 = arith.constant 49 : i32
    %scan3A_9 = arith.addi %scan3A_7, %scan3A_8 : i32
    %scan3A_10 = arith.constant 1 : i32
    scf.for %scan3A_25 = %scan3A_7 to %scan3A_9 step %scan3A_10  : i32 {
      %mul3A_26 = arith.constant 16 : i32
      %mul3A_27 = arith.muli %scan3A_25, %mul3A_26 : i32
      %add3A_28 = arith.addi %arg1, %mul3A_27 : i32
      %lt3A = arith.constant 782 : i32
      %lt3A_29 = arith.cmpi slt, %add3A_28, %lt3A : i32
      %convert_element_type3A = arith.extui %lt3A_29 : i1 to i32
      %cond3A = arith.constant 0 : i32
      %cond3A_30 = arith.cmpi ne, %convert_element_type3A, %cond3A : i32
      scf.if %cond3A_30 {
        %mul3A_31 = arith.constant 128 : i32
        %mul3A_32 = arith.muli %add3A_28, %mul3A_31 : i32
        "tpu.region"() ({
          %run_scoped3A = tpu.sem_alloc : memref<!tpu.dma_semaphore, #tpu.memory_space<semaphore_mem>>
          %dma_start3A = arith.constant 0 : i32
          %dma_start3A_33 = tpu.memref_slice %arg7[%mul3A_32, %dma_start3A] : memref<100096x16xf32, #tpu.memory_space<vmem_shared>> -> memref<128x16xf32, #tpu.memory_space<vmem_shared>>
          %dma_start3A_34 = arith.constant 0 : i32
          %dma_start3A_35 = tpu.memref_slice %arg7[%mul3A_32, %dma_start3A_34] : memref<100096x16xf32, #tpu.memory_space<vmem_shared>> -> memref<128x16xf32, #tpu.memory_space<vmem_shared>>
          tpu.enqueue_dma source(%arg6 : memref<128x16xf32, #tpu.memory_space<vmem>>) target(%dma_start3A_35 : memref<128x16xf32, #tpu.memory_space<vmem_shared>>) target_semaphore(%run_scoped3A : memref<!tpu.dma_semaphore, #tpu.memory_space<semaphore_mem>>)
          %dma_wait3A = arith.constant 0 : i32
          %dma_wait3A_36 = tpu.memref_slice %arg7[%mul3A_32, %dma_wait3A] : memref<100096x16xf32, #tpu.memory_space<vmem_shared>> -> memref<128x16xf32, #tpu.memory_space<vmem_shared>>
          %dma_wait3A_37 = arith.constant 0 : i32
          %dma_wait3A_38 = tpu.memref_slice %arg7[%mul3A_32, %dma_wait3A_37] : memref<100096x16xf32, #tpu.memory_space<vmem_shared>> -> memref<128x16xf32, #tpu.memory_space<vmem_shared>>
          tpu.wait_dma2 semaphore(%run_scoped3A : memref<!tpu.dma_semaphore, #tpu.memory_space<semaphore_mem>>) src(%arg6 : memref<128x16xf32, #tpu.memory_space<vmem>>) dst(%dma_wait3A_38 : memref<128x16xf32, #tpu.memory_space<vmem_shared>>)
          tpu.yield
        }) : () -> ()
      } else {
      }
    }
    %scan3A_11 = arith.constant 49 : i32
    %barrier3A = arith.constant 0 : index
    tpu.barrier barrier_id(%barrier3A)
    %scan3A_12 = arith.constant 0 : i32
    %scan3A_13 = arith.constant 0 : i32
    %scan3A_14 = arith.constant 391 : i32
    %scan3A_15 = arith.addi %scan3A_13, %scan3A_14 : i32
    %scan3A_16 = arith.constant 1 : i32
    scf.for %scan3A_25 = %scan3A_13 to %scan3A_15 step %scan3A_16  : i32 {
      %mul3A_26 = arith.constant 32 : i32
      %mul3A_27 = arith.muli %scan3A_25, %mul3A_26 : i32
      %add3A_28 = arith.addi %add3A, %mul3A_27 : i32
      %lt3A = arith.constant 12500 : i32
      %lt3A_29 = arith.cmpi slt, %add3A_28, %lt3A : i32
      %convert_element_type3A = arith.extui %lt3A_29 : i1 to i32
      %cond3A = arith.constant 0 : i32
      %cond3A_30 = arith.cmpi ne, %convert_element_type3A, %cond3A : i32
      scf.if %cond3A_30 {
        %mul3A_31 = arith.constant 128 : i32
        %mul3A_32 = arith.muli %add3A_28, %mul3A_31 : i32
        "tpu.region"() ({
          %run_scoped3A = tpu.sem_alloc : memref<!tpu.dma_semaphore, #tpu.memory_space<semaphore_mem>>
          %dma_start3A = tpu.memref_slice %arg2[%mul3A_32] : memref<1600000xi32, #tpu.memory_space<hbm>> -> memref<128xi32, #tpu.memory_space<hbm>>
          %dma_start3A_33 = tpu.memref_slice %arg2[%mul3A_32] : memref<1600000xi32, #tpu.memory_space<hbm>> -> memref<128xi32, #tpu.memory_space<hbm>>
          tpu.enqueue_dma source(%dma_start3A_33 : memref<128xi32, #tpu.memory_space<hbm>>) target(%arg4 : memref<128xi32, #tpu.memory_space<vmem>>) target_semaphore(%run_scoped3A : memref<!tpu.dma_semaphore, #tpu.memory_space<semaphore_mem>>)
          %dma_wait3A = tpu.memref_slice %arg2[%mul3A_32] : memref<1600000xi32, #tpu.memory_space<hbm>> -> memref<128xi32, #tpu.memory_space<hbm>>
          %dma_wait3A_34 = tpu.memref_slice %arg2[%mul3A_32] : memref<1600000xi32, #tpu.memory_space<hbm>> -> memref<128xi32, #tpu.memory_space<hbm>>
          tpu.wait_dma2 semaphore(%run_scoped3A : memref<!tpu.dma_semaphore, #tpu.memory_space<semaphore_mem>>) src(%dma_wait3A_34 : memref<128xi32, #tpu.memory_space<hbm>>) dst(%arg4 : memref<128xi32, #tpu.memory_space<vmem>>)
          tpu.yield
        }) : () -> ()
        "tpu.region"() ({
          %run_scoped3A = tpu.sem_alloc : memref<!tpu.dma_semaphore, #tpu.memory_space<semaphore_mem>>
          %dma_start3A = arith.constant 0 : i32
          %dma_start3A_33 = arith.constant 0 : i32
          %dma_start3A_34 = tpu.memref_slice %arg7[%dma_start3A, %dma_start3A_33] : memref<100096x16xf32, #tpu.memory_space<vmem_shared>> -> memref<100096x16xf32, #tpu.memory_space<vmem_shared>>
          tpu.enqueue_indirect_dma source(%arg5 : memref<128x16xf32, #tpu.memory_space<vmem>>) target(%dma_start3A_34 : memref<100096x16xf32, #tpu.memory_space<vmem_shared>>) offsets(%arg4 : memref<128xi32, #tpu.memory_space<vmem>>) semaphore(%run_scoped3A : memref<!tpu.dma_semaphore, #tpu.memory_space<semaphore_mem>>) {add = true}
          %dma_wait3A = arith.constant 0 : i32
          %dma_wait3A_35 = arith.constant 0 : i32
          %dma_wait3A_36 = tpu.memref_slice %arg7[%dma_wait3A, %dma_wait3A_35] : memref<100096x16xf32, #tpu.memory_space<vmem_shared>> -> memref<100096x16xf32, #tpu.memory_space<vmem_shared>>
          tpu.wait_indirect_dma semaphore(%run_scoped3A : memref<!tpu.dma_semaphore, #tpu.memory_space<semaphore_mem>>) src(%arg5 : memref<128x16xf32, #tpu.memory_space<vmem>>) dst(%dma_wait3A_36 : memref<100096x16xf32, #tpu.memory_space<vmem_shared>>)
          tpu.yield
        }) : () -> ()
      } else {
      }
    }
    %scan3A_17 = arith.constant 391 : i32
    %barrier3A_18 = arith.constant 0 : index
    tpu.barrier barrier_id(%barrier3A_18)
    %scan3A_19 = arith.constant 0 : i32
    %scan3A_20 = arith.constant 0 : i32
    %scan3A_21 = arith.constant 49 : i32
    %scan3A_22 = arith.addi %scan3A_20, %scan3A_21 : i32
    %scan3A_23 = arith.constant 1 : i32
    scf.for %scan3A_25 = %scan3A_20 to %scan3A_22 step %scan3A_23  : i32 {
      %mul3A_26 = arith.constant 16 : i32
      %mul3A_27 = arith.muli %scan3A_25, %mul3A_26 : i32
      %add3A_28 = arith.addi %arg1, %mul3A_27 : i32
      %lt3A = arith.constant 782 : i32
      %lt3A_29 = arith.cmpi slt, %add3A_28, %lt3A : i32
      %convert_element_type3A = arith.extui %lt3A_29 : i1 to i32
      %cond3A = arith.constant 0 : i32
      %cond3A_30 = arith.cmpi ne, %convert_element_type3A, %cond3A : i32
      scf.if %cond3A_30 {
        %mul3A_31 = arith.constant 128 : i32
        %mul3A_32 = arith.muli %add3A_28, %mul3A_31 : i32
        %mul3A_33 = arith.constant 128 : i32
        %mul3A_34 = arith.muli %add3A_28, %mul3A_33 : i32
        "tpu.region"() ({
          %run_scoped3A = tpu.sem_alloc : memref<!tpu.dma_semaphore, #tpu.memory_space<semaphore_mem>>
          %dma_start3A = arith.constant 0 : i32
          %dma_start3A_35 = tpu.memref_slice %arg3[%arg0, %mul3A_34, %dma_start3A] : memref<2x100096x16xf32, #tpu.memory_space<hbm>> -> memref<1x128x16xf32, #tpu.memory_space<hbm>>
          %dma_start3A_36 = tpu.memref_squeeze %dma_start3A_35 : memref<1x128x16xf32, #tpu.memory_space<hbm>> -> memref<128x16xf32, #tpu.memory_space<hbm>>
          %dma_start3A_37 = arith.constant 0 : i32
          %dma_start3A_38 = tpu.memref_slice %arg7[%mul3A_32, %dma_start3A_37] : memref<100096x16xf32, #tpu.memory_space<vmem_shared>> -> memref<128x16xf32, #tpu.memory_space<vmem_shared>>
          tpu.enqueue_dma source(%dma_start3A_38 : memref<128x16xf32, #tpu.memory_space<vmem_shared>>) target(%dma_start3A_36 : memref<128x16xf32, #tpu.memory_space<hbm>>) target_semaphore(%run_scoped3A : memref<!tpu.dma_semaphore, #tpu.memory_space<semaphore_mem>>)
          %dma_wait3A = arith.constant 0 : i32
          %dma_wait3A_39 = tpu.memref_slice %arg3[%arg0, %mul3A_34, %dma_wait3A] : memref<2x100096x16xf32, #tpu.memory_space<hbm>> -> memref<1x128x16xf32, #tpu.memory_space<hbm>>
          %dma_wait3A_40 = tpu.memref_squeeze %dma_wait3A_39 : memref<1x128x16xf32, #tpu.memory_space<hbm>> -> memref<128x16xf32, #tpu.memory_space<hbm>>
          %dma_wait3A_41 = arith.constant 0 : i32
          %dma_wait3A_42 = tpu.memref_slice %arg7[%mul3A_32, %dma_wait3A_41] : memref<100096x16xf32, #tpu.memory_space<vmem_shared>> -> memref<128x16xf32, #tpu.memory_space<vmem_shared>>
          tpu.wait_dma2 semaphore(%run_scoped3A : memref<!tpu.dma_semaphore, #tpu.memory_space<semaphore_mem>>) src(%dma_wait3A_42 : memref<128x16xf32, #tpu.memory_space<vmem_shared>>) dst(%dma_wait3A_40 : memref<128x16xf32, #tpu.memory_space<hbm>>)
          tpu.yield
        }) : () -> ()
      } else {
      }
    }
    %scan3A_24 = arith.constant 49 : i32
    return
  }
}

#map = affine_map<(d0, d1) -> (0, 0)>
#map1 = affine_map<(d0, d1) -> (0)>
module attributes {stable_mosaic.version = 14 : i64} {
  func.func @gather_k(%arg0: i32, %arg1: i32, %arg2: memref<100000x16xf32, #tpu.memory_space<hbm>>, %arg3: memref<100000x16xf32, #tpu.memory_space<hbm>>, %arg4: memref<1600000xi32, #tpu.memory_space<hbm>>, %arg5: memref<1600000xi32, #tpu.memory_space<hbm>>, %arg6: memref<1600000x16xf32, #tpu.memory_space<hbm>>, %arg7: memref<1600000x16xf32, #tpu.memory_space<hbm>>, %arg8: memref<128xi32, #tpu.memory_space<vmem>>, %arg9: memref<128xi32, #tpu.memory_space<vmem>>, %arg10: memref<128x16xf32, #tpu.memory_space<vmem>>, %arg11: memref<128x16xf32, #tpu.memory_space<vmem>>, %arg12: memref<!tpu.dma_semaphore, #tpu.memory_space<semaphore_mem>>, %arg13: memref<!tpu.dma_semaphore, #tpu.memory_space<semaphore_mem>>) attributes {dimension_semantics = [#tpu.dimension_semantics<core_parallel>, #tpu.dimension_semantics<subcore_parallel>], iteration_bounds = array<i64: 2, 16>, scalar_prefetch = 0 : i64, scratch_operands = 6 : i64, tpu.core_type = #tpu.core_type<sc_vector_subcore>, window_params = [{transform_indices = #map}, {transform_indices = #map}, {transform_indices = #map1}, {transform_indices = #map1}, {transform_indices = #map}, {transform_indices = #map}]} {
    %mul3A = arith.constant 2 : i32
    %mul3A_0 = arith.muli %arg1, %mul3A : i32
    %add3A = arith.addi %mul3A_0, %arg0 : i32
    %scan3A = arith.constant 0 : i32
    %scan3A_1 = arith.constant 0 : i32
    %scan3A_2 = arith.constant 391 : i32
    %scan3A_3 = arith.addi %scan3A_1, %scan3A_2 : i32
    %scan3A_4 = arith.constant 1 : i32
    scf.for %scan3A_6 = %scan3A_1 to %scan3A_3 step %scan3A_4  : i32 {
      %mul3A_7 = arith.constant 32 : i32
      %mul3A_8 = arith.muli %scan3A_6, %mul3A_7 : i32
      %add3A_9 = arith.addi %add3A, %mul3A_8 : i32
      %lt3A = arith.constant 12500 : i32
      %lt3A_10 = arith.cmpi slt, %add3A_9, %lt3A : i32
      %convert_element_type3A = arith.extui %lt3A_10 : i1 to i32
      %cond3A = arith.constant 0 : i32
      %cond3A_11 = arith.cmpi ne, %convert_element_type3A, %cond3A : i32
      scf.if %cond3A_11 {
        %mul3A_12 = arith.constant 128 : i32
        %mul3A_13 = arith.muli %add3A_9, %mul3A_12 : i32
        "tpu.region"() ({
          %run_scoped3A = tpu.sem_alloc : memref<!tpu.dma_semaphore, #tpu.memory_space<semaphore_mem>>
          %dma_start3A_24 = tpu.memref_slice %arg4[%mul3A_13] : memref<1600000xi32, #tpu.memory_space<hbm>> -> memref<128xi32, #tpu.memory_space<hbm>>
          %dma_start3A_25 = tpu.memref_slice %arg4[%mul3A_13] : memref<1600000xi32, #tpu.memory_space<hbm>> -> memref<128xi32, #tpu.memory_space<hbm>>
          tpu.enqueue_dma source(%dma_start3A_25 : memref<128xi32, #tpu.memory_space<hbm>>) target(%arg8 : memref<128xi32, #tpu.memory_space<vmem>>) target_semaphore(%run_scoped3A : memref<!tpu.dma_semaphore, #tpu.memory_space<semaphore_mem>>)
          %dma_wait3A_26 = tpu.memref_slice %arg4[%mul3A_13] : memref<1600000xi32, #tpu.memory_space<hbm>> -> memref<128xi32, #tpu.memory_space<hbm>>
          %dma_wait3A_27 = tpu.memref_slice %arg4[%mul3A_13] : memref<1600000xi32, #tpu.memory_space<hbm>> -> memref<128xi32, #tpu.memory_space<hbm>>
          tpu.wait_dma2 semaphore(%run_scoped3A : memref<!tpu.dma_semaphore, #tpu.memory_space<semaphore_mem>>) src(%dma_wait3A_27 : memref<128xi32, #tpu.memory_space<hbm>>) dst(%arg8 : memref<128xi32, #tpu.memory_space<vmem>>)
          tpu.yield
        }) : () -> ()
        "tpu.region"() ({
          %run_scoped3A = tpu.sem_alloc : memref<!tpu.dma_semaphore, #tpu.memory_space<semaphore_mem>>
          %dma_start3A_24 = tpu.memref_slice %arg5[%mul3A_13] : memref<1600000xi32, #tpu.memory_space<hbm>> -> memref<128xi32, #tpu.memory_space<hbm>>
          %dma_start3A_25 = tpu.memref_slice %arg5[%mul3A_13] : memref<1600000xi32, #tpu.memory_space<hbm>> -> memref<128xi32, #tpu.memory_space<hbm>>
          tpu.enqueue_dma source(%dma_start3A_25 : memref<128xi32, #tpu.memory_space<hbm>>) target(%arg9 : memref<128xi32, #tpu.memory_space<vmem>>) target_semaphore(%run_scoped3A : memref<!tpu.dma_semaphore, #tpu.memory_space<semaphore_mem>>)
          %dma_wait3A_26 = tpu.memref_slice %arg5[%mul3A_13] : memref<1600000xi32, #tpu.memory_space<hbm>> -> memref<128xi32, #tpu.memory_space<hbm>>
          %dma_wait3A_27 = tpu.memref_slice %arg5[%mul3A_13] : memref<1600000xi32, #tpu.memory_space<hbm>> -> memref<128xi32, #tpu.memory_space<hbm>>
          tpu.wait_dma2 semaphore(%run_scoped3A : memref<!tpu.dma_semaphore, #tpu.memory_space<semaphore_mem>>) src(%dma_wait3A_27 : memref<128xi32, #tpu.memory_space<hbm>>) dst(%arg9 : memref<128xi32, #tpu.memory_space<vmem>>)
          tpu.yield
        }) : () -> ()
        %dma_start3A = arith.constant 0 : i32
        %dma_start3A_14 = arith.constant 0 : i32
        %dma_start3A_15 = tpu.memref_slice %arg2[%dma_start3A, %dma_start3A_14] : memref<100000x16xf32, #tpu.memory_space<hbm>> -> memref<100000x16xf32, #tpu.memory_space<hbm>>
        tpu.enqueue_indirect_dma source(%dma_start3A_15 : memref<100000x16xf32, #tpu.memory_space<hbm>>) target(%arg10 : memref<128x16xf32, #tpu.memory_space<vmem>>) offsets(%arg8 : memref<128xi32, #tpu.memory_space<vmem>>) semaphore(%arg12 : memref<!tpu.dma_semaphore, #tpu.memory_space<semaphore_mem>>)
        %dma_start3A_16 = arith.constant 0 : i32
        %dma_start3A_17 = arith.constant 0 : i32
        %dma_start3A_18 = tpu.memref_slice %arg3[%dma_start3A_16, %dma_start3A_17] : memref<100000x16xf32, #tpu.memory_space<hbm>> -> memref<100000x16xf32, #tpu.memory_space<hbm>>
        tpu.enqueue_indirect_dma source(%dma_start3A_18 : memref<100000x16xf32, #tpu.memory_space<hbm>>) target(%arg11 : memref<128x16xf32, #tpu.memory_space<vmem>>) offsets(%arg9 : memref<128xi32, #tpu.memory_space<vmem>>) semaphore(%arg13 : memref<!tpu.dma_semaphore, #tpu.memory_space<semaphore_mem>>)
        %dma_wait3A = arith.constant 0 : i32
        %dma_wait3A_19 = arith.constant 0 : i32
        %dma_wait3A_20 = tpu.memref_slice %arg2[%dma_wait3A, %dma_wait3A_19] : memref<100000x16xf32, #tpu.memory_space<hbm>> -> memref<100000x16xf32, #tpu.memory_space<hbm>>
        tpu.wait_indirect_dma semaphore(%arg12 : memref<!tpu.dma_semaphore, #tpu.memory_space<semaphore_mem>>) src(%dma_wait3A_20 : memref<100000x16xf32, #tpu.memory_space<hbm>>) dst(%arg10 : memref<128x16xf32, #tpu.memory_space<vmem>>)
        %dma_wait3A_21 = arith.constant 0 : i32
        %dma_wait3A_22 = arith.constant 0 : i32
        %dma_wait3A_23 = tpu.memref_slice %arg3[%dma_wait3A_21, %dma_wait3A_22] : memref<100000x16xf32, #tpu.memory_space<hbm>> -> memref<100000x16xf32, #tpu.memory_space<hbm>>
        tpu.wait_indirect_dma semaphore(%arg13 : memref<!tpu.dma_semaphore, #tpu.memory_space<semaphore_mem>>) src(%dma_wait3A_23 : memref<100000x16xf32, #tpu.memory_space<hbm>>) dst(%arg11 : memref<128x16xf32, #tpu.memory_space<vmem>>)
        "tpu.region"() ({
          %run_scoped3A = tpu.sem_alloc : memref<!tpu.dma_semaphore, #tpu.memory_space<semaphore_mem>>
          %dma_start3A_24 = arith.constant 0 : i32
          %dma_start3A_25 = tpu.memref_slice %arg6[%mul3A_13, %dma_start3A_24] : memref<1600000x16xf32, #tpu.memory_space<hbm>> -> memref<128x16xf32, #tpu.memory_space<hbm>>
          %dma_start3A_26 = arith.constant 0 : i32
          %dma_start3A_27 = tpu.memref_slice %arg6[%mul3A_13, %dma_start3A_26] : memref<1600000x16xf32, #tpu.memory_space<hbm>> -> memref<128x16xf32, #tpu.memory_space<hbm>>
          tpu.enqueue_dma source(%arg10 : memref<128x16xf32, #tpu.memory_space<vmem>>) target(%dma_start3A_27 : memref<128x16xf32, #tpu.memory_space<hbm>>) target_semaphore(%run_scoped3A : memref<!tpu.dma_semaphore, #tpu.memory_space<semaphore_mem>>)
          %dma_wait3A_28 = arith.constant 0 : i32
          %dma_wait3A_29 = tpu.memref_slice %arg6[%mul3A_13, %dma_wait3A_28] : memref<1600000x16xf32, #tpu.memory_space<hbm>> -> memref<128x16xf32, #tpu.memory_space<hbm>>
          %dma_wait3A_30 = arith.constant 0 : i32
          %dma_wait3A_31 = tpu.memref_slice %arg6[%mul3A_13, %dma_wait3A_30] : memref<1600000x16xf32, #tpu.memory_space<hbm>> -> memref<128x16xf32, #tpu.memory_space<hbm>>
          tpu.wait_dma2 semaphore(%run_scoped3A : memref<!tpu.dma_semaphore, #tpu.memory_space<semaphore_mem>>) src(%arg10 : memref<128x16xf32, #tpu.memory_space<vmem>>) dst(%dma_wait3A_31 : memref<128x16xf32, #tpu.memory_space<hbm>>)
          tpu.yield
        }) : () -> ()
        "tpu.region"() ({
          %run_scoped3A = tpu.sem_alloc : memref<!tpu.dma_semaphore, #tpu.memory_space<semaphore_mem>>
          %dma_start3A_24 = arith.constant 0 : i32
          %dma_start3A_25 = tpu.memref_slice %arg7[%mul3A_13, %dma_start3A_24] : memref<1600000x16xf32, #tpu.memory_space<hbm>> -> memref<128x16xf32, #tpu.memory_space<hbm>>
          %dma_start3A_26 = arith.constant 0 : i32
          %dma_start3A_27 = tpu.memref_slice %arg7[%mul3A_13, %dma_start3A_26] : memref<1600000x16xf32, #tpu.memory_space<hbm>> -> memref<128x16xf32, #tpu.memory_space<hbm>>
          tpu.enqueue_dma source(%arg11 : memref<128x16xf32, #tpu.memory_space<vmem>>) target(%dma_start3A_27 : memref<128x16xf32, #tpu.memory_space<hbm>>) target_semaphore(%run_scoped3A : memref<!tpu.dma_semaphore, #tpu.memory_space<semaphore_mem>>)
          %dma_wait3A_28 = arith.constant 0 : i32
          %dma_wait3A_29 = tpu.memref_slice %arg7[%mul3A_13, %dma_wait3A_28] : memref<1600000x16xf32, #tpu.memory_space<hbm>> -> memref<128x16xf32, #tpu.memory_space<hbm>>
          %dma_wait3A_30 = arith.constant 0 : i32
          %dma_wait3A_31 = tpu.memref_slice %arg7[%mul3A_13, %dma_wait3A_30] : memref<1600000x16xf32, #tpu.memory_space<hbm>> -> memref<128x16xf32, #tpu.memory_space<hbm>>
          tpu.wait_dma2 semaphore(%run_scoped3A : memref<!tpu.dma_semaphore, #tpu.memory_space<semaphore_mem>>) src(%arg11 : memref<128x16xf32, #tpu.memory_space<vmem>>) dst(%dma_wait3A_31 : memref<128x16xf32, #tpu.memory_space<hbm>>)
          tpu.yield
        }) : () -> ()
      } else {
      }
    }
    %scan3A_5 = arith.constant 391 : i32
    return
  }
}

#map = affine_map<(d0, d1) -> (0, 0)>
#map1 = affine_map<(d0, d1) -> (0)>
#map2 = affine_map<(d0, d1) -> (0, 0, 0)>
module attributes {stable_mosaic.version = 14 : i64} {
  func.func @body_fn(%arg0: i32, %arg1: i32, %arg2: memref<1600000x16xf32, #tpu.memory_space<hbm>>, %arg3: memref<1600000xi32, #tpu.memory_space<hbm>>, %arg4: memref<2x100096x16xf32, #tpu.memory_space<hbm>>, %arg5: memref<128xi32, #tpu.memory_space<vmem>>, %arg6: memref<128x16xf32, #tpu.memory_space<vmem>>, %arg7: memref<128x16xf32, #tpu.memory_space<vmem>>, %arg8: memref<100096x16xf32, #tpu.memory_space<vmem_shared>>) attributes {dimension_semantics = [#tpu.dimension_semantics<core_parallel>, #tpu.dimension_semantics<subcore_parallel>], iteration_bounds = array<i64: 2, 16>, scalar_prefetch = 0 : i64, scratch_operands = 4 : i64, tpu.core_type = #tpu.core_type<sc_vector_subcore>, window_params = [{transform_indices = #map}, {transform_indices = #map1}, {transform_indices = #map2}]} {
    %mul3A = arith.constant 2 : i32
    %mul3A_0 = arith.muli %arg1, %mul3A : i32
    %add3A = arith.addi %mul3A_0, %arg0 : i32
    %scan3A = arith.constant 0 : i32
    %scan3A_1 = arith.constant 0 : i32
    %scan3A_2 = arith.constant 128 : i32
    %scan3A_3 = arith.addi %scan3A_1, %scan3A_2 : i32
    %scan3A_4 = arith.constant 1 : i32
    scf.for %scan3A_25 = %scan3A_1 to %scan3A_3 step %scan3A_4  : i32 {
      %broadcast_in_dim3A = arith.constant 0.000000e+00 : f32
      %broadcast_in_dim3A_26 = vector.broadcast %broadcast_in_dim3A : f32 to vector<16xf32>
      %swap3A = arith.index_cast %scan3A_25 : i32 to index
      %swap3A_27 = arith.constant 0 : index
      %swap3A_28 = tpu.vector_load %arg7[%swap3A, %swap3A_27] {strides = array<i32>} : memref<128x16xf32, #tpu.memory_space<vmem>>, vector<1x16xf32>,
      %swap3A_29 = vector.shape_cast %swap3A_28 : vector<1x16xf32> to vector<16xf32>
      %swap3A_30 = vector.shape_cast %broadcast_in_dim3A_26 : vector<16xf32> to vector<1x16xf32>
      tpu.vector_store %arg7[%swap3A, %swap3A_27], %swap3A_30 {strides = array<i32>} : memref<128x16xf32, #tpu.memory_space<vmem>>, vector<1x16xf32>,
    }
    %scan3A_5 = arith.constant 128 : i32
    %scan3A_6 = arith.constant 0 : i32
    %scan3A_7 = arith.constant 0 : i32
    %scan3A_8 = arith.constant 49 : i32
    %scan3A_9 = arith.addi %scan3A_7, %scan3A_8 : i32
    %scan3A_10 = arith.constant 1 : i32
    scf.for %scan3A_25 = %scan3A_7 to %scan3A_9 step %scan3A_10  : i32 {
      %mul3A_26 = arith.constant 16 : i32
      %mul3A_27 = arith.muli %scan3A_25, %mul3A_26 : i32
      %add3A_28 = arith.addi %arg1, %mul3A_27 : i32
      %lt3A = arith.constant 782 : i32
      %lt3A_29 = arith.cmpi slt, %add3A_28, %lt3A : i32
      %convert_element_type3A = arith.extui %lt3A_29 : i1 to i32
      %cond3A = arith.constant 0 : i32
      %cond3A_30 = arith.cmpi ne, %convert_element_type3A, %cond3A : i32
      scf.if %cond3A_30 {
        %mul3A_31 = arith.constant 128 : i32
        %mul3A_32 = arith.muli %add3A_28, %mul3A_31 : i32
        "tpu.region"() ({
          %run_scoped3A = tpu.sem_alloc : memref<!tpu.dma_semaphore, #tpu.memory_space<semaphore_mem>>
          %dma_start3A = arith.constant 0 : i32
          %dma_start3A_33 = tpu.memref_slice %arg8[%mul3A_32, %dma_start3A] : memref<100096x16xf32, #tpu.memory_space<vmem_shared>> -> memref<128x16xf32, #tpu.memory_space<vmem_shared>>
          %dma_start3A_34 = arith.constant 0 : i32
          %dma_start3A_35 = tpu.memref_slice %arg8[%mul3A_32, %dma_start3A_34] : memref<100096x16xf32, #tpu.memory_space<vmem_shared>> -> memref<128x16xf32, #tpu.memory_space<vmem_shared>>
          tpu.enqueue_dma source(%arg7 : memref<128x16xf32, #tpu.memory_space<vmem>>) target(%dma_start3A_35 : memref<128x16xf32, #tpu.memory_space<vmem_shared>>) target_semaphore(%run_scoped3A : memref<!tpu.dma_semaphore, #tpu.memory_space<semaphore_mem>>)
          %dma_wait3A = arith.constant 0 : i32
          %dma_wait3A_36 = tpu.memref_slice %arg8[%mul3A_32, %dma_wait3A] : memref<100096x16xf32, #tpu.memory_space<vmem_shared>> -> memref<128x16xf32, #tpu.memory_space<vmem_shared>>
          %dma_wait3A_37 = arith.constant 0 : i32
          %dma_wait3A_38 = tpu.memref_slice %arg8[%mul3A_32, %dma_wait3A_37] : memref<100096x16xf32, #tpu.memory_space<vmem_shared>> -> memref<128x16xf32, #tpu.memory_space<vmem_shared>>
          tpu.wait_dma2 semaphore(%run_scoped3A : memref<!tpu.dma_semaphore, #tpu.memory_space<semaphore_mem>>) src(%arg7 : memref<128x16xf32, #tpu.memory_space<vmem>>) dst(%dma_wait3A_38 : memref<128x16xf32, #tpu.memory_space<vmem_shared>>)
          tpu.yield
        }) : () -> ()
      } else {
      }
    }
    %scan3A_11 = arith.constant 49 : i32
    %barrier3A = arith.constant 0 : index
    tpu.barrier barrier_id(%barrier3A)
    %scan3A_12 = arith.constant 0 : i32
    %scan3A_13 = arith.constant 0 : i32
    %scan3A_14 = arith.constant 391 : i32
    %scan3A_15 = arith.addi %scan3A_13, %scan3A_14 : i32
    %scan3A_16 = arith.constant 1 : i32
    scf.for %scan3A_25 = %scan3A_13 to %scan3A_15 step %scan3A_16  : i32 {
      %mul3A_26 = arith.constant 32 : i32
      %mul3A_27 = arith.muli %scan3A_25, %mul3A_26 : i32
      %add3A_28 = arith.addi %add3A, %mul3A_27 : i32
      %lt3A = arith.constant 12500 : i32
      %lt3A_29 = arith.cmpi slt, %add3A_28, %lt3A : i32
      %convert_element_type3A = arith.extui %lt3A_29 : i1 to i32
      %cond3A = arith.constant 0 : i32
      %cond3A_30 = arith.cmpi ne, %convert_element_type3A, %cond3A : i32
      scf.if %cond3A_30 {
        %mul3A_31 = arith.constant 128 : i32
        %mul3A_32 = arith.muli %add3A_28, %mul3A_31 : i32
        "tpu.region"() ({
          %run_scoped3A = tpu.sem_alloc : memref<!tpu.dma_semaphore, #tpu.memory_space<semaphore_mem>>
          %dma_start3A = tpu.memref_slice %arg3[%mul3A_32] : memref<1600000xi32, #tpu.memory_space<hbm>> -> memref<128xi32, #tpu.memory_space<hbm>>
          %dma_start3A_33 = tpu.memref_slice %arg3[%mul3A_32] : memref<1600000xi32, #tpu.memory_space<hbm>> -> memref<128xi32, #tpu.memory_space<hbm>>
          tpu.enqueue_dma source(%dma_start3A_33 : memref<128xi32, #tpu.memory_space<hbm>>) target(%arg5 : memref<128xi32, #tpu.memory_space<vmem>>) target_semaphore(%run_scoped3A : memref<!tpu.dma_semaphore, #tpu.memory_space<semaphore_mem>>)
          %dma_wait3A = tpu.memref_slice %arg3[%mul3A_32] : memref<1600000xi32, #tpu.memory_space<hbm>> -> memref<128xi32, #tpu.memory_space<hbm>>
          %dma_wait3A_34 = tpu.memref_slice %arg3[%mul3A_32] : memref<1600000xi32, #tpu.memory_space<hbm>> -> memref<128xi32, #tpu.memory_space<hbm>>
          tpu.wait_dma2 semaphore(%run_scoped3A : memref<!tpu.dma_semaphore, #tpu.memory_space<semaphore_mem>>) src(%dma_wait3A_34 : memref<128xi32, #tpu.memory_space<hbm>>) dst(%arg5 : memref<128xi32, #tpu.memory_space<vmem>>)
          tpu.yield
        }) : () -> ()
        "tpu.region"() ({
          %run_scoped3A = tpu.sem_alloc : memref<!tpu.dma_semaphore, #tpu.memory_space<semaphore_mem>>
          %dma_start3A = arith.constant 0 : i32
          %dma_start3A_33 = tpu.memref_slice %arg2[%mul3A_32, %dma_start3A] : memref<1600000x16xf32, #tpu.memory_space<hbm>> -> memref<128x16xf32, #tpu.memory_space<hbm>>
          %dma_start3A_34 = arith.constant 0 : i32
          %dma_start3A_35 = tpu.memref_slice %arg2[%mul3A_32, %dma_start3A_34] : memref<1600000x16xf32, #tpu.memory_space<hbm>> -> memref<128x16xf32, #tpu.memory_space<hbm>>
          tpu.enqueue_dma source(%dma_start3A_35 : memref<128x16xf32, #tpu.memory_space<hbm>>) target(%arg6 : memref<128x16xf32, #tpu.memory_space<vmem>>) target_semaphore(%run_scoped3A : memref<!tpu.dma_semaphore, #tpu.memory_space<semaphore_mem>>)
          %dma_wait3A = arith.constant 0 : i32
          %dma_wait3A_36 = tpu.memref_slice %arg2[%mul3A_32, %dma_wait3A] : memref<1600000x16xf32, #tpu.memory_space<hbm>> -> memref<128x16xf32, #tpu.memory_space<hbm>>
          %dma_wait3A_37 = arith.constant 0 : i32
          %dma_wait3A_38 = tpu.memref_slice %arg2[%mul3A_32, %dma_wait3A_37] : memref<1600000x16xf32, #tpu.memory_space<hbm>> -> memref<128x16xf32, #tpu.memory_space<hbm>>
          tpu.wait_dma2 semaphore(%run_scoped3A : memref<!tpu.dma_semaphore, #tpu.memory_space<semaphore_mem>>) src(%dma_wait3A_38 : memref<128x16xf32, #tpu.memory_space<hbm>>) dst(%arg6 : memref<128x16xf32, #tpu.memory_space<vmem>>)
          tpu.yield
        }) : () -> ()
        "tpu.region"() ({
          %run_scoped3A = tpu.sem_alloc : memref<!tpu.dma_semaphore, #tpu.memory_space<semaphore_mem>>
          %dma_start3A = arith.constant 0 : i32
          %dma_start3A_33 = arith.constant 0 : i32
          %dma_start3A_34 = tpu.memref_slice %arg8[%dma_start3A, %dma_start3A_33] : memref<100096x16xf32, #tpu.memory_space<vmem_shared>> -> memref<100096x16xf32, #tpu.memory_space<vmem_shared>>
          tpu.enqueue_indirect_dma source(%arg6 : memref<128x16xf32, #tpu.memory_space<vmem>>) target(%dma_start3A_34 : memref<100096x16xf32, #tpu.memory_space<vmem_shared>>) offsets(%arg5 : memref<128xi32, #tpu.memory_space<vmem>>) semaphore(%run_scoped3A : memref<!tpu.dma_semaphore, #tpu.memory_space<semaphore_mem>>) {add = true}
          %dma_wait3A = arith.constant 0 : i32
          %dma_wait3A_35 = arith.constant 0 : i32
          %dma_wait3A_36 = tpu.memref_slice %arg8[%dma_wait3A, %dma_wait3A_35] : memref<100096x16xf32, #tpu.memory_space<vmem_shared>> -> memref<100096x16xf32, #tpu.memory_space<vmem_shared>>
          tpu.wait_indirect_dma semaphore(%run_scoped3A : memref<!tpu.dma_semaphore, #tpu.memory_space<semaphore_mem>>) src(%arg6 : memref<128x16xf32, #tpu.memory_space<vmem>>) dst(%dma_wait3A_36 : memref<100096x16xf32, #tpu.memory_space<vmem_shared>>)
          tpu.yield
        }) : () -> ()
      } else {
      }
    }
    %scan3A_17 = arith.constant 391 : i32
    %barrier3A_18 = arith.constant 0 : index
    tpu.barrier barrier_id(%barrier3A_18)
    %scan3A_19 = arith.constant 0 : i32
    %scan3A_20 = arith.constant 0 : i32
    %scan3A_21 = arith.constant 49 : i32
    %scan3A_22 = arith.addi %scan3A_20, %scan3A_21 : i32
    %scan3A_23 = arith.constant 1 : i32
    scf.for %scan3A_25 = %scan3A_20 to %scan3A_22 step %scan3A_23  : i32 {
      %mul3A_26 = arith.constant 16 : i32
      %mul3A_27 = arith.muli %scan3A_25, %mul3A_26 : i32
      %add3A_28 = arith.addi %arg1, %mul3A_27 : i32
      %lt3A = arith.constant 782 : i32
      %lt3A_29 = arith.cmpi slt, %add3A_28, %lt3A : i32
      %convert_element_type3A = arith.extui %lt3A_29 : i1 to i32
      %cond3A = arith.constant 0 : i32
      %cond3A_30 = arith.cmpi ne, %convert_element_type3A, %cond3A : i32
      scf.if %cond3A_30 {
        %mul3A_31 = arith.constant 128 : i32
        %mul3A_32 = arith.muli %add3A_28, %mul3A_31 : i32
        %mul3A_33 = arith.constant 128 : i32
        %mul3A_34 = arith.muli %add3A_28, %mul3A_33 : i32
        "tpu.region"() ({
          %run_scoped3A = tpu.sem_alloc : memref<!tpu.dma_semaphore, #tpu.memory_space<semaphore_mem>>
          %dma_start3A = arith.constant 0 : i32
          %dma_start3A_35 = tpu.memref_slice %arg4[%arg0, %mul3A_34, %dma_start3A] : memref<2x100096x16xf32, #tpu.memory_space<hbm>> -> memref<1x128x16xf32, #tpu.memory_space<hbm>>
          %dma_start3A_36 = tpu.memref_squeeze %dma_start3A_35 : memref<1x128x16xf32, #tpu.memory_space<hbm>> -> memref<128x16xf32, #tpu.memory_space<hbm>>
          %dma_start3A_37 = arith.constant 0 : i32
          %dma_start3A_38 = tpu.memref_slice %arg8[%mul3A_32, %dma_start3A_37] : memref<100096x16xf32, #tpu.memory_space<vmem_shared>> -> memref<128x16xf32, #tpu.memory_space<vmem_shared>>
          tpu.enqueue_dma source(%dma_start3A_38 : memref<128x16xf32, #tpu.memory_space<vmem_shared>>) target(%dma_start3A_36 : memref<128x16xf32, #tpu.memory_space<hbm>>) target_semaphore(%run_scoped3A : memref<!tpu.dma_semaphore, #tpu.memory_space<semaphore_mem>>)
          %dma_wait3A = arith.constant 0 : i32
          %dma_wait3A_39 = tpu.memref_slice %arg4[%arg0, %mul3A_34, %dma_wait3A] : memref<2x100096x16xf32, #tpu.memory_space<hbm>> -> memref<1x128x16xf32, #tpu.memory_space<hbm>>
          %dma_wait3A_40 = tpu.memref_squeeze %dma_wait3A_39 : memref<1x128x16xf32, #tpu.memory_space<hbm>> -> memref<128x16xf32, #tpu.memory_space<hbm>>
          %dma_wait3A_41 = arith.constant 0 : i32
          %dma_wait3A_42 = tpu.memref_slice %arg8[%mul3A_32, %dma_wait3A_41] : memref<100096x16xf32, #tpu.memory_space<vmem_shared>> -> memref<128x16xf32, #tpu.memory_space<vmem_shared>>
          tpu.wait_dma2 semaphore(%run_scoped3A : memref<!tpu.dma_semaphore, #tpu.memory_space<semaphore_mem>>) src(%dma_wait3A_42 : memref<128x16xf32, #tpu.memory_space<vmem_shared>>) dst(%dma_wait3A_40 : memref<128x16xf32, #tpu.memory_space<hbm>>)
          tpu.yield
        }) : () -> ()
      } else {
      }
    }
    %scan3A_24 = arith.constant 49 : i32
    return
  }
}

#map = affine_map<(d0, d1) -> (0, 0)>
#map1 = affine_map<(d0, d1) -> (0)>
module attributes {stable_mosaic.version = 14 : i64} {
  func.func @gather_k(%arg0: i32, %arg1: i32, %arg2: memref<100000x64xf32, #tpu.memory_space<hbm>>, %arg3: memref<100000x64xf32, #tpu.memory_space<hbm>>, %arg4: memref<1600000xi32, #tpu.memory_space<hbm>>, %arg5: memref<1600000xi32, #tpu.memory_space<hbm>>, %arg6: memref<1600000x64xf32, #tpu.memory_space<hbm>>, %arg7: memref<1600000x64xf32, #tpu.memory_space<hbm>>, %arg8: memref<128xi32, #tpu.memory_space<vmem>>, %arg9: memref<128xi32, #tpu.memory_space<vmem>>, %arg10: memref<128x64xf32, #tpu.memory_space<vmem>>, %arg11: memref<128x64xf32, #tpu.memory_space<vmem>>, %arg12: memref<!tpu.dma_semaphore, #tpu.memory_space<semaphore_mem>>, %arg13: memref<!tpu.dma_semaphore, #tpu.memory_space<semaphore_mem>>) attributes {dimension_semantics = [#tpu.dimension_semantics<core_parallel>, #tpu.dimension_semantics<subcore_parallel>], iteration_bounds = array<i64: 2, 16>, scalar_prefetch = 0 : i64, scratch_operands = 6 : i64, tpu.core_type = #tpu.core_type<sc_vector_subcore>, window_params = [{transform_indices = #map}, {transform_indices = #map}, {transform_indices = #map1}, {transform_indices = #map1}, {transform_indices = #map}, {transform_indices = #map}]} {
    %mul3A = arith.constant 2 : i32
    %mul3A_0 = arith.muli %arg1, %mul3A : i32
    %add3A = arith.addi %mul3A_0, %arg0 : i32
    %scan3A = arith.constant 0 : i32
    %scan3A_1 = arith.constant 0 : i32
    %scan3A_2 = arith.constant 391 : i32
    %scan3A_3 = arith.addi %scan3A_1, %scan3A_2 : i32
    %scan3A_4 = arith.constant 1 : i32
    scf.for %scan3A_6 = %scan3A_1 to %scan3A_3 step %scan3A_4  : i32 {
      %mul3A_7 = arith.constant 32 : i32
      %mul3A_8 = arith.muli %scan3A_6, %mul3A_7 : i32
      %add3A_9 = arith.addi %add3A, %mul3A_8 : i32
      %lt3A = arith.constant 12500 : i32
      %lt3A_10 = arith.cmpi slt, %add3A_9, %lt3A : i32
      %convert_element_type3A = arith.extui %lt3A_10 : i1 to i32
      %cond3A = arith.constant 0 : i32
      %cond3A_11 = arith.cmpi ne, %convert_element_type3A, %cond3A : i32
      scf.if %cond3A_11 {
        %mul3A_12 = arith.constant 128 : i32
        %mul3A_13 = arith.muli %add3A_9, %mul3A_12 : i32
        "tpu.region"() ({
          %run_scoped3A = tpu.sem_alloc : memref<!tpu.dma_semaphore, #tpu.memory_space<semaphore_mem>>
          %dma_start3A_24 = tpu.memref_slice %arg4[%mul3A_13] : memref<1600000xi32, #tpu.memory_space<hbm>> -> memref<128xi32, #tpu.memory_space<hbm>>
          %dma_start3A_25 = tpu.memref_slice %arg4[%mul3A_13] : memref<1600000xi32, #tpu.memory_space<hbm>> -> memref<128xi32, #tpu.memory_space<hbm>>
          tpu.enqueue_dma source(%dma_start3A_25 : memref<128xi32, #tpu.memory_space<hbm>>) target(%arg8 : memref<128xi32, #tpu.memory_space<vmem>>) target_semaphore(%run_scoped3A : memref<!tpu.dma_semaphore, #tpu.memory_space<semaphore_mem>>)
          %dma_wait3A_26 = tpu.memref_slice %arg4[%mul3A_13] : memref<1600000xi32, #tpu.memory_space<hbm>> -> memref<128xi32, #tpu.memory_space<hbm>>
          %dma_wait3A_27 = tpu.memref_slice %arg4[%mul3A_13] : memref<1600000xi32, #tpu.memory_space<hbm>> -> memref<128xi32, #tpu.memory_space<hbm>>
          tpu.wait_dma2 semaphore(%run_scoped3A : memref<!tpu.dma_semaphore, #tpu.memory_space<semaphore_mem>>) src(%dma_wait3A_27 : memref<128xi32, #tpu.memory_space<hbm>>) dst(%arg8 : memref<128xi32, #tpu.memory_space<vmem>>)
          tpu.yield
        }) : () -> ()
        "tpu.region"() ({
          %run_scoped3A = tpu.sem_alloc : memref<!tpu.dma_semaphore, #tpu.memory_space<semaphore_mem>>
          %dma_start3A_24 = tpu.memref_slice %arg5[%mul3A_13] : memref<1600000xi32, #tpu.memory_space<hbm>> -> memref<128xi32, #tpu.memory_space<hbm>>
          %dma_start3A_25 = tpu.memref_slice %arg5[%mul3A_13] : memref<1600000xi32, #tpu.memory_space<hbm>> -> memref<128xi32, #tpu.memory_space<hbm>>
          tpu.enqueue_dma source(%dma_start3A_25 : memref<128xi32, #tpu.memory_space<hbm>>) target(%arg9 : memref<128xi32, #tpu.memory_space<vmem>>) target_semaphore(%run_scoped3A : memref<!tpu.dma_semaphore, #tpu.memory_space<semaphore_mem>>)
          %dma_wait3A_26 = tpu.memref_slice %arg5[%mul3A_13] : memref<1600000xi32, #tpu.memory_space<hbm>> -> memref<128xi32, #tpu.memory_space<hbm>>
          %dma_wait3A_27 = tpu.memref_slice %arg5[%mul3A_13] : memref<1600000xi32, #tpu.memory_space<hbm>> -> memref<128xi32, #tpu.memory_space<hbm>>
          tpu.wait_dma2 semaphore(%run_scoped3A : memref<!tpu.dma_semaphore, #tpu.memory_space<semaphore_mem>>) src(%dma_wait3A_27 : memref<128xi32, #tpu.memory_space<hbm>>) dst(%arg9 : memref<128xi32, #tpu.memory_space<vmem>>)
          tpu.yield
        }) : () -> ()
        %dma_start3A = arith.constant 0 : i32
        %dma_start3A_14 = arith.constant 0 : i32
        %dma_start3A_15 = tpu.memref_slice %arg2[%dma_start3A, %dma_start3A_14] : memref<100000x64xf32, #tpu.memory_space<hbm>> -> memref<100000x64xf32, #tpu.memory_space<hbm>>
        tpu.enqueue_indirect_dma source(%dma_start3A_15 : memref<100000x64xf32, #tpu.memory_space<hbm>>) target(%arg10 : memref<128x64xf32, #tpu.memory_space<vmem>>) offsets(%arg8 : memref<128xi32, #tpu.memory_space<vmem>>) semaphore(%arg12 : memref<!tpu.dma_semaphore, #tpu.memory_space<semaphore_mem>>)
        %dma_start3A_16 = arith.constant 0 : i32
        %dma_start3A_17 = arith.constant 0 : i32
        %dma_start3A_18 = tpu.memref_slice %arg3[%dma_start3A_16, %dma_start3A_17] : memref<100000x64xf32, #tpu.memory_space<hbm>> -> memref<100000x64xf32, #tpu.memory_space<hbm>>
        tpu.enqueue_indirect_dma source(%dma_start3A_18 : memref<100000x64xf32, #tpu.memory_space<hbm>>) target(%arg11 : memref<128x64xf32, #tpu.memory_space<vmem>>) offsets(%arg9 : memref<128xi32, #tpu.memory_space<vmem>>) semaphore(%arg13 : memref<!tpu.dma_semaphore, #tpu.memory_space<semaphore_mem>>)
        %dma_wait3A = arith.constant 0 : i32
        %dma_wait3A_19 = arith.constant 0 : i32
        %dma_wait3A_20 = tpu.memref_slice %arg2[%dma_wait3A, %dma_wait3A_19] : memref<100000x64xf32, #tpu.memory_space<hbm>> -> memref<100000x64xf32, #tpu.memory_space<hbm>>
        tpu.wait_indirect_dma semaphore(%arg12 : memref<!tpu.dma_semaphore, #tpu.memory_space<semaphore_mem>>) src(%dma_wait3A_20 : memref<100000x64xf32, #tpu.memory_space<hbm>>) dst(%arg10 : memref<128x64xf32, #tpu.memory_space<vmem>>)
        %dma_wait3A_21 = arith.constant 0 : i32
        %dma_wait3A_22 = arith.constant 0 : i32
        %dma_wait3A_23 = tpu.memref_slice %arg3[%dma_wait3A_21, %dma_wait3A_22] : memref<100000x64xf32, #tpu.memory_space<hbm>> -> memref<100000x64xf32, #tpu.memory_space<hbm>>
        tpu.wait_indirect_dma semaphore(%arg13 : memref<!tpu.dma_semaphore, #tpu.memory_space<semaphore_mem>>) src(%dma_wait3A_23 : memref<100000x64xf32, #tpu.memory_space<hbm>>) dst(%arg11 : memref<128x64xf32, #tpu.memory_space<vmem>>)
        "tpu.region"() ({
          %run_scoped3A = tpu.sem_alloc : memref<!tpu.dma_semaphore, #tpu.memory_space<semaphore_mem>>
          %dma_start3A_24 = arith.constant 0 : i32
          %dma_start3A_25 = tpu.memref_slice %arg6[%mul3A_13, %dma_start3A_24] : memref<1600000x64xf32, #tpu.memory_space<hbm>> -> memref<128x64xf32, #tpu.memory_space<hbm>>
          %dma_start3A_26 = arith.constant 0 : i32
          %dma_start3A_27 = tpu.memref_slice %arg6[%mul3A_13, %dma_start3A_26] : memref<1600000x64xf32, #tpu.memory_space<hbm>> -> memref<128x64xf32, #tpu.memory_space<hbm>>
          tpu.enqueue_dma source(%arg10 : memref<128x64xf32, #tpu.memory_space<vmem>>) target(%dma_start3A_27 : memref<128x64xf32, #tpu.memory_space<hbm>>) target_semaphore(%run_scoped3A : memref<!tpu.dma_semaphore, #tpu.memory_space<semaphore_mem>>)
          %dma_wait3A_28 = arith.constant 0 : i32
          %dma_wait3A_29 = tpu.memref_slice %arg6[%mul3A_13, %dma_wait3A_28] : memref<1600000x64xf32, #tpu.memory_space<hbm>> -> memref<128x64xf32, #tpu.memory_space<hbm>>
          %dma_wait3A_30 = arith.constant 0 : i32
          %dma_wait3A_31 = tpu.memref_slice %arg6[%mul3A_13, %dma_wait3A_30] : memref<1600000x64xf32, #tpu.memory_space<hbm>> -> memref<128x64xf32, #tpu.memory_space<hbm>>
          tpu.wait_dma2 semaphore(%run_scoped3A : memref<!tpu.dma_semaphore, #tpu.memory_space<semaphore_mem>>) src(%arg10 : memref<128x64xf32, #tpu.memory_space<vmem>>) dst(%dma_wait3A_31 : memref<128x64xf32, #tpu.memory_space<hbm>>)
          tpu.yield
        }) : () -> ()
        "tpu.region"() ({
          %run_scoped3A = tpu.sem_alloc : memref<!tpu.dma_semaphore, #tpu.memory_space<semaphore_mem>>
          %dma_start3A_24 = arith.constant 0 : i32
          %dma_start3A_25 = tpu.memref_slice %arg7[%mul3A_13, %dma_start3A_24] : memref<1600000x64xf32, #tpu.memory_space<hbm>> -> memref<128x64xf32, #tpu.memory_space<hbm>>
          %dma_start3A_26 = arith.constant 0 : i32
          %dma_start3A_27 = tpu.memref_slice %arg7[%mul3A_13, %dma_start3A_26] : memref<1600000x64xf32, #tpu.memory_space<hbm>> -> memref<128x64xf32, #tpu.memory_space<hbm>>
          tpu.enqueue_dma source(%arg11 : memref<128x64xf32, #tpu.memory_space<vmem>>) target(%dma_start3A_27 : memref<128x64xf32, #tpu.memory_space<hbm>>) target_semaphore(%run_scoped3A : memref<!tpu.dma_semaphore, #tpu.memory_space<semaphore_mem>>)
          %dma_wait3A_28 = arith.constant 0 : i32
          %dma_wait3A_29 = tpu.memref_slice %arg7[%mul3A_13, %dma_wait3A_28] : memref<1600000x64xf32, #tpu.memory_space<hbm>> -> memref<128x64xf32, #tpu.memory_space<hbm>>
          %dma_wait3A_30 = arith.constant 0 : i32
          %dma_wait3A_31 = tpu.memref_slice %arg7[%mul3A_13, %dma_wait3A_30] : memref<1600000x64xf32, #tpu.memory_space<hbm>> -> memref<128x64xf32, #tpu.memory_space<hbm>>
          tpu.wait_dma2 semaphore(%run_scoped3A : memref<!tpu.dma_semaphore, #tpu.memory_space<semaphore_mem>>) src(%arg11 : memref<128x64xf32, #tpu.memory_space<vmem>>) dst(%dma_wait3A_31 : memref<128x64xf32, #tpu.memory_space<hbm>>)
          tpu.yield
        }) : () -> ()
      } else {
      }
    }
    %scan3A_5 = arith.constant 391 : i32
    return
  }
}

module attributes {stable_mosaic.version = 14 : i64} {
  func.func @_enc_node_body(%arg0: i32, %arg1: memref<5000x1xf32, #tpu.memory_space<vmem>>, %arg2: memref<5000x1xf32, #tpu.memory_space<vmem>>, %arg3: memref<2x16xf32, #tpu.memory_space<vmem>>, %arg4: memref<1x16xf32, #tpu.memory_space<vmem>>, %arg5: memref<16x16xf32, #tpu.memory_space<vmem>>, %arg6: memref<1x16xf32, #tpu.memory_space<vmem>>, %arg7: memref<16x64xf32, #tpu.memory_space<vmem>>, %arg8: memref<1x64xf32, #tpu.memory_space<vmem>>, %arg9: memref<5000x64xf32, #tpu.memory_space<vmem>>) attributes {dimension_semantics = [#tpu.dimension_semantics<arbitrary>], iteration_bounds = array<i64: 20>, scalar_prefetch = 0 : i64, scratch_operands = 0 : i64, tpu.core_type = #tpu.core_type<tc>, window_params = [{transform_indices = @transform_0, window_bounds = array<i64: 5000, 1>}, {transform_indices = @transform_1, window_bounds = array<i64: 5000, 1>}, {pipeline_mode = #tpu.pipeline_mode<synchronous>, transform_indices = @transform_2, window_bounds = array<i64: 2, 16>}, {pipeline_mode = #tpu.pipeline_mode<synchronous>, transform_indices = @transform_3, window_bounds = array<i64: 1, 16>}, {pipeline_mode = #tpu.pipeline_mode<synchronous>, transform_indices = @transform_4, window_bounds = array<i64: 16, 16>}, {pipeline_mode = #tpu.pipeline_mode<synchronous>, transform_indices = @transform_5, window_bounds = array<i64: 1, 16>}, {pipeline_mode = #tpu.pipeline_mode<synchronous>, transform_indices = @transform_6, window_bounds = array<i64: 16, 64>}, {pipeline_mode = #tpu.pipeline_mode<synchronous>, transform_indices = @transform_7, window_bounds = array<i64: 1, 64>}, {transform_indices = @transform_8, window_bounds = array<i64: 5000, 64>}]} {
    %get3A = arith.constant 0 : index
    %get3A_0 = arith.constant 0 : index
    %get3A_1 = vector.load %arg1[%get3A, %get3A_0] : memref<5000x1xf32, #tpu.memory_space<vmem>>, vector<5000x1xf32>
    %get3A_2 = arith.constant 0 : index
    %get3A_3 = arith.constant 0 : index
    %get3A_4 = vector.load %arg3[%get3A_2, %get3A_3] : memref<2x16xf32, #tpu.memory_space<vmem>>, vector<1x16xf32>
    %mul3A = vector.broadcast %get3A_1 : vector<5000x1xf32> to vector<5000x16xf32>
    %mul3A_5 = vector.broadcast %get3A_4 : vector<1x16xf32> to vector<5000x16xf32>
    %mul3A_6 = arith.mulf %mul3A, %mul3A_5 : vector<5000x16xf32>
    %get3A_7 = arith.constant 0 : index
    %get3A_8 = arith.constant 0 : index
    %get3A_9 = vector.load %arg2[%get3A_7, %get3A_8] : memref<5000x1xf32, #tpu.memory_space<vmem>>, vector<5000x1xf32>
    %get3A_10 = arith.constant 1 : index
    %get3A_11 = arith.constant 0 : index
    %get3A_12 = vector.load %arg3[%get3A_10, %get3A_11] : memref<2x16xf32, #tpu.memory_space<vmem>>, vector<1x16xf32>
    %mul3A_13 = vector.broadcast %get3A_9 : vector<5000x1xf32> to vector<5000x16xf32>
    %mul3A_14 = vector.broadcast %get3A_12 : vector<1x16xf32> to vector<5000x16xf32>
    %mul3A_15 = arith.mulf %mul3A_13, %mul3A_14 : vector<5000x16xf32>
    %add3A = arith.addf %mul3A_6, %mul3A_15 : vector<5000x16xf32>
    %get3A_16 = arith.constant 0 : index
    %get3A_17 = arith.constant 0 : index
    %get3A_18 = vector.load %arg4[%get3A_16, %get3A_17] : memref<1x16xf32, #tpu.memory_space<vmem>>, vector<1x16xf32>
    %add3A_19 = vector.broadcast %get3A_18 : vector<1x16xf32> to vector<5000x16xf32>
    %add3A_20 = arith.addf %add3A, %add3A_19 : vector<5000x16xf32>
    %max3A = arith.constant 0.000000e+00 : f32
    %max3A_21 = vector.broadcast %max3A : f32 to vector<5000x16xf32>
    %max3A_22 = arith.maximumf %add3A_20, %max3A_21 : vector<5000x16xf32>
    %get3A_23 = arith.constant 0 : index
    %get3A_24 = arith.constant 0 : index
    %get3A_25 = vector.load %arg5[%get3A_23, %get3A_24] : memref<16x16xf32, #tpu.memory_space<vmem>>, vector<16x16xf32>
    %dot_general3A = arith.constant dense<0.000000e+00> : vector<5000x16xf32>
    %dot_general3A_26 = tpu.matmul %max3A_22, %get3A_25, %dot_general3A {dimension_numbers = #tpu.dot_dimension_numbers<[1], [0], [0], [1], [0, 0, 1, 1], [], []>, transpose_lhs_hint = false} : vector<5000x16xf32>, vector<16x16xf32>, vector<5000x16xf32> -> vector<5000x16xf32>
    %get3A_27 = arith.constant 0 : index
    %get3A_28 = arith.constant 0 : index
    %get3A_29 = vector.load %arg6[%get3A_27, %get3A_28] : memref<1x16xf32, #tpu.memory_space<vmem>>, vector<1x16xf32>
    %add3A_30 = vector.broadcast %get3A_29 : vector<1x16xf32> to vector<5000x16xf32>
    %add3A_31 = arith.addf %dot_general3A_26, %add3A_30 : vector<5000x16xf32>
    %max3A_32 = arith.constant 0.000000e+00 : f32
    %max3A_33 = vector.broadcast %max3A_32 : f32 to vector<5000x16xf32>
    %max3A_34 = arith.maximumf %add3A_31, %max3A_33 : vector<5000x16xf32>
    %get3A_35 = arith.constant 0 : index
    %get3A_36 = arith.constant 0 : index
    %get3A_37 = vector.load %arg7[%get3A_35, %get3A_36] : memref<16x64xf32, #tpu.memory_space<vmem>>, vector<16x64xf32>
    %dot_general3A_38 = arith.constant dense<0.000000e+00> : vector<5000x64xf32>
    %dot_general3A_39 = tpu.matmul %max3A_34, %get3A_37, %dot_general3A_38 {dimension_numbers = #tpu.dot_dimension_numbers<[1], [0], [0], [1], [0, 0, 1, 1], [], []>, transpose_lhs_hint = false} : vector<5000x16xf32>, vector<16x64xf32>, vector<5000x64xf32> -> vector<5000x64xf32>
    %get3A_40 = arith.constant 0 : index
    %get3A_41 = arith.constant 0 : index
    %get3A_42 = vector.load %arg8[%get3A_40, %get3A_41] : memref<1x64xf32, #tpu.memory_space<vmem>>, vector<1x64xf32>
    %add3A_43 = vector.broadcast %get3A_42 : vector<1x64xf32> to vector<5000x64xf32>
    %add3A_44 = arith.addf %dot_general3A_39, %add3A_43 : vector<5000x64xf32>
    %logistic3A = arith.negf %add3A_44 : vector<5000x64xf32>
    %logistic3A_45 = math.exp %logistic3A : vector<5000x64xf32>
    %logistic3A_46 = arith.constant 1.000000e+00 : f32
    %logistic3A_47 = vector.broadcast %logistic3A_46 : f32 to vector<5000x64xf32>
    %logistic3A_48 = arith.addf %logistic3A_47, %logistic3A_45 : vector<5000x64xf32>
    %logistic3A_49 = arith.divf %logistic3A_47, %logistic3A_48 : vector<5000x64xf32>
    %swap3A = arith.constant 0 : index
    %swap3A_50 = arith.constant 0 : index
    %swap3A_51 = vector.load %arg9[%swap3A, %swap3A_50] : memref<5000x64xf32, #tpu.memory_space<vmem>>, vector<5000x64xf32>
    tpu.vector_store %arg9[%swap3A, %swap3A_50], %logistic3A_49 {strides = array<i32>} : memref<5000x64xf32, #tpu.memory_space<vmem>>, vector<5000x64xf32>,
    return
  }
  func.func @transform_0(%arg0: i32) -> (i32, i32) {
    %c0_i32 = arith.constant 0 : i32
    %c0_i32_0 = arith.constant 0 : i32
    return %arg0, %c0_i32 : i32, i32
  }
  func.func @transform_1(%arg0: i32) -> (i32, i32) {
    %c0_i32 = arith.constant 0 : i32
    %c0_i32_0 = arith.constant 0 : i32
    return %arg0, %c0_i32 : i32, i32
  }
  func.func @transform_2(%arg0: i32) -> (i32, i32) {
    %c0_i32 = arith.constant 0 : i32
    %c0_i32_0 = arith.constant 0 : i32
    %c0_i32_1 = arith.constant 0 : i32
    return %c0_i32, %c0_i32_0 : i32, i32
  }
  func.func @transform_3(%arg0: i32) -> (i32, i32) {
    %c0_i32 = arith.constant 0 : i32
    %c0_i32_0 = arith.constant 0 : i32
    %c0_i32_1 = arith.constant 0 : i32
    return %c0_i32, %c0_i32_0 : i32, i32
  }
  func.func @transform_4(%arg0: i32) -> (i32, i32) {
    %c0_i32 = arith.constant 0 : i32
    %c0_i32_0 = arith.constant 0 : i32
    %c0_i32_1 = arith.constant 0 : i32
    return %c0_i32, %c0_i32_0 : i32, i32
  }
  func.func @transform_5(%arg0: i32) -> (i32, i32) {
    %c0_i32 = arith.constant 0 : i32
    %c0_i32_0 = arith.constant 0 : i32
    %c0_i32_1 = arith.constant 0 : i32
    return %c0_i32, %c0_i32_0 : i32, i32
  }
  func.func @transform_6(%arg0: i32) -> (i32, i32) {
    %c0_i32 = arith.constant 0 : i32
    %c0_i32_0 = arith.constant 0 : i32
    %c0_i32_1 = arith.constant 0 : i32
    return %c0_i32, %c0_i32_0 : i32, i32
  }
  func.func @transform_7(%arg0: i32) -> (i32, i32) {
    %c0_i32 = arith.constant 0 : i32
    %c0_i32_0 = arith.constant 0 : i32
    %c0_i32_1 = arith.constant 0 : i32
    return %c0_i32, %c0_i32_0 : i32, i32
  }
  func.func @transform_8(%arg0: i32) -> (i32, i32) {
    %c0_i32 = arith.constant 0 : i32
    %c0_i32_0 = arith.constant 0 : i32
    return %arg0, %c0_i32 : i32, i32
  }
}

module attributes {stable_mosaic.version = 14 : i64} {
  func.func @_proj_body(%arg0: i32, %arg1: memref<5000x64xf32, #tpu.memory_space<vmem>>, %arg2: memref<64x16xf32, #tpu.memory_space<vmem>>, %arg3: memref<64x16xf32, #tpu.memory_space<vmem>>, %arg4: memref<5000x16xf32, #tpu.memory_space<vmem>>, %arg5: memref<5000x16xf32, #tpu.memory_space<vmem>>) attributes {dimension_semantics = [#tpu.dimension_semantics<arbitrary>], iteration_bounds = array<i64: 20>, scalar_prefetch = 0 : i64, scratch_operands = 0 : i64, tpu.core_type = #tpu.core_type<tc>, window_params = [{transform_indices = @transform_0, window_bounds = array<i64: 5000, 64>}, {pipeline_mode = #tpu.pipeline_mode<synchronous>, transform_indices = @transform_1, window_bounds = array<i64: 64, 16>}, {pipeline_mode = #tpu.pipeline_mode<synchronous>, transform_indices = @transform_2, window_bounds = array<i64: 64, 16>}, {transform_indices = @transform_3, window_bounds = array<i64: 5000, 16>}, {transform_indices = @transform_4, window_bounds = array<i64: 5000, 16>}]} {
    %get3A = arith.constant 0 : index
    %get3A_0 = arith.constant 0 : index
    %get3A_1 = vector.load %arg1[%get3A, %get3A_0] : memref<5000x64xf32, #tpu.memory_space<vmem>>, vector<5000x64xf32>
    %get3A_2 = arith.constant 0 : index
    %get3A_3 = arith.constant 0 : index
    %get3A_4 = vector.load %arg2[%get3A_2, %get3A_3] : memref<64x16xf32, #tpu.memory_space<vmem>>, vector<64x16xf32>
    %dot_general3A = arith.constant dense<0.000000e+00> : vector<5000x16xf32>
    %dot_general3A_5 = tpu.matmul %get3A_1, %get3A_4, %dot_general3A {dimension_numbers = #tpu.dot_dimension_numbers<[1], [0], [0], [1], [0, 0, 1, 1], [], []>, transpose_lhs_hint = false} : vector<5000x64xf32>, vector<64x16xf32>, vector<5000x16xf32> -> vector<5000x16xf32>
    %swap3A = arith.constant 0 : index
    %swap3A_6 = arith.constant 0 : index
    %swap3A_7 = vector.load %arg4[%swap3A, %swap3A_6] : memref<5000x16xf32, #tpu.memory_space<vmem>>, vector<5000x16xf32>
    tpu.vector_store %arg4[%swap3A, %swap3A_6], %dot_general3A_5 {strides = array<i32>} : memref<5000x16xf32, #tpu.memory_space<vmem>>, vector<5000x16xf32>,
    %get3A_8 = arith.constant 0 : index
    %get3A_9 = arith.constant 0 : index
    %get3A_10 = vector.load %arg3[%get3A_8, %get3A_9] : memref<64x16xf32, #tpu.memory_space<vmem>>, vector<64x16xf32>
    %dot_general3A_11 = arith.constant dense<0.000000e+00> : vector<5000x16xf32>
    %dot_general3A_12 = tpu.matmul %get3A_1, %get3A_10, %dot_general3A_11 {dimension_numbers = #tpu.dot_dimension_numbers<[1], [0], [0], [1], [0, 0, 1, 1], [], []>, transpose_lhs_hint = false} : vector<5000x64xf32>, vector<64x16xf32>, vector<5000x16xf32> -> vector<5000x16xf32>
    %swap3A_13 = arith.constant 0 : index
    %swap3A_14 = arith.constant 0 : index
    %swap3A_15 = vector.load %arg5[%swap3A_13, %swap3A_14] : memref<5000x16xf32, #tpu.memory_space<vmem>>, vector<5000x16xf32>
    tpu.vector_store %arg5[%swap3A_13, %swap3A_14], %dot_general3A_12 {strides = array<i32>} : memref<5000x16xf32, #tpu.memory_space<vmem>>, vector<5000x16xf32>,
    return
  }
  func.func @transform_0(%arg0: i32) -> (i32, i32) {
    %c0_i32 = arith.constant 0 : i32
    %c0_i32_0 = arith.constant 0 : i32
    return %arg0, %c0_i32 : i32, i32
  }
  func.func @transform_1(%arg0: i32) -> (i32, i32) {
    %c0_i32 = arith.constant 0 : i32
    %c0_i32_0 = arith.constant 0 : i32
    %c0_i32_1 = arith.constant 0 : i32
    return %c0_i32, %c0_i32_0 : i32, i32
  }
  func.func @transform_2(%arg0: i32) -> (i32, i32) {
    %c0_i32 = arith.constant 0 : i32
    %c0_i32_0 = arith.constant 0 : i32
    %c0_i32_1 = arith.constant 0 : i32
    return %c0_i32, %c0_i32_0 : i32, i32
  }
  func.func @transform_3(%arg0: i32) -> (i32, i32) {
    %c0_i32 = arith.constant 0 : i32
    %c0_i32_0 = arith.constant 0 : i32
    return %arg0, %c0_i32 : i32, i32
  }
  func.func @transform_4(%arg0: i32) -> (i32, i32) {
    %c0_i32 = arith.constant 0 : i32
    %c0_i32_0 = arith.constant 0 : i32
    return %arg0, %c0_i32 : i32, i32
  }
}

module attributes {stable_mosaic.version = 14 : i64} {
  func.func @_enc_edge_body(%arg0: i32, %arg1: memref<4000x1xf32, #tpu.memory_space<vmem>>, %arg2: memref<4000x1xf32, #tpu.memory_space<vmem>>, %arg3: memref<4000x1xf32, #tpu.memory_space<vmem>>, %arg4: memref<3x16xf32, #tpu.memory_space<vmem>>, %arg5: memref<1x16xf32, #tpu.memory_space<vmem>>, %arg6: memref<16x16xf32, #tpu.memory_space<vmem>>, %arg7: memref<1x16xf32, #tpu.memory_space<vmem>>, %arg8: memref<16x64xf32, #tpu.memory_space<vmem>>, %arg9: memref<1x64xf32, #tpu.memory_space<vmem>>, %arg10: memref<4000x64xf32, #tpu.memory_space<vmem>>) attributes {dimension_semantics = [#tpu.dimension_semantics<arbitrary>], iteration_bounds = array<i64: 400>, scalar_prefetch = 0 : i64, scratch_operands = 0 : i64, tpu.core_type = #tpu.core_type<tc>, window_params = [{transform_indices = @transform_0, window_bounds = array<i64: 4000, 1>}, {transform_indices = @transform_1, window_bounds = array<i64: 4000, 1>}, {transform_indices = @transform_2, window_bounds = array<i64: 4000, 1>}, {pipeline_mode = #tpu.pipeline_mode<synchronous>, transform_indices = @transform_3, window_bounds = array<i64: 3, 16>}, {pipeline_mode = #tpu.pipeline_mode<synchronous>, transform_indices = @transform_4, window_bounds = array<i64: 1, 16>}, {pipeline_mode = #tpu.pipeline_mode<synchronous>, transform_indices = @transform_5, window_bounds = array<i64: 16, 16>}, {pipeline_mode = #tpu.pipeline_mode<synchronous>, transform_indices = @transform_6, window_bounds = array<i64: 1, 16>}, {pipeline_mode = #tpu.pipeline_mode<synchronous>, transform_indices = @transform_7, window_bounds = array<i64: 16, 64>}, {pipeline_mode = #tpu.pipeline_mode<synchronous>, transform_indices = @transform_8, window_bounds = array<i64: 1, 64>}, {transform_indices = @transform_9, window_bounds = array<i64: 4000, 64>}]} {
    %get3A = arith.constant 0 : index
    %get3A_0 = arith.constant 0 : index
    %get3A_1 = vector.load %arg1[%get3A, %get3A_0] : memref<4000x1xf32, #tpu.memory_space<vmem>>, vector<4000x1xf32>
    %get3A_2 = arith.constant 0 : index
    %get3A_3 = arith.constant 0 : index
    %get3A_4 = vector.load %arg4[%get3A_2, %get3A_3] : memref<3x16xf32, #tpu.memory_space<vmem>>, vector<1x16xf32>
    %mul3A = vector.broadcast %get3A_1 : vector<4000x1xf32> to vector<4000x16xf32>
    %mul3A_5 = vector.broadcast %get3A_4 : vector<1x16xf32> to vector<4000x16xf32>
    %mul3A_6 = arith.mulf %mul3A, %mul3A_5 : vector<4000x16xf32>
    %get3A_7 = arith.constant 0 : index
    %get3A_8 = arith.constant 0 : index
    %get3A_9 = vector.load %arg2[%get3A_7, %get3A_8] : memref<4000x1xf32, #tpu.memory_space<vmem>>, vector<4000x1xf32>
    %get3A_10 = arith.constant 1 : index
    %get3A_11 = arith.constant 0 : index
    %get3A_12 = vector.load %arg4[%get3A_10, %get3A_11] : memref<3x16xf32, #tpu.memory_space<vmem>>, vector<1x16xf32>
    %mul3A_13 = vector.broadcast %get3A_9 : vector<4000x1xf32> to vector<4000x16xf32>
    %mul3A_14 = vector.broadcast %get3A_12 : vector<1x16xf32> to vector<4000x16xf32>
    %mul3A_15 = arith.mulf %mul3A_13, %mul3A_14 : vector<4000x16xf32>
    %add3A = arith.addf %mul3A_6, %mul3A_15 : vector<4000x16xf32>
    %get3A_16 = arith.constant 0 : index
    %get3A_17 = arith.constant 0 : index
    %get3A_18 = vector.load %arg3[%get3A_16, %get3A_17] : memref<4000x1xf32, #tpu.memory_space<vmem>>, vector<4000x1xf32>
    %get3A_19 = arith.constant 2 : index
    %get3A_20 = arith.constant 0 : index
    %get3A_21 = vector.load %arg4[%get3A_19, %get3A_20] : memref<3x16xf32, #tpu.memory_space<vmem>>, vector<1x16xf32>
    %mul3A_22 = vector.broadcast %get3A_18 : vector<4000x1xf32> to vector<4000x16xf32>
    %mul3A_23 = vector.broadcast %get3A_21 : vector<1x16xf32> to vector<4000x16xf32>
    %mul3A_24 = arith.mulf %mul3A_22, %mul3A_23 : vector<4000x16xf32>
    %add3A_25 = arith.addf %add3A, %mul3A_24 : vector<4000x16xf32>
    %get3A_26 = arith.constant 0 : index
    %get3A_27 = arith.constant 0 : index
    %get3A_28 = vector.load %arg5[%get3A_26, %get3A_27] : memref<1x16xf32, #tpu.memory_space<vmem>>, vector<1x16xf32>
    %add3A_29 = vector.broadcast %get3A_28 : vector<1x16xf32> to vector<4000x16xf32>
    %add3A_30 = arith.addf %add3A_25, %add3A_29 : vector<4000x16xf32>
    %max3A = arith.constant 0.000000e+00 : f32
    %max3A_31 = vector.broadcast %max3A : f32 to vector<4000x16xf32>
    %max3A_32 = arith.maximumf %add3A_30, %max3A_31 : vector<4000x16xf32>
    %get3A_33 = arith.constant 0 : index
    %get3A_34 = arith.constant 0 : index
    %get3A_35 = vector.load %arg6[%get3A_33, %get3A_34] : memref<16x16xf32, #tpu.memory_space<vmem>>, vector<16x16xf32>
    %dot_general3A = arith.constant dense<0.000000e+00> : vector<4000x16xf32>
    %dot_general3A_36 = tpu.matmul %max3A_32, %get3A_35, %dot_general3A {dimension_numbers = #tpu.dot_dimension_numbers<[1], [0], [0], [1], [0, 0, 1, 1], [], []>, transpose_lhs_hint = false} : vector<4000x16xf32>, vector<16x16xf32>, vector<4000x16xf32> -> vector<4000x16xf32>
    %get3A_37 = arith.constant 0 : index
    %get3A_38 = arith.constant 0 : index
    %get3A_39 = vector.load %arg7[%get3A_37, %get3A_38] : memref<1x16xf32, #tpu.memory_space<vmem>>, vector<1x16xf32>
    %add3A_40 = vector.broadcast %get3A_39 : vector<1x16xf32> to vector<4000x16xf32>
    %add3A_41 = arith.addf %dot_general3A_36, %add3A_40 : vector<4000x16xf32>
    %max3A_42 = arith.constant 0.000000e+00 : f32
    %max3A_43 = vector.broadcast %max3A_42 : f32 to vector<4000x16xf32>
    %max3A_44 = arith.maximumf %add3A_41, %max3A_43 : vector<4000x16xf32>
    %get3A_45 = arith.constant 0 : index
    %get3A_46 = arith.constant 0 : index
    %get3A_47 = vector.load %arg8[%get3A_45, %get3A_46] : memref<16x64xf32, #tpu.memory_space<vmem>>, vector<16x64xf32>
    %dot_general3A_48 = arith.constant dense<0.000000e+00> : vector<4000x64xf32>
    %dot_general3A_49 = tpu.matmul %max3A_44, %get3A_47, %dot_general3A_48 {dimension_numbers = #tpu.dot_dimension_numbers<[1], [0], [0], [1], [0, 0, 1, 1], [], []>, transpose_lhs_hint = false} : vector<4000x16xf32>, vector<16x64xf32>, vector<4000x64xf32> -> vector<4000x64xf32>
    %get3A_50 = arith.constant 0 : index
    %get3A_51 = arith.constant 0 : index
    %get3A_52 = vector.load %arg9[%get3A_50, %get3A_51] : memref<1x64xf32, #tpu.memory_space<vmem>>, vector<1x64xf32>
    %add3A_53 = vector.broadcast %get3A_52 : vector<1x64xf32> to vector<4000x64xf32>
    %add3A_54 = arith.addf %dot_general3A_49, %add3A_53 : vector<4000x64xf32>
    %logistic3A = arith.negf %add3A_54 : vector<4000x64xf32>
    %logistic3A_55 = math.exp %logistic3A : vector<4000x64xf32>
    %logistic3A_56 = arith.constant 1.000000e+00 : f32
    %logistic3A_57 = vector.broadcast %logistic3A_56 : f32 to vector<4000x64xf32>
    %logistic3A_58 = arith.addf %logistic3A_57, %logistic3A_55 : vector<4000x64xf32>
    %logistic3A_59 = arith.divf %logistic3A_57, %logistic3A_58 : vector<4000x64xf32>
    %swap3A = arith.constant 0 : index
    %swap3A_60 = arith.constant 0 : index
    %swap3A_61 = vector.load %arg10[%swap3A, %swap3A_60] : memref<4000x64xf32, #tpu.memory_space<vmem>>, vector<4000x64xf32>
    tpu.vector_store %arg10[%swap3A, %swap3A_60], %logistic3A_59 {strides = array<i32>} : memref<4000x64xf32, #tpu.memory_space<vmem>>, vector<4000x64xf32>,
    return
  }
  func.func @transform_0(%arg0: i32) -> (i32, i32) {
    %c0_i32 = arith.constant 0 : i32
    %c0_i32_0 = arith.constant 0 : i32
    return %arg0, %c0_i32 : i32, i32
  }
  func.func @transform_1(%arg0: i32) -> (i32, i32) {
    %c0_i32 = arith.constant 0 : i32
    %c0_i32_0 = arith.constant 0 : i32
    return %arg0, %c0_i32 : i32, i32
  }
  func.func @transform_2(%arg0: i32) -> (i32, i32) {
    %c0_i32 = arith.constant 0 : i32
    %c0_i32_0 = arith.constant 0 : i32
    return %arg0, %c0_i32 : i32, i32
  }
  func.func @transform_3(%arg0: i32) -> (i32, i32) {
    %c0_i32 = arith.constant 0 : i32
    %c0_i32_0 = arith.constant 0 : i32
    %c0_i32_1 = arith.constant 0 : i32
    return %c0_i32, %c0_i32_0 : i32, i32
  }
  func.func @transform_4(%arg0: i32) -> (i32, i32) {
    %c0_i32 = arith.constant 0 : i32
    %c0_i32_0 = arith.constant 0 : i32
    %c0_i32_1 = arith.constant 0 : i32
    return %c0_i32, %c0_i32_0 : i32, i32
  }
  func.func @transform_5(%arg0: i32) -> (i32, i32) {
    %c0_i32 = arith.constant 0 : i32
    %c0_i32_0 = arith.constant 0 : i32
    %c0_i32_1 = arith.constant 0 : i32
    return %c0_i32, %c0_i32_0 : i32, i32
  }
  func.func @transform_6(%arg0: i32) -> (i32, i32) {
    %c0_i32 = arith.constant 0 : i32
    %c0_i32_0 = arith.constant 0 : i32
    %c0_i32_1 = arith.constant 0 : i32
    return %c0_i32, %c0_i32_0 : i32, i32
  }
  func.func @transform_7(%arg0: i32) -> (i32, i32) {
    %c0_i32 = arith.constant 0 : i32
    %c0_i32_0 = arith.constant 0 : i32
    %c0_i32_1 = arith.constant 0 : i32
    return %c0_i32, %c0_i32_0 : i32, i32
  }
  func.func @transform_8(%arg0: i32) -> (i32, i32) {
    %c0_i32 = arith.constant 0 : i32
    %c0_i32_0 = arith.constant 0 : i32
    %c0_i32_1 = arith.constant 0 : i32
    return %c0_i32, %c0_i32_0 : i32, i32
  }
  func.func @transform_9(%arg0: i32) -> (i32, i32) {
    %c0_i32 = arith.constant 0 : i32
    %c0_i32_0 = arith.constant 0 : i32
    return %arg0, %c0_i32 : i32, i32
  }
}

module attributes {stable_mosaic.version = 14 : i64} {
  func.func @_edge_mlp_body(%arg0: i32, %arg1: memref<4000x64xf32, #tpu.memory_space<vmem>>, %arg2: memref<4000x16xf32, #tpu.memory_space<vmem>>, %arg3: memref<4000x16xf32, #tpu.memory_space<vmem>>, %arg4: memref<64x16xf32, #tpu.memory_space<vmem>>, %arg5: memref<1x16xf32, #tpu.memory_space<vmem>>, %arg6: memref<16x16xf32, #tpu.memory_space<vmem>>, %arg7: memref<1x16xf32, #tpu.memory_space<vmem>>, %arg8: memref<16x64xf32, #tpu.memory_space<vmem>>, %arg9: memref<1x64xf32, #tpu.memory_space<vmem>>, %arg10: memref<64x16xf32, #tpu.memory_space<vmem>>, %arg11: memref<4000x64xf32, #tpu.memory_space<vmem>>, %arg12: memref<4000x16xf32, #tpu.memory_space<vmem>>) attributes {dimension_semantics = [#tpu.dimension_semantics<arbitrary>], iteration_bounds = array<i64: 400>, scalar_prefetch = 0 : i64, scratch_operands = 0 : i64, tpu.core_type = #tpu.core_type<tc>, window_params = [{transform_indices = @transform_0, window_bounds = array<i64: 4000, 64>}, {transform_indices = @transform_1, window_bounds = array<i64: 4000, 16>}, {transform_indices = @transform_2, window_bounds = array<i64: 4000, 16>}, {pipeline_mode = #tpu.pipeline_mode<synchronous>, transform_indices = @transform_3, window_bounds = array<i64: 64, 16>}, {pipeline_mode = #tpu.pipeline_mode<synchronous>, transform_indices = @transform_4, window_bounds = array<i64: 1, 16>}, {pipeline_mode = #tpu.pipeline_mode<synchronous>, transform_indices = @transform_5, window_bounds = array<i64: 16, 16>}, {pipeline_mode = #tpu.pipeline_mode<synchronous>, transform_indices = @transform_6, window_bounds = array<i64: 1, 16>}, {pipeline_mode = #tpu.pipeline_mode<synchronous>, transform_indices = @transform_7, window_bounds = array<i64: 16, 64>}, {pipeline_mode = #tpu.pipeline_mode<synchronous>, transform_indices = @transform_8, window_bounds = array<i64: 1, 64>}, {pipeline_mode = #tpu.pipeline_mode<synchronous>, transform_indices = @transform_9, window_bounds = array<i64: 64, 16>}, {transform_indices = @transform_10, window_bounds = array<i64: 4000, 64>}, {transform_indices = @transform_11, window_bounds = array<i64: 4000, 16>}]} {
    %get3A = arith.constant 0 : index
    %get3A_0 = arith.constant 0 : index
    %get3A_1 = vector.load %arg1[%get3A, %get3A_0] : memref<4000x64xf32, #tpu.memory_space<vmem>>, vector<4000x64xf32>
    %get3A_2 = arith.constant 0 : index
    %get3A_3 = arith.constant 0 : index
    %get3A_4 = vector.load %arg4[%get3A_2, %get3A_3] : memref<64x16xf32, #tpu.memory_space<vmem>>, vector<64x16xf32>
    %dot_general3A = arith.constant dense<0.000000e+00> : vector<4000x16xf32>
    %dot_general3A_5 = tpu.matmul %get3A_1, %get3A_4, %dot_general3A {dimension_numbers = #tpu.dot_dimension_numbers<[1], [0], [0], [1], [0, 0, 1, 1], [], []>, transpose_lhs_hint = false} : vector<4000x64xf32>, vector<64x16xf32>, vector<4000x16xf32> -> vector<4000x16xf32>
    %get3A_6 = arith.constant 0 : index
    %get3A_7 = arith.constant 0 : index
    %get3A_8 = vector.load %arg2[%get3A_6, %get3A_7] : memref<4000x16xf32, #tpu.memory_space<vmem>>, vector<4000x16xf32>
    %add3A = arith.addf %dot_general3A_5, %get3A_8 : vector<4000x16xf32>
    %get3A_9 = arith.constant 0 : index
    %get3A_10 = arith.constant 0 : index
    %get3A_11 = vector.load %arg3[%get3A_9, %get3A_10] : memref<4000x16xf32, #tpu.memory_space<vmem>>, vector<4000x16xf32>
    %add3A_12 = arith.addf %add3A, %get3A_11 : vector<4000x16xf32>
    %get3A_13 = arith.constant 0 : index
    %get3A_14 = arith.constant 0 : index
    %get3A_15 = vector.load %arg5[%get3A_13, %get3A_14] : memref<1x16xf32, #tpu.memory_space<vmem>>, vector<1x16xf32>
    %add3A_16 = vector.broadcast %get3A_15 : vector<1x16xf32> to vector<4000x16xf32>
    %add3A_17 = arith.addf %add3A_12, %add3A_16 : vector<4000x16xf32>
    %max3A = arith.constant 0.000000e+00 : f32
    %max3A_18 = vector.broadcast %max3A : f32 to vector<4000x16xf32>
    %max3A_19 = arith.maximumf %add3A_17, %max3A_18 : vector<4000x16xf32>
    %get3A_20 = arith.constant 0 : index
    %get3A_21 = arith.constant 0 : index
    %get3A_22 = vector.load %arg6[%get3A_20, %get3A_21] : memref<16x16xf32, #tpu.memory_space<vmem>>, vector<16x16xf32>
    %dot_general3A_23 = arith.constant dense<0.000000e+00> : vector<4000x16xf32>
    %dot_general3A_24 = tpu.matmul %max3A_19, %get3A_22, %dot_general3A_23 {dimension_numbers = #tpu.dot_dimension_numbers<[1], [0], [0], [1], [0, 0, 1, 1], [], []>, transpose_lhs_hint = false} : vector<4000x16xf32>, vector<16x16xf32>, vector<4000x16xf32> -> vector<4000x16xf32>
    %get3A_25 = arith.constant 0 : index
    %get3A_26 = arith.constant 0 : index
    %get3A_27 = vector.load %arg7[%get3A_25, %get3A_26] : memref<1x16xf32, #tpu.memory_space<vmem>>, vector<1x16xf32>
    %add3A_28 = vector.broadcast %get3A_27 : vector<1x16xf32> to vector<4000x16xf32>
    %add3A_29 = arith.addf %dot_general3A_24, %add3A_28 : vector<4000x16xf32>
    %max3A_30 = arith.constant 0.000000e+00 : f32
    %max3A_31 = vector.broadcast %max3A_30 : f32 to vector<4000x16xf32>
    %max3A_32 = arith.maximumf %add3A_29, %max3A_31 : vector<4000x16xf32>
    %get3A_33 = arith.constant 0 : index
    %get3A_34 = arith.constant 0 : index
    %get3A_35 = vector.load %arg8[%get3A_33, %get3A_34] : memref<16x64xf32, #tpu.memory_space<vmem>>, vector<16x64xf32>
    %dot_general3A_36 = arith.constant dense<0.000000e+00> : vector<4000x64xf32>
    %dot_general3A_37 = tpu.matmul %max3A_32, %get3A_35, %dot_general3A_36 {dimension_numbers = #tpu.dot_dimension_numbers<[1], [0], [0], [1], [0, 0, 1, 1], [], []>, transpose_lhs_hint = false} : vector<4000x16xf32>, vector<16x64xf32>, vector<4000x64xf32> -> vector<4000x64xf32>
    %get3A_38 = arith.constant 0 : index
    %get3A_39 = arith.constant 0 : index
    %get3A_40 = vector.load %arg9[%get3A_38, %get3A_39] : memref<1x64xf32, #tpu.memory_space<vmem>>, vector<1x64xf32>
    %add3A_41 = vector.broadcast %get3A_40 : vector<1x64xf32> to vector<4000x64xf32>
    %add3A_42 = arith.addf %dot_general3A_37, %add3A_41 : vector<4000x64xf32>
    %logistic3A = arith.negf %add3A_42 : vector<4000x64xf32>
    %logistic3A_43 = math.exp %logistic3A : vector<4000x64xf32>
    %logistic3A_44 = arith.constant 1.000000e+00 : f32
    %logistic3A_45 = vector.broadcast %logistic3A_44 : f32 to vector<4000x64xf32>
    %logistic3A_46 = arith.addf %logistic3A_45, %logistic3A_43 : vector<4000x64xf32>
    %logistic3A_47 = arith.divf %logistic3A_45, %logistic3A_46 : vector<4000x64xf32>
    %swap3A = arith.constant 0 : index
    %swap3A_48 = arith.constant 0 : index
    %swap3A_49 = vector.load %arg11[%swap3A, %swap3A_48] : memref<4000x64xf32, #tpu.memory_space<vmem>>, vector<4000x64xf32>
    tpu.vector_store %arg11[%swap3A, %swap3A_48], %logistic3A_47 {strides = array<i32>} : memref<4000x64xf32, #tpu.memory_space<vmem>>, vector<4000x64xf32>,
    %get3A_50 = arith.constant 0 : index
    %get3A_51 = arith.constant 0 : index
    %get3A_52 = vector.load %arg10[%get3A_50, %get3A_51] : memref<64x16xf32, #tpu.memory_space<vmem>>, vector<64x16xf32>
    %dot_general3A_53 = arith.constant dense<0.000000e+00> : vector<4000x16xf32>
    %dot_general3A_54 = tpu.matmul %logistic3A_47, %get3A_52, %dot_general3A_53 {dimension_numbers = #tpu.dot_dimension_numbers<[1], [0], [0], [1], [0, 0, 1, 1], [], []>, transpose_lhs_hint = false} : vector<4000x64xf32>, vector<64x16xf32>, vector<4000x16xf32> -> vector<4000x16xf32>
    %swap3A_55 = arith.constant 0 : index
    %swap3A_56 = arith.constant 0 : index
    %swap3A_57 = vector.load %arg12[%swap3A_55, %swap3A_56] : memref<4000x16xf32, #tpu.memory_space<vmem>>, vector<4000x16xf32>
    tpu.vector_store %arg12[%swap3A_55, %swap3A_56], %dot_general3A_54 {strides = array<i32>} : memref<4000x16xf32, #tpu.memory_space<vmem>>, vector<4000x16xf32>,
    return
  }
  func.func @transform_0(%arg0: i32) -> (i32, i32) {
    %c0_i32 = arith.constant 0 : i32
    %c0_i32_0 = arith.constant 0 : i32
    return %arg0, %c0_i32 : i32, i32
  }
  func.func @transform_1(%arg0: i32) -> (i32, i32) {
    %c0_i32 = arith.constant 0 : i32
    %c0_i32_0 = arith.constant 0 : i32
    return %arg0, %c0_i32 : i32, i32
  }
  func.func @transform_2(%arg0: i32) -> (i32, i32) {
    %c0_i32 = arith.constant 0 : i32
    %c0_i32_0 = arith.constant 0 : i32
    return %arg0, %c0_i32 : i32, i32
  }
  func.func @transform_3(%arg0: i32) -> (i32, i32) {
    %c0_i32 = arith.constant 0 : i32
    %c0_i32_0 = arith.constant 0 : i32
    %c0_i32_1 = arith.constant 0 : i32
    return %c0_i32, %c0_i32_0 : i32, i32
  }
  func.func @transform_4(%arg0: i32) -> (i32, i32) {
    %c0_i32 = arith.constant 0 : i32
    %c0_i32_0 = arith.constant 0 : i32
    %c0_i32_1 = arith.constant 0 : i32
    return %c0_i32, %c0_i32_0 : i32, i32
  }
  func.func @transform_5(%arg0: i32) -> (i32, i32) {
    %c0_i32 = arith.constant 0 : i32
    %c0_i32_0 = arith.constant 0 : i32
    %c0_i32_1 = arith.constant 0 : i32
    return %c0_i32, %c0_i32_0 : i32, i32
  }
  func.func @transform_6(%arg0: i32) -> (i32, i32) {
    %c0_i32 = arith.constant 0 : i32
    %c0_i32_0 = arith.constant 0 : i32
    %c0_i32_1 = arith.constant 0 : i32
    return %c0_i32, %c0_i32_0 : i32, i32
  }
  func.func @transform_7(%arg0: i32) -> (i32, i32) {
    %c0_i32 = arith.constant 0 : i32
    %c0_i32_0 = arith.constant 0 : i32
    %c0_i32_1 = arith.constant 0 : i32
    return %c0_i32, %c0_i32_0 : i32, i32
  }
  func.func @transform_8(%arg0: i32) -> (i32, i32) {
    %c0_i32 = arith.constant 0 : i32
    %c0_i32_0 = arith.constant 0 : i32
    %c0_i32_1 = arith.constant 0 : i32
    return %c0_i32, %c0_i32_0 : i32, i32
  }
  func.func @transform_9(%arg0: i32) -> (i32, i32) {
    %c0_i32 = arith.constant 0 : i32
    %c0_i32_0 = arith.constant 0 : i32
    %c0_i32_1 = arith.constant 0 : i32
    return %c0_i32, %c0_i32_0 : i32, i32
  }
  func.func @transform_10(%arg0: i32) -> (i32, i32) {
    %c0_i32 = arith.constant 0 : i32
    %c0_i32_0 = arith.constant 0 : i32
    return %arg0, %c0_i32 : i32, i32
  }
  func.func @transform_11(%arg0: i32) -> (i32, i32) {
    %c0_i32 = arith.constant 0 : i32
    %c0_i32_0 = arith.constant 0 : i32
    return %arg0, %c0_i32 : i32, i32
  }
}

module attributes {stable_mosaic.version = 14 : i64} {
  func.func @_node_mlp_body(%arg0: i32, %arg1: memref<5000x64xf32, #tpu.memory_space<vmem>>, %arg2: memref<5000x16xf32, #tpu.memory_space<vmem>>, %arg3: memref<5000x16xf32, #tpu.memory_space<vmem>>, %arg4: memref<5000x16xf32, #tpu.memory_space<vmem>>, %arg5: memref<5000x16xf32, #tpu.memory_space<vmem>>, %arg6: memref<64x16xf32, #tpu.memory_space<vmem>>, %arg7: memref<1x16xf32, #tpu.memory_space<vmem>>, %arg8: memref<16x16xf32, #tpu.memory_space<vmem>>, %arg9: memref<1x16xf32, #tpu.memory_space<vmem>>, %arg10: memref<16x64xf32, #tpu.memory_space<vmem>>, %arg11: memref<1x64xf32, #tpu.memory_space<vmem>>, %arg12: memref<5000x64xf32, #tpu.memory_space<vmem>>) attributes {dimension_semantics = [#tpu.dimension_semantics<arbitrary>], iteration_bounds = array<i64: 20>, scalar_prefetch = 0 : i64, scratch_operands = 0 : i64, tpu.core_type = #tpu.core_type<tc>, window_params = [{transform_indices = @transform_0, window_bounds = array<i64: 5000, 64>}, {transform_indices = @transform_1, window_bounds = array<i64: 5000, 16>}, {transform_indices = @transform_2, window_bounds = array<i64: 5000, 16>}, {transform_indices = @transform_3, window_bounds = array<i64: 5000, 16>}, {transform_indices = @transform_4, window_bounds = array<i64: 5000, 16>}, {pipeline_mode = #tpu.pipeline_mode<synchronous>, transform_indices = @transform_5, window_bounds = array<i64: 64, 16>}, {pipeline_mode = #tpu.pipeline_mode<synchronous>, transform_indices = @transform_6, window_bounds = array<i64: 1, 16>}, {pipeline_mode = #tpu.pipeline_mode<synchronous>, transform_indices = @transform_7, window_bounds = array<i64: 16, 16>}, {pipeline_mode = #tpu.pipeline_mode<synchronous>, transform_indices = @transform_8, window_bounds = array<i64: 1, 16>}, {pipeline_mode = #tpu.pipeline_mode<synchronous>, transform_indices = @transform_9, window_bounds = array<i64: 16, 64>}, {pipeline_mode = #tpu.pipeline_mode<synchronous>, transform_indices = @transform_10, window_bounds = array<i64: 1, 64>}, {transform_indices = @transform_11, window_bounds = array<i64: 5000, 64>}]} {
    %get3A = arith.constant 0 : index
    %get3A_0 = arith.constant 0 : index
    %get3A_1 = vector.load %arg2[%get3A, %get3A_0] : memref<5000x16xf32, #tpu.memory_space<vmem>>, vector<5000x16xf32>
    %get3A_2 = arith.constant 0 : index
    %get3A_3 = arith.constant 0 : index
    %get3A_4 = vector.load %arg3[%get3A_2, %get3A_3] : memref<5000x16xf32, #tpu.memory_space<vmem>>, vector<5000x16xf32>
    %add3A = arith.addf %get3A_1, %get3A_4 : vector<5000x16xf32>
    %get3A_5 = arith.constant 0 : index
    %get3A_6 = arith.constant 0 : index
    %get3A_7 = vector.load %arg4[%get3A_5, %get3A_6] : memref<5000x16xf32, #tpu.memory_space<vmem>>, vector<5000x16xf32>
    %get3A_8 = arith.constant 0 : index
    %get3A_9 = arith.constant 0 : index
    %get3A_10 = vector.load %arg5[%get3A_8, %get3A_9] : memref<5000x16xf32, #tpu.memory_space<vmem>>, vector<5000x16xf32>
    %add3A_11 = arith.addf %get3A_7, %get3A_10 : vector<5000x16xf32>
    %max3A = arith.constant 1.000000e+00 : f32
    %max3A_12 = vector.broadcast %max3A : f32 to vector<5000x16xf32>
    %max3A_13 = arith.maximumf %add3A_11, %max3A_12 : vector<5000x16xf32>
    %div3A = arith.divf %add3A, %max3A_13 : vector<5000x16xf32>
    %get3A_14 = arith.constant 0 : index
    %get3A_15 = arith.constant 0 : index
    %get3A_16 = vector.load %arg1[%get3A_14, %get3A_15] : memref<5000x64xf32, #tpu.memory_space<vmem>>, vector<5000x64xf32>
    %get3A_17 = arith.constant 0 : index
    %get3A_18 = arith.constant 0 : index
    %get3A_19 = vector.load %arg6[%get3A_17, %get3A_18] : memref<64x16xf32, #tpu.memory_space<vmem>>, vector<64x16xf32>
    %dot_general3A = arith.constant dense<0.000000e+00> : vector<5000x16xf32>
    %dot_general3A_20 = tpu.matmul %get3A_16, %get3A_19, %dot_general3A {dimension_numbers = #tpu.dot_dimension_numbers<[1], [0], [0], [1], [0, 0, 1, 1], [], []>, transpose_lhs_hint = false} : vector<5000x64xf32>, vector<64x16xf32>, vector<5000x16xf32> -> vector<5000x16xf32>
    %add3A_21 = arith.addf %dot_general3A_20, %div3A : vector<5000x16xf32>
    %get3A_22 = arith.constant 0 : index
    %get3A_23 = arith.constant 0 : index
    %get3A_24 = vector.load %arg7[%get3A_22, %get3A_23] : memref<1x16xf32, #tpu.memory_space<vmem>>, vector<1x16xf32>
    %add3A_25 = vector.broadcast %get3A_24 : vector<1x16xf32> to vector<5000x16xf32>
    %add3A_26 = arith.addf %add3A_21, %add3A_25 : vector<5000x16xf32>
    %max3A_27 = arith.constant 0.000000e+00 : f32
    %max3A_28 = vector.broadcast %max3A_27 : f32 to vector<5000x16xf32>
    %max3A_29 = arith.maximumf %add3A_26, %max3A_28 : vector<5000x16xf32>
    %get3A_30 = arith.constant 0 : index
    %get3A_31 = arith.constant 0 : index
    %get3A_32 = vector.load %arg8[%get3A_30, %get3A_31] : memref<16x16xf32, #tpu.memory_space<vmem>>, vector<16x16xf32>
    %dot_general3A_33 = arith.constant dense<0.000000e+00> : vector<5000x16xf32>
    %dot_general3A_34 = tpu.matmul %max3A_29, %get3A_32, %dot_general3A_33 {dimension_numbers = #tpu.dot_dimension_numbers<[1], [0], [0], [1], [0, 0, 1, 1], [], []>, transpose_lhs_hint = false} : vector<5000x16xf32>, vector<16x16xf32>, vector<5000x16xf32> -> vector<5000x16xf32>
    %get3A_35 = arith.constant 0 : index
    %get3A_36 = arith.constant 0 : index
    %get3A_37 = vector.load %arg9[%get3A_35, %get3A_36] : memref<1x16xf32, #tpu.memory_space<vmem>>, vector<1x16xf32>
    %add3A_38 = vector.broadcast %get3A_37 : vector<1x16xf32> to vector<5000x16xf32>
    %add3A_39 = arith.addf %dot_general3A_34, %add3A_38 : vector<5000x16xf32>
    %max3A_40 = arith.constant 0.000000e+00 : f32
    %max3A_41 = vector.broadcast %max3A_40 : f32 to vector<5000x16xf32>
    %max3A_42 = arith.maximumf %add3A_39, %max3A_41 : vector<5000x16xf32>
    %get3A_43 = arith.constant 0 : index
    %get3A_44 = arith.constant 0 : index
    %get3A_45 = vector.load %arg10[%get3A_43, %get3A_44] : memref<16x64xf32, #tpu.memory_space<vmem>>, vector<16x64xf32>
    %dot_general3A_46 = arith.constant dense<0.000000e+00> : vector<5000x64xf32>
    %dot_general3A_47 = tpu.matmul %max3A_42, %get3A_45, %dot_general3A_46 {dimension_numbers = #tpu.dot_dimension_numbers<[1], [0], [0], [1], [0, 0, 1, 1], [], []>, transpose_lhs_hint = false} : vector<5000x16xf32>, vector<16x64xf32>, vector<5000x64xf32> -> vector<5000x64xf32>
    %get3A_48 = arith.constant 0 : index
    %get3A_49 = arith.constant 0 : index
    %get3A_50 = vector.load %arg11[%get3A_48, %get3A_49] : memref<1x64xf32, #tpu.memory_space<vmem>>, vector<1x64xf32>
    %add3A_51 = vector.broadcast %get3A_50 : vector<1x64xf32> to vector<5000x64xf32>
    %add3A_52 = arith.addf %dot_general3A_47, %add3A_51 : vector<5000x64xf32>
    %logistic3A = arith.negf %add3A_52 : vector<5000x64xf32>
    %logistic3A_53 = math.exp %logistic3A : vector<5000x64xf32>
    %logistic3A_54 = arith.constant 1.000000e+00 : f32
    %logistic3A_55 = vector.broadcast %logistic3A_54 : f32 to vector<5000x64xf32>
    %logistic3A_56 = arith.addf %logistic3A_55, %logistic3A_53 : vector<5000x64xf32>
    %logistic3A_57 = arith.divf %logistic3A_55, %logistic3A_56 : vector<5000x64xf32>
    %swap3A = arith.constant 0 : index
    %swap3A_58 = arith.constant 0 : index
    %swap3A_59 = vector.load %arg12[%swap3A, %swap3A_58] : memref<5000x64xf32, #tpu.memory_space<vmem>>, vector<5000x64xf32>
    tpu.vector_store %arg12[%swap3A, %swap3A_58], %logistic3A_57 {strides = array<i32>} : memref<5000x64xf32, #tpu.memory_space<vmem>>, vector<5000x64xf32>,
    return
  }
  func.func @transform_0(%arg0: i32) -> (i32, i32) {
    %c0_i32 = arith.constant 0 : i32
    %c0_i32_0 = arith.constant 0 : i32
    return %arg0, %c0_i32 : i32, i32
  }
  func.func @transform_1(%arg0: i32) -> (i32, i32) {
    %c0_i32 = arith.constant 0 : i32
    %c0_i32_0 = arith.constant 0 : i32
    return %arg0, %c0_i32 : i32, i32
  }
  func.func @transform_2(%arg0: i32) -> (i32, i32) {
    %c0_i32 = arith.constant 0 : i32
    %c0_i32_0 = arith.constant 0 : i32
    return %arg0, %c0_i32 : i32, i32
  }
  func.func @transform_3(%arg0: i32) -> (i32, i32) {
    %c0_i32 = arith.constant 0 : i32
    %c0_i32_0 = arith.constant 0 : i32
    return %arg0, %c0_i32 : i32, i32
  }
  func.func @transform_4(%arg0: i32) -> (i32, i32) {
    %c0_i32 = arith.constant 0 : i32
    %c0_i32_0 = arith.constant 0 : i32
    return %arg0, %c0_i32 : i32, i32
  }
  func.func @transform_5(%arg0: i32) -> (i32, i32) {
    %c0_i32 = arith.constant 0 : i32
    %c0_i32_0 = arith.constant 0 : i32
    %c0_i32_1 = arith.constant 0 : i32
    return %c0_i32, %c0_i32_0 : i32, i32
  }
  func.func @transform_6(%arg0: i32) -> (i32, i32) {
    %c0_i32 = arith.constant 0 : i32
    %c0_i32_0 = arith.constant 0 : i32
    %c0_i32_1 = arith.constant 0 : i32
    return %c0_i32, %c0_i32_0 : i32, i32
  }
  func.func @transform_7(%arg0: i32) -> (i32, i32) {
    %c0_i32 = arith.constant 0 : i32
    %c0_i32_0 = arith.constant 0 : i32
    %c0_i32_1 = arith.constant 0 : i32
    return %c0_i32, %c0_i32_0 : i32, i32
  }
  func.func @transform_8(%arg0: i32) -> (i32, i32) {
    %c0_i32 = arith.constant 0 : i32
    %c0_i32_0 = arith.constant 0 : i32
    %c0_i32_1 = arith.constant 0 : i32
    return %c0_i32, %c0_i32_0 : i32, i32
  }
  func.func @transform_9(%arg0: i32) -> (i32, i32) {
    %c0_i32 = arith.constant 0 : i32
    %c0_i32_0 = arith.constant 0 : i32
    %c0_i32_1 = arith.constant 0 : i32
    return %c0_i32, %c0_i32_0 : i32, i32
  }
  func.func @transform_10(%arg0: i32) -> (i32, i32) {
    %c0_i32 = arith.constant 0 : i32
    %c0_i32_0 = arith.constant 0 : i32
    %c0_i32_1 = arith.constant 0 : i32
    return %c0_i32, %c0_i32_0 : i32, i32
  }
  func.func @transform_11(%arg0: i32) -> (i32, i32) {
    %c0_i32 = arith.constant 0 : i32
    %c0_i32_0 = arith.constant 0 : i32
    return %arg0, %c0_i32 : i32, i32
  }
}

module attributes {stable_mosaic.version = 14 : i64} {
  func.func @_proj_body(%arg0: i32, %arg1: memref<5000x64xf32, #tpu.memory_space<vmem>>, %arg2: memref<64x64xf32, #tpu.memory_space<vmem>>, %arg3: memref<64x64xf32, #tpu.memory_space<vmem>>, %arg4: memref<5000x64xf32, #tpu.memory_space<vmem>>, %arg5: memref<5000x64xf32, #tpu.memory_space<vmem>>) attributes {dimension_semantics = [#tpu.dimension_semantics<arbitrary>], iteration_bounds = array<i64: 20>, scalar_prefetch = 0 : i64, scratch_operands = 0 : i64, tpu.core_type = #tpu.core_type<tc>, window_params = [{transform_indices = @transform_0, window_bounds = array<i64: 5000, 64>}, {pipeline_mode = #tpu.pipeline_mode<synchronous>, transform_indices = @transform_1, window_bounds = array<i64: 64, 64>}, {pipeline_mode = #tpu.pipeline_mode<synchronous>, transform_indices = @transform_2, window_bounds = array<i64: 64, 64>}, {transform_indices = @transform_3, window_bounds = array<i64: 5000, 64>}, {transform_indices = @transform_4, window_bounds = array<i64: 5000, 64>}]} {
    %get3A = arith.constant 0 : index
    %get3A_0 = arith.constant 0 : index
    %get3A_1 = vector.load %arg1[%get3A, %get3A_0] : memref<5000x64xf32, #tpu.memory_space<vmem>>, vector<5000x64xf32>
    %get3A_2 = arith.constant 0 : index
    %get3A_3 = arith.constant 0 : index
    %get3A_4 = vector.load %arg2[%get3A_2, %get3A_3] : memref<64x64xf32, #tpu.memory_space<vmem>>, vector<64x64xf32>
    %dot_general3A = arith.constant dense<0.000000e+00> : vector<5000x64xf32>
    %dot_general3A_5 = tpu.matmul %get3A_1, %get3A_4, %dot_general3A {dimension_numbers = #tpu.dot_dimension_numbers<[1], [0], [0], [1], [0, 0, 1, 1], [], []>, transpose_lhs_hint = false} : vector<5000x64xf32>, vector<64x64xf32>, vector<5000x64xf32> -> vector<5000x64xf32>
    %swap3A = arith.constant 0 : index
    %swap3A_6 = arith.constant 0 : index
    %swap3A_7 = vector.load %arg4[%swap3A, %swap3A_6] : memref<5000x64xf32, #tpu.memory_space<vmem>>, vector<5000x64xf32>
    tpu.vector_store %arg4[%swap3A, %swap3A_6], %dot_general3A_5 {strides = array<i32>} : memref<5000x64xf32, #tpu.memory_space<vmem>>, vector<5000x64xf32>,
    %get3A_8 = arith.constant 0 : index
    %get3A_9 = arith.constant 0 : index
    %get3A_10 = vector.load %arg3[%get3A_8, %get3A_9] : memref<64x64xf32, #tpu.memory_space<vmem>>, vector<64x64xf32>
    %dot_general3A_11 = arith.constant dense<0.000000e+00> : vector<5000x64xf32>
    %dot_general3A_12 = tpu.matmul %get3A_1, %get3A_10, %dot_general3A_11 {dimension_numbers = #tpu.dot_dimension_numbers<[1], [0], [0], [1], [0, 0, 1, 1], [], []>, transpose_lhs_hint = false} : vector<5000x64xf32>, vector<64x64xf32>, vector<5000x64xf32> -> vector<5000x64xf32>
    %swap3A_13 = arith.constant 0 : index
    %swap3A_14 = arith.constant 0 : index
    %swap3A_15 = vector.load %arg5[%swap3A_13, %swap3A_14] : memref<5000x64xf32, #tpu.memory_space<vmem>>, vector<5000x64xf32>
    tpu.vector_store %arg5[%swap3A_13, %swap3A_14], %dot_general3A_12 {strides = array<i32>} : memref<5000x64xf32, #tpu.memory_space<vmem>>, vector<5000x64xf32>,
    return
  }
  func.func @transform_0(%arg0: i32) -> (i32, i32) {
    %c0_i32 = arith.constant 0 : i32
    %c0_i32_0 = arith.constant 0 : i32
    return %arg0, %c0_i32 : i32, i32
  }
  func.func @transform_1(%arg0: i32) -> (i32, i32) {
    %c0_i32 = arith.constant 0 : i32
    %c0_i32_0 = arith.constant 0 : i32
    %c0_i32_1 = arith.constant 0 : i32
    return %c0_i32, %c0_i32_0 : i32, i32
  }
  func.func @transform_2(%arg0: i32) -> (i32, i32) {
    %c0_i32 = arith.constant 0 : i32
    %c0_i32_0 = arith.constant 0 : i32
    %c0_i32_1 = arith.constant 0 : i32
    return %c0_i32, %c0_i32_0 : i32, i32
  }
  func.func @transform_3(%arg0: i32) -> (i32, i32) {
    %c0_i32 = arith.constant 0 : i32
    %c0_i32_0 = arith.constant 0 : i32
    return %arg0, %c0_i32 : i32, i32
  }
  func.func @transform_4(%arg0: i32) -> (i32, i32) {
    %c0_i32 = arith.constant 0 : i32
    %c0_i32_0 = arith.constant 0 : i32
    return %arg0, %c0_i32 : i32, i32
  }
}

module attributes {stable_mosaic.version = 14 : i64} {
  func.func @_dec_body(%arg0: i32, %arg1: memref<4000x64xf32, #tpu.memory_space<vmem>>, %arg2: memref<4000x64xf32, #tpu.memory_space<vmem>>, %arg3: memref<4000x64xf32, #tpu.memory_space<vmem>>, %arg4: memref<64x64xf32, #tpu.memory_space<vmem>>, %arg5: memref<1x64xf32, #tpu.memory_space<vmem>>, %arg6: memref<64x64xf32, #tpu.memory_space<vmem>>, %arg7: memref<1x64xf32, #tpu.memory_space<vmem>>, %arg8: memref<64x1xf32, #tpu.memory_space<vmem>>, %arg9: memref<1x1xf32, #tpu.memory_space<vmem>>, %arg10: memref<4000x1xf32, #tpu.memory_space<vmem>>) attributes {dimension_semantics = [#tpu.dimension_semantics<arbitrary>], iteration_bounds = array<i64: 400>, scalar_prefetch = 0 : i64, scratch_operands = 0 : i64, tpu.core_type = #tpu.core_type<tc>, window_params = [{transform_indices = @transform_0, window_bounds = array<i64: 4000, 64>}, {transform_indices = @transform_1, window_bounds = array<i64: 4000, 64>}, {transform_indices = @transform_2, window_bounds = array<i64: 4000, 64>}, {pipeline_mode = #tpu.pipeline_mode<synchronous>, transform_indices = @transform_3, window_bounds = array<i64: 64, 64>}, {pipeline_mode = #tpu.pipeline_mode<synchronous>, transform_indices = @transform_4, window_bounds = array<i64: 1, 64>}, {pipeline_mode = #tpu.pipeline_mode<synchronous>, transform_indices = @transform_5, window_bounds = array<i64: 64, 64>}, {pipeline_mode = #tpu.pipeline_mode<synchronous>, transform_indices = @transform_6, window_bounds = array<i64: 1, 64>}, {pipeline_mode = #tpu.pipeline_mode<synchronous>, transform_indices = @transform_7, window_bounds = array<i64: 64, 1>}, {pipeline_mode = #tpu.pipeline_mode<synchronous>, transform_indices = @transform_8, window_bounds = array<i64: 1, 1>}, {transform_indices = @transform_9, window_bounds = array<i64: 4000, 1>}]} {
    %get3A = arith.constant 0 : index
    %get3A_0 = arith.constant 0 : index
    %get3A_1 = vector.load %arg1[%get3A, %get3A_0] : memref<4000x64xf32, #tpu.memory_space<vmem>>, vector<4000x64xf32>
    %get3A_2 = arith.constant 0 : index
    %get3A_3 = arith.constant 0 : index
    %get3A_4 = vector.load %arg4[%get3A_2, %get3A_3] : memref<64x64xf32, #tpu.memory_space<vmem>>, vector<64x64xf32>
    %dot_general3A = arith.constant dense<0.000000e+00> : vector<4000x64xf32>
    %dot_general3A_5 = tpu.matmul %get3A_1, %get3A_4, %dot_general3A {dimension_numbers = #tpu.dot_dimension_numbers<[1], [0], [0], [1], [0, 0, 1, 1], [], []>, transpose_lhs_hint = false} : vector<4000x64xf32>, vector<64x64xf32>, vector<4000x64xf32> -> vector<4000x64xf32>
    %get3A_6 = arith.constant 0 : index
    %get3A_7 = arith.constant 0 : index
    %get3A_8 = vector.load %arg2[%get3A_6, %get3A_7] : memref<4000x64xf32, #tpu.memory_space<vmem>>, vector<4000x64xf32>
    %add3A = arith.addf %dot_general3A_5, %get3A_8 : vector<4000x64xf32>
    %get3A_9 = arith.constant 0 : index
    %get3A_10 = arith.constant 0 : index
    %get3A_11 = vector.load %arg3[%get3A_9, %get3A_10] : memref<4000x64xf32, #tpu.memory_space<vmem>>, vector<4000x64xf32>
    %add3A_12 = arith.addf %add3A, %get3A_11 : vector<4000x64xf32>
    %get3A_13 = arith.constant 0 : index
    %get3A_14 = arith.constant 0 : index
    %get3A_15 = vector.load %arg5[%get3A_13, %get3A_14] : memref<1x64xf32, #tpu.memory_space<vmem>>, vector<1x64xf32>
    %add3A_16 = vector.broadcast %get3A_15 : vector<1x64xf32> to vector<4000x64xf32>
    %add3A_17 = arith.addf %add3A_12, %add3A_16 : vector<4000x64xf32>
    %max3A = arith.constant 0.000000e+00 : f32
    %max3A_18 = vector.broadcast %max3A : f32 to vector<4000x64xf32>
    %max3A_19 = arith.maximumf %add3A_17, %max3A_18 : vector<4000x64xf32>
    %get3A_20 = arith.constant 0 : index
    %get3A_21 = arith.constant 0 : index
    %get3A_22 = vector.load %arg6[%get3A_20, %get3A_21] : memref<64x64xf32, #tpu.memory_space<vmem>>, vector<64x64xf32>
    %dot_general3A_23 = arith.constant dense<0.000000e+00> : vector<4000x64xf32>
    %dot_general3A_24 = tpu.matmul %max3A_19, %get3A_22, %dot_general3A_23 {dimension_numbers = #tpu.dot_dimension_numbers<[1], [0], [0], [1], [0, 0, 1, 1], [], []>, transpose_lhs_hint = false} : vector<4000x64xf32>, vector<64x64xf32>, vector<4000x64xf32> -> vector<4000x64xf32>
    %get3A_25 = arith.constant 0 : index
    %get3A_26 = arith.constant 0 : index
    %get3A_27 = vector.load %arg7[%get3A_25, %get3A_26] : memref<1x64xf32, #tpu.memory_space<vmem>>, vector<1x64xf32>
    %add3A_28 = vector.broadcast %get3A_27 : vector<1x64xf32> to vector<4000x64xf32>
    %add3A_29 = arith.addf %dot_general3A_24, %add3A_28 : vector<4000x64xf32>
    %max3A_30 = arith.constant 0.000000e+00 : f32
    %max3A_31 = vector.broadcast %max3A_30 : f32 to vector<4000x64xf32>
    %max3A_32 = arith.maximumf %add3A_29, %max3A_31 : vector<4000x64xf32>
    %get3A_33 = arith.constant 0 : index
    %get3A_34 = arith.constant 0 : index
    %get3A_35 = vector.load %arg8[%get3A_33, %get3A_34] : memref<64x1xf32, #tpu.memory_space<vmem>>, vector<64x1xf32>
    %dot_general3A_36 = arith.constant dense<0.000000e+00> : vector<4000x1xf32>
    %dot_general3A_37 = tpu.matmul %max3A_32, %get3A_35, %dot_general3A_36 {dimension_numbers = #tpu.dot_dimension_numbers<[1], [0], [0], [1], [0, 0, 1, 1], [], []>, transpose_lhs_hint = false} : vector<4000x64xf32>, vector<64x1xf32>, vector<4000x1xf32> -> vector<4000x1xf32>
    %get3A_38 = arith.constant 0 : index
    %get3A_39 = arith.constant 0 : index
    %get3A_40 = vector.load %arg9[%get3A_38, %get3A_39] : memref<1x1xf32, #tpu.memory_space<vmem>>, vector<1x1xf32>
    %add3A_41 = vector.broadcast %get3A_40 : vector<1x1xf32> to vector<4000x1xf32>
    %add3A_42 = arith.addf %dot_general3A_37, %add3A_41 : vector<4000x1xf32>
    %logistic3A = arith.negf %add3A_42 : vector<4000x1xf32>
    %logistic3A_43 = math.exp %logistic3A : vector<4000x1xf32>
    %logistic3A_44 = arith.constant 1.000000e+00 : f32
    %logistic3A_45 = vector.broadcast %logistic3A_44 : f32 to vector<4000x1xf32>
    %logistic3A_46 = arith.addf %logistic3A_45, %logistic3A_43 : vector<4000x1xf32>
    %logistic3A_47 = arith.divf %logistic3A_45, %logistic3A_46 : vector<4000x1xf32>
    %swap3A = arith.constant 0 : index
    %swap3A_48 = arith.constant 0 : index
    %swap3A_49 = vector.load %arg10[%swap3A, %swap3A_48] : memref<4000x1xf32, #tpu.memory_space<vmem>>, vector<4000x1xf32>
    tpu.vector_store %arg10[%swap3A, %swap3A_48], %logistic3A_47 {strides = array<i32>} : memref<4000x1xf32, #tpu.memory_space<vmem>>, vector<4000x1xf32>,
    return
  }
  func.func @transform_0(%arg0: i32) -> (i32, i32) {
    %c0_i32 = arith.constant 0 : i32
    %c0_i32_0 = arith.constant 0 : i32
    return %arg0, %c0_i32 : i32, i32
  }
  func.func @transform_1(%arg0: i32) -> (i32, i32) {
    %c0_i32 = arith.constant 0 : i32
    %c0_i32_0 = arith.constant 0 : i32
    return %arg0, %c0_i32 : i32, i32
  }
  func.func @transform_2(%arg0: i32) -> (i32, i32) {
    %c0_i32 = arith.constant 0 : i32
    %c0_i32_0 = arith.constant 0 : i32
    return %arg0, %c0_i32 : i32, i32
  }
  func.func @transform_3(%arg0: i32) -> (i32, i32) {
    %c0_i32 = arith.constant 0 : i32
    %c0_i32_0 = arith.constant 0 : i32
    %c0_i32_1 = arith.constant 0 : i32
    return %c0_i32, %c0_i32_0 : i32, i32
  }
  func.func @transform_4(%arg0: i32) -> (i32, i32) {
    %c0_i32 = arith.constant 0 : i32
    %c0_i32_0 = arith.constant 0 : i32
    %c0_i32_1 = arith.constant 0 : i32
    return %c0_i32, %c0_i32_0 : i32, i32
  }
  func.func @transform_5(%arg0: i32) -> (i32, i32) {
    %c0_i32 = arith.constant 0 : i32
    %c0_i32_0 = arith.constant 0 : i32
    %c0_i32_1 = arith.constant 0 : i32
    return %c0_i32, %c0_i32_0 : i32, i32
  }
  func.func @transform_6(%arg0: i32) -> (i32, i32) {
    %c0_i32 = arith.constant 0 : i32
    %c0_i32_0 = arith.constant 0 : i32
    %c0_i32_1 = arith.constant 0 : i32
    return %c0_i32, %c0_i32_0 : i32, i32
  }
  func.func @transform_7(%arg0: i32) -> (i32, i32) {
    %c0_i32 = arith.constant 0 : i32
    %c0_i32_0 = arith.constant 0 : i32
    %c0_i32_1 = arith.constant 0 : i32
    return %c0_i32, %c0_i32_0 : i32, i32
  }
  func.func @transform_8(%arg0: i32) -> (i32, i32) {
    %c0_i32 = arith.constant 0 : i32
    %c0_i32_0 = arith.constant 0 : i32
    %c0_i32_1 = arith.constant 0 : i32
    return %c0_i32, %c0_i32_0 : i32, i32
  }
  func.func @transform_9(%arg0: i32) -> (i32, i32) {
    %c0_i32 = arith.constant 0 : i32
    %c0_i32_0 = arith.constant 0 : i32
    return %arg0, %c0_i32 : i32, i32
  }
}

</mosaic_0001>

<sc_bundles>
// kernel: kernel.18.cloned.1.call-start
scs
__scs_entry_jumppad:
0x0: {  	(pc) =	sbr.rel $0x88, $3  }
0x1: {  	(tag) =	ssettag $0x0;
	lr =	simm.s32 $0x1  }
0x2: {  	[smem:$0x3F71] =	sst lr;
	_ =	strace $0xD0000000  }
0x3: {  	_ = 	snop  }
0x4: {  	_ = 	snop  }
0x5: {  	_ = 	snop  }
0x6: {  	_ = 	snop  }
0x7: {  	_ = 	snop  }
__scs_overlays_trampoline_lowered:
0x8: {  	[smem:$0x3F80] =	sst s0  }
0x9: {  	[smem:$0x3F81] =	sst s1  }
0xa: {  	[smem:$0x3F82] =	sst s2  }
0xb: {  	[smem:$0x3F83] =	sst s3  }
0xc: {  	[smem:$0x3F84] =	sst s4  }
0xd: {  	[smem:$0x3F85] =	sst s5  }
0xe: {  	[smem:$0x3F86] =	sst s6  }
0xf: {  	[smem:$0x3F87] =	sst s7  }
0x10: {  	[smem:$0x3F88] =	sst s8  }
0x11: {  	[smem:$0x3F89] =	sst s9;
	s0 =	simm.s32 @!p0 $0x0  }
0x12: {  	s1 =	sld [smem:$0x3F6F];
	s0 =	simm.s32 @p0 $0x1  }
0x13: {  	[smem:$0x3F8A] =	sst s0;
	s0 =	simm.s32 @!p1 $0x0  }
0x14: {  	s2 =	sld [smem:$0x3F6E];
	s0 =	simm.s32 @p1 $0x1  }
0x15: {  	[smem:$0x3F8B] =	sst s0;
	s0 =	simm.s32 @!p2 $0x0  }
0x16: {  	s3 =	sld [smem:$0x3FDB];
	s0 =	simm.s32 @p2 $0x1  }
0x17: {  	s4 =	simm.s32 $0x1BF5;
	[smem:$0x3F8D] =	sst s0  }
0x18: {  	s0 =	sld [smem:$0x3F70];
	_ =	swait.ge [sflag:s4], $0x0  }
0x19: {  	s7 =	sld [smem:$0x3F71]  }
0x1a: {  	s8 =	sadd.s32 $0xFFFFE003, lr  }
0x1b: {  	s9 =	sadd.s32 $0xFFFFFEF7, lr;
	s5 =	simm.s32 $0xFFFFFFFF;
	p2 =	slt.u32 s8, $0xFFFFF086  }
0x1c: {  	p1 =	slt.u32 s9, $0xF7A;
	s5 =	simm.s32 @!p2 $0x0  }
0x1d: {  	s5 =	simm.s32 @p1 $0x1;
	p0 =	seq.s32 s7, s2  }
0x1e: {  	s7 =	smul.u32 @!p0 $0xF7A, s2;
	p2 =	seq.s32 @!p0 s5, $0x0  }
0x1f: {  	s9 =	smul.u32 $0xF7A, s1;
	s8 =	simm.s32 @!p0 $0x1BF5;
	p2 =	por !p2, p0  }
0x20: {  	[sflag:s8] =	ssyncset.s32 @!p0 $0xFFFFF086;
	s6 =	sadd.s32 @!p0 s3, s7;
	s7 =	simm.s32 @!p0 $0x108  }
0x21: {  	s3 =	sadd.s32 s3, s9;
	s6 =	sadd.s32 @!p0 $0x88, s6;
	s7 =	simm.s32 @p2 $0x1082  }
0x22: {  	[simem:s7], [sflag:s8] =	dma.local @!p0 [hbm:s6], $0xF7A  }
0x23: {  	s9 =	sor.u32 $0xD0000000, s2;
	s6 =	simm.s32 $0x108;
	_ =	swait.ge @!p0 [sflag:s8], $0x0  }
0x24: {  	s3 =	sadd.s32 $0x88, s3;
	s6 =	simm.s32 @!p1 $0x1082;
	[sflag:s4] =	ssyncset.s32 $0xFFFFF086  }
0x25: {  	[simem:s6], [sflag:s4] =	dma.local [hbm:s3], $0xF7A  }
0x26: {  	[smem:$0x3F71] =	sst s1;
	(tag) =	ssettag s2;
	_ =	strace s9  }
0x27: {  	s1 =	sld [smem:$0x3F81]  }
0x28: {  	s2 =	sld [smem:$0x3F82]  }
0x29: {  	s4 =	sld [smem:$0x3F84]  }
0x2a: {  	p0 =	seq.s32 s5, $0x0;
	s5 =	sld [smem:$0x3F85]  }
0x2b: {  	s6 =	sld [smem:$0x3F86]  }
0x2c: {  	s7 =	sld [smem:$0x3F87]  }
0x2d: {  	s3 =	simm.s32 $0x108;
	s8 =	sld [smem:$0x3F88]  }
0x2e: {  	s3 =	simm.s32 @!p0 $0x1082;
	s9 =	sld [smem:$0x3F89]  }
0x2f: {  	lr =	sadd.s32 s0, s3;
	s0 =	sld [smem:$0x3F80]  }
0x30: {  	s3 =	sld [smem:$0x3F83]  }
0x31: {  	[smem:$0x3F8C] =	sst s10  }
0x32: {  	s10 =	sld [smem:$0x3F8A];
	_ =	sdelay $0x3  }
0x33: {  	p0 =	seq.s32 s10, $0x1;
	s10 =	sld [smem:$0x3F8C];
	_ =	sdelay $0x3  }
0x34: {  	[smem:$0x3F8C] =	sst s10  }
0x35: {  	s10 =	sld [smem:$0x3F8B];
	_ =	sdelay $0x3  }
0x36: {  	p1 =	seq.s32 s10, $0x1;
	s10 =	sld [smem:$0x3F8C];
	_ =	sdelay $0x3  }
0x37: {  	[smem:$0x3F8C] =	sst s10  }
0x38: {  	s10 =	sld [smem:$0x3F8D]  }
0x39: {  	_ = 	snop;
	(pc) =	sbr.ind lr, $3  }
0x3a: {  	_ = 	snop  }
0x3b: {  	_ = 	snop  }
0x3c: {  	p2 =	seq.s32 s10, $0x1;
	s10 =	sld [smem:$0x3F8C]  }
0x3d: {  	_ =	shalt  }
0x3e: {  	_ =	shalt  }
0x3f: {  	_ =	shalt  }
0x40: {  	_ =	shalt  }
0x41: {  	_ =	shalt  }
0x42: {  	_ =	shalt  }
0x43: {  	_ =	shalt  }
0x44: {  	_ =	shalt  }
0x45: {  	_ =	shalt  }
0x46: {  	_ =	shalt  }
0x47: {  	_ =	shalt  }
0x48: {  	_ =	shalt  }
0x49: {  	_ =	shalt  }
0x4a: {  	_ =	shalt  }
0x4b: {  	_ =	shalt  }
0x4c: {  	_ =	shalt  }
0x4d: {  	_ =	shalt  }
0x4e: {  	_ =	shalt  }
0x4f: {  	_ =	shalt  }
0x50: {  	_ =	shalt  }
0x51: {  	_ =	shalt  }
0x52: {  	_ =	shalt  }
0x53: {  	_ =	shalt  }
0x54: {  	_ =	shalt  }
0x55: {  	_ =	shalt  }
0x56: {  	_ =	shalt  }
0x57: {  	_ =	shalt  }
0x58: {  	_ =	shalt  }
0x59: {  	_ =	shalt  }
0x5a: {  	_ =	shalt  }
0x5b: {  	_ =	shalt  }
0x5c: {  	_ =	shalt  }
0x5d: {  	_ =	shalt  }
0x5e: {  	_ =	shalt  }
0x5f: {  	_ =	shalt  }
0x60: {  	_ =	shalt  }
0x61: {  	_ =	shalt  }
0x62: {  	_ =	shalt  }
0x63: {  	_ =	shalt  }
0x64: {  	_ =	shalt  }
0x65: {  	_ =	shalt  }
0x66: {  	_ =	shalt  }
0x67: {  	_ =	shalt  }
0x68: {  	_ =	shalt  }
0x69: {  	_ =	shalt  }
0x6a: {  	_ =	shalt  }
0x6b: {  	_ =	shalt  }
0x6c: {  	_ =	shalt  }
0x6d: {  	_ =	shalt  }
0x6e: {  	_ =	shalt  }
0x6f: {  	_ =	shalt  }
0x70: {  	_ =	shalt  }
0x71: {  	_ =	shalt  }
0x72: {  	_ =	shalt  }
0x73: {  	_ =	shalt  }
0x74: {  	_ =	shalt  }
0x75: {  	_ =	shalt  }
0x76: {  	_ =	shalt  }
0x77: {  	_ =	shalt  }
0x78: {  	_ =	shalt  }
0x79: {  	_ =	shalt  }
0x7a: {  	_ =	shalt  }
0x7b: {  	_ =	shalt  }
0x7c: {  	_ =	shalt  }
0x7d: {  	_ =	shalt  }
0x7e: {  	_ =	shalt  }
0x7f: {  	_ =	shalt  }
0x80: {  	_ =	shalt  }
0x81: {  	_ =	shalt  }
0x82: {  	_ =	shalt  }
0x83: {  	_ =	shalt  }
0x84: {  	_ =	shalt  }
0x85: {  	_ =	shalt  }
0x86: {  	_ =	shalt  }
0x87: {  	_ =	shalt  }
.Lfunc_end0:
.L_simem_size_0:
called_computation_lowered:
.L_overlay_start_0:
0x88: {  	s2 =	sld [smem:$0x3FD9]  }
0x89: {  	s3 =	sld [smem:$0x3FFE];
	_ =	sdelay $0x1  }
0x8a: {  	s1 =	srdreg.scid  }
0x8b: {  	s0 =	sand.u32 $0x1, s1  }
0x8c: {  	s17 =	sshll.u32 s0, $0xA;
	s2 =	sadd.s32 s3, s2  }
0x8d: {  	s2 =	sadd.s32 s2, s17  }
0x8e: {  	[smem:$0x3F98] =	sst s2  }
0x8f: {  	_ = 	snop  }
0x90: {  	(tm) =	ssettm $0x1  }
0x91: {  	s18 =	sld [smem:$0x3FFB];
	_ =	sdelay $0x3  }
0x92: {  	_ =	strace s18  }
0x93: {  	s2 =	sld [smem:$0x3FFC];
	_ =	sdelay $0x3  }
0x94: {  	_ =	strace s2  }
0x95: {  	s2 =	sld [smem:$0x3FFD];
	_ =	sdelay $0x3  }
0x96: {  	_ =	strace s2  }
0x97: {  	_ =	strace $0x8FFFFFFF  }
0x98: {  	s19 =	sld [smem:$0x3FDB];
	_ =	sdelay $0x1  }
0x99: {  	s20 =	simm.s32 $_scs_section_size  }
0x9a: {  	s4 =	simm.s32 $_size__tile_overlayer_lowered;
	s5 =	simm.s32 $_tile_overlayer_lowered  }
0x9b: {  	s6 =	simm.s32 $0x1BFF;
	s21 =	sshll.u32 s5, $0x1;
	s3 =	sadd.s32 s20, s19  }
0x9c: {  	s22 =	simm.s32 $0x0;
	s4 =	sshll.u32 s4, $0x1;
	s5 =	sadd.s32 s21, s3  }
0x9d: {  	[timem:s22], [sflag:s6] =	dma.local [hbm:s5], s4  }
0x9e: {  	_ =	swait.ge [sflag:s6], s4  }
0x9f: {  	s4 =	ssub.s32 $0x0, s4;
	[sflag:s6] =	ssyncset.done $0x0  }
0xa0: {  	[sflag:s6] =	ssyncadd.s32 s4;
	_ =	sdelay $0x1  }
0xa1: {  	s23 =	simm.s32 $0x1B8B  }
0xa2: {  	_ =	swait.ge [sflag:s23], $0x1  }
0xa3: {  	[sflag:s23] =	ssyncset.done $0x0  }
0xa4: {  	[sflag:s23] =	ssyncadd.s32 $0xFFFFFFFF  }
0xa5: {  	s4 =	sld [smem:$0x0]  }
0xa6: {  	s5 =	sand.u32 $0xFFFFFFFE, s1  }
0xa7: {  	p0 =	sne.s32 s1, s5  }
0xa8: {  	s5 =	sshll.u32 @p0 s5, $0xE  }
0xa9: {  	s5 =	sadd.s32 @p0 $0x11B8D, s5;
	s6 =	sshll.u32 @p0 s4, $0x11  }
0xaa: {  	s5 =	sor.u32 @p0 s6, s5  }
0xab: {  	[sflag:s5] =	ssyncadd.remote.s32 @p0 $0x1;
	_ =	sdelay $0x1  }
0xac: {  	s5 =	simm.s32 @p0 $0x1B8D  }
0xad: {  	_ =	swait.eq @p0 [sflag:s5], $0x1  }
0xae: {  	[sflag:s5] =	ssyncadd.s32 @p0 $0xFFFFFFFF  }
0xaf: {  	s6 =	sshll.u32 @!p0 s1, $0xE  }
0xb0: {  	s6 =	sor.u32 @!p0 $0x4000, s6;
	s5 =	simm.s32 @!p0 $0x1B8D  }
0xb1: {  	s4 =	sshll.u32 @!p0 s4, $0x11;
	s6 =	sadd.s32 @!p0 $0x11B8D, s6;
	_ =	swait.eq @!p0 [sflag:s5], $0x1  }
0xb2: {  	s4 =	sor.u32 @!p0 s4, s6;
	[sflag:s5] =	ssyncadd.s32 @!p0 $0xFFFFFFFF  }
0xb3: {  	s25 =	simm.s32 $0x1B8E;
	s24 =	sld [smem:$0x3FFE];
	[sflag:s4] =	ssyncadd.remote.s32 @!p0 $0x1  }
0xb4: {  	s26 =	simm.s32 $execute0_lowered;
	[smem:$0x3FD2] =	sst s25  }
0xb5: {  	s5 =	sshll.u32 s26, $0x1;
	_ =	strace $0x80000049;
	[dreg:$0x1] =	wrdreg $0xFFFFFFFF  }
0xb6: {  	s28 =	simm.s32 $_size_execute0_lowered;
	s3 =	sadd.s32 s3, s5;
	[dreg:$0x0] =	wrdreg $0x0  }
0xb7: {  	s5 =	sshll.u32 s28, $0x1;
	[dreg:$0x2] =	wrdreg s3  }
0xb8: {  	[dreg:$0x3] =	wrdreg s5  }
0xb9: {  	[dreg:$0x4] =	wrdreg $0xC0  }
0xba: {  	_ =	task [dreg:s22], $0x5FFFF  }
0xbb: {  	[dreg:$0x1] =	wrdreg $0xFFFFFFFF  }
0xbc: {  	[dreg:$0x0] =	wrdreg $0x60  }
0xbd: {  	[dreg:$0x2] =	wrdreg s24  }
0xbe: {  	[dreg:$0x3] =	wrdreg $0x10800  }
0xbf: {  	[dreg:$0x4] =	wrdreg $0x9  }
0xc0: {  	_ =	task.clear_ibuf [dreg:s22], $0x5FFFF;
	_ =	strace $0x90000049  }
0xc1: {  	s29 =	simm.s32 $0x9;
	_ =	strace $0x8000004B  }
0xc2: {  	_ =	swait.ge [sflag:s29], $0x1  }
0xc3: {  	[sflag:s29] =	ssyncadd.s32 $0xFFFFFFFF  }
0xc4: {  	_ =	strace $0x9000004B  }
0xc5: {  	_ =	sfence  }
0xc6: {  	s30 =	sld [smem:$0x0];
	_ =	sdelay $0x2  }
0xc7: {  	s31 =	sshll.u32 s1, $0xD;
	s1 =	sshrl.u32 s1, $0x2  }
0xc8: {  	s4 =	sand.u32 $0x4000, s31;
	s1 =	sadd.s32 s1, s30  }
0xc9: {  	s0 =	sor.u32 s4, s0;
	s1 =	sshll.u32 s1, $0x11  }
0xca: {  	s0 =	sor.u32 s1, s0  }
0xcb: {  	s0 =	sadd.s32 $0x8F2B, s0  }
0xcc: {  	[sflag:s0] =	ssyncadd.remote.s32 $0x1  }
0xcd: {  	_ =	sfence.sel $0xFFFF  }
0xce: {  	[dreg:$0x0] =	wrdreg $0xFFFFFFFF;
	(pc) =	sbr.abs _section_cstart, $3  }
0xcf: {  	[dreg:$0x1] =	wrdreg $0xFFFFFFFF  }
0xd0: {  	_ =	task.clear_ibuf [dreg:s22], $0x2FFFF;
	_ =	strace $0x9FFFFFFF  }
0xd1: {  	(tm) =	ssettm $0x7FFFFFFF  }
tec
execute0_lowered:
.L_overlay_start_1:
0x0: {  	(tag) =	ssettag $0x1  }
0x1: {  	s4 =	rddreg [dreg:$0x0];
	s0 =	srdreg.scid  }
0x2: {  	s2 =	rddreg [dreg:$0x1];
	s1 =	stileid.u32;
	s3 =	simm.s32 $0x0  }
0x3: {  	s5 =	sand.u32 $0x1, s0;
	s0 =	rddreg [dreg:$0x2];
	s7 =	sshll.u32 s1, $0xB  }
0x4: {  	[smem:$0x7FF] =	sst s3;
	s8 =	sshll.u32 s1, $0x5;
	s6 =	smul.u32 $0x187000, s5  }
0x5: {  	s9 =	ssub.s32 $0x2, s5;
	s8 =	sadd.s32 s8, s4;
	_ =	strace $0x8000004A  }
0x6: {  	s31 =	sshll.u32 s5, $0x4;
	s29 =	sshrl.u32 s9, $0x1;
	s6 =	sadd.s32 s7, s6  }
0x7: {  	s8 =	sadd.s32 s31, s8;
	s30 =	ssub.s32 s9, s29;
	s6 =	sshrl.u32 s6, $0x3  }
0x8: {  	s5 =	smax.u32 s30, $0x1;
	s10 =	sadd.s32 s6, s4;
	s4 =	sshll.u32 s1, $0x1  }
0x9: {  	v0 =	vimm.f32 $0.0e+00;
	v1 =	vimm.f32 $1.000000000e+00;
	s6 =	sadd.s32 s7, s2;
	s7 =	sadd.s32 $0x3CC00, s8;
	s8 =	sadd.s32 $0x9E800, s10  }
.LBB2_1:
0xa: {  	s9 =	simm.s32 $0x0  }
.LBB2_2:
0xb: {  	p0 =	sne.s32 s9, $0x1FC0  }
.Ltmp0:
0xc: {  	_ = 	snop;
	(pc) =	sbr.rel @p0 .LBB2_2-.Ltmp0, $4  }
0xd: {  	_ = 	snop  }
0xe: {  	s10 =	sshra.s32 s9, $0x2  }
0xf: {  	[tilespmem:s10+$0x880] =	vst v0  }
0x10: {  	s9 =	sadd.s32 $0x40, s9;
	[tilespmem:s10+$0x80] =	vst v1  }
0x11: {  	s9 =	sadd.s32 $0x0, s1  }
0x12: {  	p0 =	sgt.u32 s9, $0x30D  }
0x13: {  	s9 =	simm.s32 @!p0 $0x880;
	s12 =	simm.s32 @!p0 $0x1  }
0x14: {  	[spmem:s6] =	stream.linear.scatter @!p0 [tilespmem:s9], [sflag:$0x1], $0x800, $0x38;
	[tilespmem:$0x19780] =	vst v63  }
0x15: {  	s10 =	simm.s32 $0x10;
	_ =	swait.ge @!p0 [sflag:s12], $0x800  }
0x16: {  	s11 =	simm.s32 $0x20;
	s9 =	sadd.s32 $0x8000, s6;
	[sflag:s12] =	ssyncset.done @!p0 $0x0  }
.LBB2_4:
0x17: {  	s13 =	sadd.s32 s10, s1;
	s10 =	smov.u32 s11;
	s11 =	sadd.s32 $0x10, s11  }
0x18: {  	[sflag:s12] =	ssyncadd.s32 @!p0 $0xFFFFF800;
	p1 =	sne.s32 s11, $0x310  }
.Ltmp1:
0x19: {  	p0 =	sgt.u32 s13, $0x30D;
	(pc) =	sbr.rel @p1 .LBB2_4-.Ltmp1, $4  }
0x1a: {  	s13 =	simm.s32 @!p0 $0x880;
	s12 =	simm.s32 @!p0 $0x1  }
0x1b: {  	[spmem:s9] =	stream.linear.scatter @!p0 [tilespmem:s13], [sflag:$0x1], $0x800, $0x38;
	[tilespmem:$0x19780] =	vst v63  }
0x1c: {  	_ =	swait.ge @!p0 [sflag:s12], $0x800  }
0x1d: {  	s9 =	sadd.s32 $0x8000, s9;
	[sflag:s12] =	ssyncset.done @!p0 $0x0  }
0x1e: {  	s10 =	sadd.s32 s10, s1  }
0x1f: {  	p1 =	sgt.u32 s10, $0x30D  }
0x20: {  	[sflag:s12] =	ssyncadd.s32 @!p0 $0xFFFFF800;
	s10 =	simm.s32 @!p1 $0x880;
	s11 =	simm.s32 @!p1 $0x1  }
0x21: {  	[spmem:s9] =	stream.linear.scatter @!p1 [tilespmem:s10], [sflag:$0x1], $0x800, $0x38;
	[tilespmem:$0x19780] =	vst v63  }
0x22: {  	_ =	swait.ge @!p1 [sflag:s11], $0x800  }
0x23: {  	s30 =	sadd.s32 $0x0, s4;
	[sflag:s11] =	ssyncset.done @!p1 $0x0  }
0x24: {  	p0 =	sgt.u32 s30, $0x30D3;
	[sflag:s11] =	ssyncadd.s32 @!p1 $0xFFFFF800  }
0x25: {  	s10 =	simm.s32 @!p0 $0x0;
	s11 =	simm.s32 @!p0 $0x2;
	[bflag:$0x0] =	sbarrier.arrive $0xFFFF  }
0x26: {  	[tilespmem:s10], [sflag:$0x2] =	stream.linear.gather @!p0 [hbm4b:s7+s10], $0x80, $0x38;
	[tilespmem:$0x19780] =	vst v63  }
0x27: {  	_ =	swait.ge @!p0 [sflag:s11], $0x80  }
0x28: {  	s31 =	sadd.s32 $0x20, s4;
	[sflag:s11] =	ssyncset.done @!p0 $0x0  }
0x29: {  	s12 =	simm.s32 @!p0 $0x80;
	[sflag:s11] =	ssyncadd.s32 @!p0 $0xFFFFFF80;
	s11 =	simm.s32 @!p0 $0x1  }
0x2a: {  	[spmem:s2] =	stream.indirect.scatter.add.f32 @!p0 [tilespmem:s12], [sflag:$0x1], $0x10, s10, s12, $0xb8;
	[tilespmem:$0x19780] =	vst v63  }
0x2b: {  	s9 =	simm.s32 $0x40;
	p1 =	por p0, p0;
	_ =	swait.ge @!p0 [sflag:s11], $0x800  }
0x2c: {  	s10 =	sadd.s32 $0x200, s7;
	p0 =	sgt.u32 s31, $0x30D3;
	[sflag:s11] =	ssyncset.done @!p1 $0x0  }
.LBB2_6:
0x2d: {  	s12 =	simm.s32 @!p0 $0x0;
	s13 =	simm.s32 @!p0 $0x2  }
0x2e: {  	[sflag:s11] =	ssyncadd.s32 @!p1 $0xFFFFF800;
	s14 =	smov.u32 s9;
	s9 =	sadd.s32 $0x20, s9  }
0x2f: {  	[tilespmem:s12], [sflag:$0x2] =	stream.linear.gather @!p0 [hbm4b:s10+s12], $0x80, $0x38;
	[tilespmem:$0x19780] =	vst v63  }
0x30: {  	p2 =	sne.s32 s9, $0x30E0;
	_ =	swait.ge @!p0 [sflag:s13], $0x80  }
.Ltmp2:
0x31: {  	[sflag:s13] =	ssyncset.done @!p0 $0x0;
	(pc) =	sbr.rel @p2 .LBB2_6-.Ltmp2, $4  }
0x32: {  	s11 =	simm.s32 @!p0 $0x1;
	[sflag:s13] =	ssyncadd.s32 @!p0 $0xFFFFFF80;
	s13 =	simm.s32 @!p0 $0x80  }
0x33: {  	[spmem:s2] =	stream.indirect.scatter.add.f32 @!p0 [tilespmem:s13], [sflag:$0x1], $0x10, s12, s13, $0xb8;
	[tilespmem:$0x19780] =	vst v63  }
0x34: {  	p1 =	por p0, p0;
	s12 =	sadd.s32 s14, s4;
	_ =	swait.ge @!p0 [sflag:s11], $0x800  }
0x35: {  	s10 =	sadd.s32 $0x200, s10;
	p0 =	sgt.u32 s12, $0x30D3;
	[sflag:s11] =	ssyncset.done @!p1 $0x0  }
0x36: {  	s9 =	simm.s32 @!p0 $0x0;
	s12 =	simm.s32 @!p0 $0x2;
	[sflag:s11] =	ssyncadd.s32 @!p1 $0xFFFFF800  }
0x37: {  	[tilespmem:s9], [sflag:$0x2] =	stream.linear.gather @!p0 [hbm4b:s10+s9], $0x80, $0x38;
	[tilespmem:$0x19780] =	vst v63  }
0x38: {  	_ =	swait.ge @!p0 [sflag:s12], $0x80  }
0x39: {  	[sflag:s12] =	ssyncset.done @!p0 $0x0  }
0x3a: {  	s11 =	simm.s32 @!p0 $0x1;
	s10 =	simm.s32 @!p0 $0x80;
	[sflag:s12] =	ssyncadd.s32 @!p0 $0xFFFFFF80  }
0x3b: {  	[spmem:s2] =	stream.indirect.scatter.add.f32 @!p0 [tilespmem:s10], [sflag:$0x1], $0x10, s9, s10, $0xb8;
	[tilespmem:$0x19780] =	vst v63  }
0x3c: {  	_ =	swait.ge @!p0 [sflag:s11], $0x800;
	p0 =	por p0, p0  }
0x3d: {  	s31 =	sadd.s32 $0x0, s1;
	[sflag:s11] =	ssyncset.done @!p0 $0x0  }
0x3e: {  	[sflag:s11] =	ssyncadd.s32 @!p0 $0xFFFFF800;
	p0 =	sgt.u32 s31, $0x30D  }
0x3f: {  	[bflag:$0x0] =	sbarrier.arrive $0xFFFF;
	s9 =	sshll.u32 @!p0 s1, $0x6  }
0x40: {  	s10 =	sshrl.u32 @!p0 s6, $0x3;
	s12 =	simm.s32 @!p0 $0x1;
	s9 =	sor.u32 @!p0 $0x1C01, s9  }
0x41: {  	[hbm:s8], [sflag:s9] =	dma.local @!p0 [spmem:s10], $0x100  }
0x42: {  	s13 =	sadd.s32 $0x10, s1;
	s11 =	sadd.s32 $0x8000, s6;
	_ =	swait.ge @!p0 [sflag:s12], $0x100  }
0x43: {  	s10 =	simm.s32 $0x20;
	s9 =	sadd.s32 $0x1000, s8;
	[sflag:s12] =	ssyncset.done @!p0 $0x0  }
.LBB2_8:
0x44: {  	[sflag:s12] =	ssyncadd.s32 @!p0 $0xFFFFFF00  }
0x45: {  	p0 =	sgt.u32 s13, $0x30D;
	s13 =	smov.u32 s10;
	s10 =	sadd.s32 $0x10, s10  }
0x46: {  	p1 =	sne.s32 s10, $0x310  }
.Ltmp3:
0x47: {  	s12 =	sshll.u32 @!p0 s1, $0x6;
	s14 =	sshrl.u32 @!p0 s11, $0x3;
	(pc) =	sbr.rel @p1 .LBB2_8-.Ltmp3, $4  }
0x48: {  	s15 =	sor.u32 @!p0 $0x1C01, s12;
	s12 =	simm.s32 @!p0 $0x1  }
0x49: {  	[hbm:s9], [sflag:s15] =	dma.local @!p0 [spmem:s14], $0x100  }
0x4a: {  	s9 =	sadd.s32 $0x1000, s9;
	_ =	swait.ge @!p0 [sflag:s12], $0x100  }
0x4b: {  	s13 =	sadd.s32 s13, s1;
	s11 =	sadd.s32 $0x8000, s11;
	[sflag:s12] =	ssyncset.done @!p0 $0x0  }
0x4c: {  	p1 =	sgt.u32 s13, $0x30D;
	[sflag:s12] =	ssyncadd.s32 @!p0 $0xFFFFFF00;
	s3 =	sadd.s32 $0x1, s3  }
0x4d: {  	s10 =	sshll.u32 @!p1 s1, $0x6;
	s11 =	sshrl.u32 @!p1 s11, $0x3;
	p0 =	sne.s32 s3, s5  }
.Ltmp4:
0x4e: {  	s12 =	simm.s32 @!p1 $0x1;
	s10 =	sor.u32 @!p1 $0x1C01, s10;
	(pc) =	sbr.rel @p0 .LBB2_1-.Ltmp4, $4  }
0x4f: {  	[hbm:s9], [sflag:s10] =	dma.local @!p1 [spmem:s11], $0x100  }
0x50: {  	_ =	swait.ge @!p1 [sflag:s12], $0x100  }
0x51: {  	[sflag:s12] =	ssyncset.done @!p1 $0x0  }
0x52: {  	[sflag:s12] =	ssyncadd.s32 @!p1 $0xFFFFFF00  }
0x53: {  	_ =	sfence.sel $0x180000  }
0x54: {  	[bflag:$0x0] =	sbarrier.arrive $0xFFFF  }
0x55: {  	p0 =	sne.s32 s1, $0x0;
	_ =	strace $0x9000004A  }
0x56: {  	s0 =	sadd.s32 @!p0 $0x100000, s0;
	[bflag:$0x2] =	sbarrier.arrive $0xFFFF  }
0x57: {  	[sflag:s0] =	ssyncadd.tile.s32 @!p0 $0x1;
	_ =	shalt  }
.Lfunc_end2:
_tile_overlayer_lowered:
.L_overlay_start_2:
0x58: {  	(tag) =	ssettag $0x2  }
0x59: {  	s0 =	rddreg [dreg:$0x0];
	s2 =	stileid.u32  }
0x5a: {  	s1 =	rddreg [dreg:$0x1];
	p0 =	sne.s32 s2, $0x0  }
0x5b: {  	s3 =	rddreg [dreg:$0x2];
	[bflag:$0x3] =	sbarrier.arrive $0xFFFF;
	s2 =	simm.s32 @!p0 $0x1C01  }
0x5c: {  	[timem:s3], [sflag:s2] =	dma.local @!p0 [hbm:s0], s1  }
0x5d: {  	s0 =	simm.s32 @!p0 $0x1  }
0x5e: {  	_ =	swait.ge @!p0 [sflag:s0], s1  }
0x5f: {  	s1 =	ssub.s32 @!p0 $0x0, s1;
	[sflag:s0] =	ssyncset.done @!p0 $0x0  }
0x60: {  	[sflag:s0] =	ssyncadd.s32 @!p0 s1  }
0x61: {  	[bflag:$0x3] =	sbarrier.arrive $0xFFFF  }
0x62: {  	_ =	shalt  }

// kernel: kernel.21.cloned.1.call-start
scs
__scs_entry_jumppad:
0x0: {  	(pc) =	sbr.rel $0x88, $3  }
0x1: {  	(tag) =	ssettag $0x0;
	lr =	simm.s32 $0x1  }
0x2: {  	[smem:$0x3F71] =	sst lr;
	_ =	strace $0xD0000000  }
0x3: {  	_ = 	snop  }
0x4: {  	_ = 	snop  }
0x5: {  	_ = 	snop  }
0x6: {  	_ = 	snop  }
0x7: {  	_ = 	snop  }
__scs_overlays_trampoline_lowered:
0x8: {  	[smem:$0x3F80] =	sst s0  }
0x9: {  	[smem:$0x3F81] =	sst s1  }
0xa: {  	[smem:$0x3F82] =	sst s2  }
0xb: {  	[smem:$0x3F83] =	sst s3  }
0xc: {  	[smem:$0x3F84] =	sst s4  }
0xd: {  	[smem:$0x3F85] =	sst s5  }
0xe: {  	[smem:$0x3F86] =	sst s6  }
0xf: {  	[smem:$0x3F87] =	sst s7  }
0x10: {  	[smem:$0x3F88] =	sst s8  }
0x11: {  	[smem:$0x3F89] =	sst s9;
	s0 =	simm.s32 @!p0 $0x0  }
0x12: {  	s1 =	sld [smem:$0x3F6F];
	s0 =	simm.s32 @p0 $0x1  }
0x13: {  	[smem:$0x3F8A] =	sst s0;
	s0 =	simm.s32 @!p1 $0x0  }
0x14: {  	s2 =	sld [smem:$0x3F6E];
	s0 =	simm.s32 @p1 $0x1  }
0x15: {  	[smem:$0x3F8B] =	sst s0;
	s0 =	simm.s32 @!p2 $0x0  }
0x16: {  	s3 =	sld [smem:$0x3FDB];
	s0 =	simm.s32 @p2 $0x1  }
0x17: {  	s4 =	simm.s32 $0x1BF5;
	[smem:$0x3F8D] =	sst s0  }
0x18: {  	s0 =	sld [smem:$0x3F70];
	_ =	swait.ge [sflag:s4], $0x0  }
0x19: {  	s7 =	sld [smem:$0x3F71]  }
0x1a: {  	s8 =	sadd.s32 $0xFFFFE003, lr  }
0x1b: {  	s9 =	sadd.s32 $0xFFFFFEF7, lr;
	s5 =	simm.s32 $0xFFFFFFFF;
	p2 =	slt.u32 s8, $0xFFFFF086  }
0x1c: {  	p1 =	slt.u32 s9, $0xF7A;
	s5 =	simm.s32 @!p2 $0x0  }
0x1d: {  	s5 =	simm.s32 @p1 $0x1;
	p0 =	seq.s32 s7, s2  }
0x1e: {  	s7 =	smul.u32 @!p0 $0xF7A, s2;
	p2 =	seq.s32 @!p0 s5, $0x0  }
0x1f: {  	s9 =	smul.u32 $0xF7A, s1;
	s8 =	simm.s32 @!p0 $0x1BF5;
	p2 =	por !p2, p0  }
0x20: {  	[sflag:s8] =	ssyncset.s32 @!p0 $0xFFFFF086;
	s6 =	sadd.s32 @!p0 s3, s7;
	s7 =	simm.s32 @!p0 $0x108  }
0x21: {  	s3 =	sadd.s32 s3, s9;
	s6 =	sadd.s32 @!p0 $0x88, s6;
	s7 =	simm.s32 @p2 $0x1082  }
0x22: {  	[simem:s7], [sflag:s8] =	dma.local @!p0 [hbm:s6], $0xF7A  }
0x23: {  	s9 =	sor.u32 $0xD0000000, s2;
	s6 =	simm.s32 $0x108;
	_ =	swait.ge @!p0 [sflag:s8], $0x0  }
0x24: {  	s3 =	sadd.s32 $0x88, s3;
	s6 =	simm.s32 @!p1 $0x1082;
	[sflag:s4] =	ssyncset.s32 $0xFFFFF086  }
0x25: {  	[simem:s6], [sflag:s4] =	dma.local [hbm:s3], $0xF7A  }
0x26: {  	[smem:$0x3F71] =	sst s1;
	(tag) =	ssettag s2;
	_ =	strace s9  }
0x27: {  	s1 =	sld [smem:$0x3F81]  }
0x28: {  	s2 =	sld [smem:$0x3F82]  }
0x29: {  	s4 =	sld [smem:$0x3F84]  }
0x2a: {  	p0 =	seq.s32 s5, $0x0;
	s5 =	sld [smem:$0x3F85]  }
0x2b: {  	s6 =	sld [smem:$0x3F86]  }
0x2c: {  	s7 =	sld [smem:$0x3F87]  }
0x2d: {  	s3 =	simm.s32 $0x108;
	s8 =	sld [smem:$0x3F88]  }
0x2e: {  	s3 =	simm.s32 @!p0 $0x1082;
	s9 =	sld [smem:$0x3F89]  }
0x2f: {  	lr =	sadd.s32 s0, s3;
	s0 =	sld [smem:$0x3F80]  }
0x30: {  	s3 =	sld [smem:$0x3F83]  }
0x31: {  	[smem:$0x3F8C] =	sst s10  }
0x32: {  	s10 =	sld [smem:$0x3F8A];
	_ =	sdelay $0x3  }
0x33: {  	p0 =	seq.s32 s10, $0x1;
	s10 =	sld [smem:$0x3F8C];
	_ =	sdelay $0x3  }
0x34: {  	[smem:$0x3F8C] =	sst s10  }
0x35: {  	s10 =	sld [smem:$0x3F8B];
	_ =	sdelay $0x3  }
0x36: {  	p1 =	seq.s32 s10, $0x1;
	s10 =	sld [smem:$0x3F8C];
	_ =	sdelay $0x3  }
0x37: {  	[smem:$0x3F8C] =	sst s10  }
0x38: {  	s10 =	sld [smem:$0x3F8D]  }
0x39: {  	_ = 	snop;
	(pc) =	sbr.ind lr, $3  }
0x3a: {  	_ = 	snop  }
0x3b: {  	_ = 	snop  }
0x3c: {  	p2 =	seq.s32 s10, $0x1;
	s10 =	sld [smem:$0x3F8C]  }
0x3d: {  	_ =	shalt  }
0x3e: {  	_ =	shalt  }
0x3f: {  	_ =	shalt  }
0x40: {  	_ =	shalt  }
0x41: {  	_ =	shalt  }
0x42: {  	_ =	shalt  }
0x43: {  	_ =	shalt  }
0x44: {  	_ =	shalt  }
0x45: {  	_ =	shalt  }
0x46: {  	_ =	shalt  }
0x47: {  	_ =	shalt  }
0x48: {  	_ =	shalt  }
0x49: {  	_ =	shalt  }
0x4a: {  	_ =	shalt  }
0x4b: {  	_ =	shalt  }
0x4c: {  	_ =	shalt  }
0x4d: {  	_ =	shalt  }
0x4e: {  	_ =	shalt  }
0x4f: {  	_ =	shalt  }
0x50: {  	_ =	shalt  }
0x51: {  	_ =	shalt  }
0x52: {  	_ =	shalt  }
0x53: {  	_ =	shalt  }
0x54: {  	_ =	shalt  }
0x55: {  	_ =	shalt  }
0x56: {  	_ =	shalt  }
0x57: {  	_ =	shalt  }
0x58: {  	_ =	shalt  }
0x59: {  	_ =	shalt  }
0x5a: {  	_ =	shalt  }
0x5b: {  	_ =	shalt  }
0x5c: {  	_ =	shalt  }
0x5d: {  	_ =	shalt  }
0x5e: {  	_ =	shalt  }
0x5f: {  	_ =	shalt  }
0x60: {  	_ =	shalt  }
0x61: {  	_ =	shalt  }
0x62: {  	_ =	shalt  }
0x63: {  	_ =	shalt  }
0x64: {  	_ =	shalt  }
0x65: {  	_ =	shalt  }
0x66: {  	_ =	shalt  }
0x67: {  	_ =	shalt  }
0x68: {  	_ =	shalt  }
0x69: {  	_ =	shalt  }
0x6a: {  	_ =	shalt  }
0x6b: {  	_ =	shalt  }
0x6c: {  	_ =	shalt  }
0x6d: {  	_ =	shalt  }
0x6e: {  	_ =	shalt  }
0x6f: {  	_ =	shalt  }
0x70: {  	_ =	shalt  }
0x71: {  	_ =	shalt  }
0x72: {  	_ =	shalt  }
0x73: {  	_ =	shalt  }
0x74: {  	_ =	shalt  }
0x75: {  	_ =	shalt  }
0x76: {  	_ =	shalt  }
0x77: {  	_ =	shalt  }
0x78: {  	_ =	shalt  }
0x79: {  	_ =	shalt  }
0x7a: {  	_ =	shalt  }
0x7b: {  	_ =	shalt  }
0x7c: {  	_ =	shalt  }
0x7d: {  	_ =	shalt  }
0x7e: {  	_ =	shalt  }
0x7f: {  	_ =	shalt  }
0x80: {  	_ =	shalt  }
0x81: {  	_ =	shalt  }
0x82: {  	_ =	shalt  }
0x83: {  	_ =	shalt  }
0x84: {  	_ =	shalt  }
0x85: {  	_ =	shalt  }
0x86: {  	_ =	shalt  }
0x87: {  	_ =	shalt  }
.Lfunc_end0:
.L_simem_size_0:
called_computation.1_lowered:
.L_overlay_start_0:
0x88: {  	s2 =	sld [smem:$0x3FD9]  }
0x89: {  	s3 =	sld [smem:$0x3FFE];
	_ =	sdelay $0x1  }
0x8a: {  	s1 =	srdreg.scid  }
0x8b: {  	s0 =	sand.u32 $0x1, s1  }
0x8c: {  	s17 =	sshll.u32 s0, $0xA;
	s2 =	sadd.s32 s3, s2  }
0x8d: {  	s2 =	sadd.s32 s2, s17  }
0x8e: {  	[smem:$0x3F98] =	sst s2  }
0x8f: {  	_ = 	snop  }
0x90: {  	s2 =	sld [smem:$0x3FD0];
	(tm) =	ssettm $0x1  }
0x91: {  	s18 =	sld [smem:$0x3FFB];
	_ =	sdelay $0x3  }
0x92: {  	_ =	strace s18  }
0x93: {  	s3 =	sld [smem:$0x3FFC];
	_ =	sdelay $0x3  }
0x94: {  	_ =	strace s3  }
0x95: {  	s3 =	sld [smem:$0x3FFD];
	_ =	sdelay $0x3  }
0x96: {  	_ =	strace s3  }
0x97: {  	_ =	strace $0x8FFFFFFF  }
0x98: {  	s19 =	sld [smem:$0x3FDB];
	_ =	sdelay $0x1  }
0x99: {  	s4 =	simm.s32 $_scs_section_size  }
0x9a: {  	s5 =	simm.s32 $_size__tile_overlayer_lowered;
	s6 =	simm.s32 $_tile_overlayer_lowered  }
0x9b: {  	s22 =	simm.s32 $0x1BFF;
	s21 =	sshll.u32 s6, $0x1;
	s3 =	sadd.s32 s4, s19  }
0x9c: {  	s7 =	simm.s32 $0x0;
	s20 =	sshll.u32 s5, $0x1;
	s5 =	sadd.s32 s21, s3  }
0x9d: {  	[timem:s7], [sflag:s22] =	dma.local [hbm:s5], s20  }
0x9e: {  	_ =	swait.ge [sflag:s22], s20  }
0x9f: {  	s4 =	ssub.s32 $0x0, s20;
	[sflag:s22] =	ssyncset.done $0x0  }
0xa0: {  	[sflag:s22] =	ssyncadd.s32 s4;
	_ =	sdelay $0x1  }
0xa1: {  	s23 =	simm.s32 $0x1B8B  }
0xa2: {  	_ =	swait.ge [sflag:s23], $0x1  }
0xa3: {  	[sflag:s23] =	ssyncset.done $0x0  }
0xa4: {  	s25 =	simm.s32 $0x1B8E;
	s24 =	sld [smem:$0x3FFE];
	[sflag:s23] =	ssyncadd.s32 $0xFFFFFFFF  }
0xa5: {  	s26 =	simm.s32 $execute0_lowered;
	[smem:$0x3FD2] =	sst s25  }
0xa6: {  	s5 =	sshll.u32 s26, $0x1;
	_ =	strace $0x80000046;
	[dreg:$0x1] =	wrdreg $0xFFFFFFFF  }
0xa7: {  	s28 =	simm.s32 $_size_execute0_lowered;
	s3 =	sadd.s32 s3, s5;
	[dreg:$0x0] =	wrdreg $0x0  }
0xa8: {  	s5 =	sshll.u32 s28, $0x1;
	[dreg:$0x2] =	wrdreg s3  }
0xa9: {  	[dreg:$0x3] =	wrdreg s5  }
0xaa: {  	[dreg:$0x4] =	wrdreg $0xC0  }
0xab: {  	_ =	task [dreg:s7], $0x5FFFF  }
0xac: {  	[dreg:$0x1] =	wrdreg $0xFFFFFFFF  }
0xad: {  	[dreg:$0x0] =	wrdreg $0x60  }
0xae: {  	[dreg:$0x2] =	wrdreg s2  }
0xaf: {  	[dreg:$0x3] =	wrdreg s24  }
0xb0: {  	[dreg:$0x4] =	wrdreg $0xA  }
0xb1: {  	_ =	task.clear_ibuf [dreg:s7], $0x5FFFF;
	_ =	strace $0x90000046  }
0xb2: {  	s29 =	simm.s32 $0xA;
	_ =	strace $0x80000048  }
0xb3: {  	_ =	swait.ge [sflag:s29], $0x1  }
0xb4: {  	[sflag:s29] =	ssyncadd.s32 $0xFFFFFFFF  }
0xb5: {  	_ =	strace $0x90000048  }
0xb6: {  	_ =	sfence  }
0xb7: {  	s30 =	sld [smem:$0x0];
	_ =	sdelay $0x2  }
0xb8: {  	s31 =	sshll.u32 s1, $0xD;
	s1 =	sshrl.u32 s1, $0x2  }
0xb9: {  	s3 =	sand.u32 $0x4000, s31;
	s1 =	sadd.s32 s1, s30  }
0xba: {  	s0 =	sor.u32 s3, s0;
	s1 =	sshll.u32 s1, $0x11  }
0xbb: {  	s0 =	sor.u32 s1, s0  }
0xbc: {  	s0 =	sadd.s32 $0x8F2B, s0  }
0xbd: {  	[sflag:s0] =	ssyncadd.remote.s32 $0x1  }
0xbe: {  	_ =	sfence.sel $0xFFFF  }
0xbf: {  	[dreg:$0x0] =	wrdreg $0xFFFFFFFF;
	(pc) =	sbr.abs _section_cstart, $3  }
0xc0: {  	[dreg:$0x1] =	wrdreg $0xFFFFFFFF  }
0xc1: {  	_ =	task.clear_ibuf [dreg:s7], $0x2FFFF;
	_ =	strace $0x9FFFFFFF  }
0xc2: {  	(tm) =	ssettm $0x7FFFFFFF  }
0xc3: {  	_ =	shalt  }
tec
execute0_lowered:
.L_overlay_start_1:
0x0: {  	(tag) =	ssettag $0x1  }
0x1: {  	s1 =	rddreg [dreg:$0x0]  }
0x2: {  	s5 =	rddreg [dreg:$0x1]  }
0x3: {  	s0 =	rddreg [dreg:$0x2]  }
0x4: {  	s3 =	simm.s32 $0x0;
	s4 =	srdreg.scid;
	s2 =	stileid.u32  }
0x5: {  	[smem:$0x7FF] =	sst s3;
	s6 =	sand.u32 $0x1, s4;
	s4 =	sadd.s32 $0xBE00, s5  }
0x6: {  	s7 =	sshll.u32 s2, $0x5;
	s9 =	sshll.u32 s2, $0x9;
	_ =	strace $0x80000047  }
0x7: {  	s8 =	ssub.s32 $0x2, s6;
	s7 =	sadd.s32 s7, s5;
	s9 =	sadd.s32 s9, s5  }
0x8: {  	s30 =	sshll.u32 s6, $0x4;
	s5 =	sshll.u32 s2, $0x1;
	s10 =	sshrl.u32 s8, $0x1  }
0x9: {  	s31 =	sshll.u32 s6, $0x8;
	s7 =	sadd.s32 s30, s7;
	s8 =	ssub.s32 s8, s10  }
0xa: {  	s6 =	sadd.s32 $0x3CC00, s7;
	s7 =	sadd.s32 $0x6DA00, s7;
	s10 =	sadd.s32 s31, s9  }
0xb: {  	s8 =	smax.u32 s8, $0x1;
	s9 =	sadd.s32 $0x7AD200, s10;
	s10 =	sadd.s32 $0x49FE00, s10  }
.LBB2_1:
0xc: {  	p0 =	sgt.u32 s5, $0x30D3  }
0xd: {  	s11 =	sadd.s32 @!p0 $0x0, s7;
	s12 =	simm.s32 @!p0 $0x0;
	s15 =	simm.s32 @!p0 $0x4  }
0xe: {  	[tilespmem:s12], [sflag:$0x4] =	stream.linear.gather @!p0 [hbm4b:s11+s12], $0x80, $0x38;
	[tilespmem:$0x1100] =	vst v63  }
0xf: {  	_ =	swait.ge @!p0 [sflag:s15], $0x80;
	p0 =	por p0, p0  }
0x10: {  	[sflag:s15] =	ssyncset.done @!p0 $0x0  }
0x11: {  	s11 =	sadd.s32 @!p0 $0x0, s6;
	s13 =	simm.s32 @!p0 $0x80;
	[sflag:s15] =	ssyncadd.s32 @!p0 $0xFFFFFF80  }
0x12: {  	[tilespmem:s13], [sflag:$0x4] =	stream.linear.gather @!p0 [hbm4b:s11+s12], $0x80, $0x38;
	[tilespmem:$0x1100] =	vst v63  }
0x13: {  	_ =	swait.ge @!p0 [sflag:s15], $0x80  }
0x14: {  	[sflag:s15] =	ssyncset.done @!p0 $0x0  }
0x15: {  	s11 =	simm.s32 @!p0 $0x100;
	[sflag:s15] =	ssyncadd.s32 @!p0 $0xFFFFFF80  }
0x16: {  	[tilespmem:s11], [sflag:$0x1] =	stream.indirect.gather @!p0 [hbm4b:s1+s13], $0x10, s12, s13, $0xb8;
	[tilespmem:$0x1100] =	vst v63  }
0x17: {  	s16 =	simm.s32 @!p0 $0x900;
	s14 =	simm.s32 @!p0 $0x1  }
0x18: {  	[tilespmem:s16], [sflag:$0x2] =	stream.indirect.gather @!p0 [hbm4b:s4+s13], $0x10, s13, s13, $0xb8;
	[tilespmem:$0x1100] =	vst v63  }
0x19: {  	_ =	swait.ge @!p0 [sflag:s14], $0x800  }
0x1a: {  	[sflag:s14] =	ssyncset.done @!p0 $0x0  }
0x1b: {  	s13 =	simm.s32 @!p0 $0x2;
	[sflag:s14] =	ssyncadd.s32 @!p0 $0xFFFFF800  }
0x1c: {  	_ =	swait.ge @!p0 [sflag:s13], $0x800  }
0x1d: {  	[sflag:s13] =	ssyncset.done @!p0 $0x0  }
0x1e: {  	[sflag:s13] =	ssyncadd.s32 @!p0 $0xFFFFF800  }
0x1f: {  	[hbm4b:s10+s12] =	stream.linear.scatter @!p0 [tilespmem:s11], [sflag:$0x4], $0x800, $0x38;
	[tilespmem:$0x1100] =	vst v63  }
0x20: {  	_ =	swait.ge @!p0 [sflag:s15], $0x800  }
0x21: {  	[sflag:s15] =	ssyncset.done @!p0 $0x0  }
0x22: {  	s14 =	simm.s32 $0x400;
	s13 =	simm.s32 $0x200;
	[sflag:s15] =	ssyncadd.s32 @!p0 $0xFFFFF800  }
0x23: {  	[hbm4b:s9+s12] =	stream.linear.scatter @!p0 [tilespmem:s16], [sflag:$0x3], $0x800, $0x38;
	[tilespmem:$0x1100] =	vst v63  }
0x24: {  	s11 =	sadd.s32 $0x2000, s10;
	s15 =	sadd.s32 $0x20, s5;
	s16 =	simm.s32 @!p0 $0x3  }
0x25: {  	p2 =	sgt.u32 s15, $0x30D3;
	s12 =	sadd.s32 $0x2000, s9;
	_ =	swait.ge @!p0 [sflag:s16], $0x800  }
.LBB2_2:
0x26: {  	s17 =	sadd.s32 @!p2 s13, s7  }
0x27: {  	s18 =	simm.s32 @!p2 $0x0;
	[sflag:s16] =	ssyncset.done @!p0 $0x0;
	s19 =	smov.u32 s14  }
0x28: {  	s14 =	sadd.s32 $0x200, s14;
	s20 =	simm.s32 @!p2 $0x4;
	[sflag:s16] =	ssyncadd.s32 @!p0 $0xFFFFF800  }
0x29: {  	[tilespmem:s18], [sflag:$0x4] =	stream.linear.gather @!p2 [hbm4b:s17+s18], $0x80, $0x38;
	[tilespmem:$0x1100] =	vst v63  }
0x2a: {  	p1 =	sne.s32 s14, $0x30E00;
	p0 =	por p2, p2;
	_ =	swait.ge @!p2 [sflag:s20], $0x80  }
0x2b: {  	[sflag:s20] =	ssyncset.done @!p0 $0x0  }
0x2c: {  	s13 =	sadd.s32 @!p0 s13, s6;
	s16 =	simm.s32 @!p0 $0x80;
	[sflag:s20] =	ssyncadd.s32 @!p0 $0xFFFFFF80  }
0x2d: {  	[tilespmem:s16], [sflag:$0x4] =	stream.linear.gather @!p0 [hbm4b:s13+s18], $0x80, $0x38;
	[tilespmem:$0x1100] =	vst v63  }
0x2e: {  	s13 =	smov.u32 s19;
	_ =	swait.ge @!p0 [sflag:s20], $0x80  }
0x2f: {  	[sflag:s20] =	ssyncset.done @!p0 $0x0  }
0x30: {  	s17 =	simm.s32 @!p0 $0x100;
	[sflag:s20] =	ssyncadd.s32 @!p0 $0xFFFFFF80  }
0x31: {  	[tilespmem:s17], [sflag:$0x1] =	stream.indirect.gather @!p0 [hbm4b:s1+s16], $0x10, s18, s16, $0xb8;
	[tilespmem:$0x1100] =	vst v63  }
0x32: {  	s21 =	simm.s32 @!p0 $0x1;
	s19 =	simm.s32 @!p0 $0x900  }
0x33: {  	[tilespmem:s19], [sflag:$0x2] =	stream.indirect.gather @!p0 [hbm4b:s4+s16], $0x10, s16, s16, $0xb8;
	[tilespmem:$0x1100] =	vst v63  }
0x34: {  	_ =	swait.ge @!p0 [sflag:s21], $0x800  }
0x35: {  	[sflag:s21] =	ssyncset.done @!p0 $0x0  }
0x36: {  	s16 =	simm.s32 @!p0 $0x2;
	[sflag:s21] =	ssyncadd.s32 @!p0 $0xFFFFF800  }
0x37: {  	_ =	swait.ge @!p0 [sflag:s16], $0x800  }
0x38: {  	[sflag:s16] =	ssyncset.done @!p0 $0x0  }
0x39: {  	[sflag:s16] =	ssyncadd.s32 @!p0 $0xFFFFF800  }
0x3a: {  	[hbm4b:s11+s18] =	stream.linear.scatter @!p0 [tilespmem:s17], [sflag:$0x4], $0x800, $0x38;
	[tilespmem:$0x1100] =	vst v63  }
.Ltmp0:
0x3b: {  	_ =	swait.ge @!p0 [sflag:s20], $0x800;
	(pc) =	sbr.rel @p1 .LBB2_2-.Ltmp0, $4  }
0x3c: {  	s11 =	sadd.s32 $0x2000, s11;
	[sflag:s20] =	ssyncset.done @!p0 $0x0  }
0x3d: {  	s15 =	sadd.s32 $0x20, s15;
	s16 =	simm.s32 @!p0 $0x3;
	[sflag:s20] =	ssyncadd.s32 @!p0 $0xFFFFF800  }
0x3e: {  	[hbm4b:s12+s18] =	stream.linear.scatter @!p0 [tilespmem:s19], [sflag:$0x3], $0x800, $0x38;
	[tilespmem:$0x1100] =	vst v63  }
0x3f: {  	p2 =	sgt.u32 s15, $0x30D3;
	s12 =	sadd.s32 $0x2000, s12;
	_ =	swait.ge @!p0 [sflag:s16], $0x800  }
0x40: {  	s14 =	sadd.s32 @!p2 s13, s7;
	[sflag:s16] =	ssyncset.done @!p0 $0x0  }
0x41: {  	s15 =	simm.s32 @!p2 $0x0;
	s17 =	simm.s32 @!p2 $0x4;
	[sflag:s16] =	ssyncadd.s32 @!p0 $0xFFFFF800  }
0x42: {  	[tilespmem:s15], [sflag:$0x4] =	stream.linear.gather @!p2 [hbm4b:s14+s15], $0x80, $0x38;
	[tilespmem:$0x1100] =	vst v63  }
0x43: {  	p0 =	por p2, p2;
	_ =	swait.ge @!p2 [sflag:s17], $0x80  }
0x44: {  	[sflag:s17] =	ssyncset.done @!p0 $0x0  }
0x45: {  	s13 =	sadd.s32 @!p0 s13, s6;
	s14 =	simm.s32 @!p0 $0x80;
	[sflag:s17] =	ssyncadd.s32 @!p0 $0xFFFFFF80  }
0x46: {  	[tilespmem:s14], [sflag:$0x4] =	stream.linear.gather @!p0 [hbm4b:s13+s15], $0x80, $0x38;
	[tilespmem:$0x1100] =	vst v63  }
0x47: {  	_ =	swait.ge @!p0 [sflag:s17], $0x80  }
0x48: {  	[sflag:s17] =	ssyncset.done @!p0 $0x0  }
0x49: {  	s13 =	simm.s32 @!p0 $0x100;
	[sflag:s17] =	ssyncadd.s32 @!p0 $0xFFFFFF80  }
0x4a: {  	[tilespmem:s13], [sflag:$0x1] =	stream.indirect.gather @!p0 [hbm4b:s1+s14], $0x10, s15, s14, $0xb8;
	[tilespmem:$0x1100] =	vst v63  }
0x4b: {  	s16 =	simm.s32 @!p0 $0x900;
	s18 =	simm.s32 @!p0 $0x1  }
0x4c: {  	[tilespmem:s16], [sflag:$0x2] =	stream.indirect.gather @!p0 [hbm4b:s4+s14], $0x10, s14, s14, $0xb8;
	[tilespmem:$0x1100] =	vst v63  }
0x4d: {  	_ =	swait.ge @!p0 [sflag:s18], $0x800  }
0x4e: {  	[sflag:s18] =	ssyncset.done @!p0 $0x0  }
0x4f: {  	s14 =	simm.s32 @!p0 $0x2;
	[sflag:s18] =	ssyncadd.s32 @!p0 $0xFFFFF800  }
0x50: {  	_ =	swait.ge @!p0 [sflag:s14], $0x800  }
0x51: {  	[sflag:s14] =	ssyncset.done @!p0 $0x0  }
0x52: {  	[sflag:s14] =	ssyncadd.s32 @!p0 $0xFFFFF800  }
0x53: {  	[hbm4b:s11+s15] =	stream.linear.scatter @!p0 [tilespmem:s13], [sflag:$0x4], $0x800, $0x38;
	[tilespmem:$0x1100] =	vst v63  }
0x54: {  	s3 =	sadd.s32 $0x1, s3;
	_ =	swait.ge @!p0 [sflag:s17], $0x800  }
0x55: {  	p1 =	sne.s32 s3, s8;
	[sflag:s17] =	ssyncset.done @!p0 $0x0  }
.Ltmp1:
0x56: {  	s11 =	simm.s32 @!p0 $0x3;
	[sflag:s17] =	ssyncadd.s32 @!p0 $0xFFFFF800;
	(pc) =	sbr.rel @p1 .LBB2_1-.Ltmp1, $4  }
0x57: {  	[hbm4b:s12+s15] =	stream.linear.scatter @!p0 [tilespmem:s16], [sflag:$0x3], $0x800, $0x38;
	[tilespmem:$0x1100] =	vst v63  }
0x58: {  	_ =	swait.ge @!p0 [sflag:s11], $0x800  }
0x59: {  	[sflag:s11] =	ssyncset.done @!p0 $0x0  }
0x5a: {  	[sflag:s11] =	ssyncadd.s32 @!p0 $0xFFFFF800  }
0x5b: {  	_ =	sfence.sel $0x180000  }
0x5c: {  	[bflag:$0x0] =	sbarrier.arrive $0xFFFF  }
0x5d: {  	p0 =	sne.s32 s2, $0x0;
	_ =	strace $0x90000047  }
0x5e: {  	s0 =	sadd.s32 @!p0 $0x100000, s0;
	[bflag:$0x2] =	sbarrier.arrive $0xFFFF  }
0x5f: {  	[sflag:s0] =	ssyncadd.tile.s32 @!p0 $0x1;
	_ =	shalt  }
.Lfunc_end2:
_tile_overlayer_lowered:
.L_overlay_start_2:
0x60: {  	(tag) =	ssettag $0x2  }
0x61: {  	s0 =	rddreg [dreg:$0x0];
	s2 =	stileid.u32  }
0x62: {  	s1 =	rddreg [dreg:$0x1];
	p0 =	sne.s32 s2, $0x0  }
0x63: {  	s3 =	rddreg [dreg:$0x2];
	[bflag:$0x3] =	sbarrier.arrive $0xFFFF;
	s2 =	simm.s32 @!p0 $0x1C03  }
0x64: {  	[timem:s3], [sflag:s2] =	dma.local @!p0 [hbm:s0], s1  }
0x65: {  	s0 =	simm.s32 @!p0 $0x3  }
0x66: {  	_ =	swait.ge @!p0 [sflag:s0], s1  }
0x67: {  	s1 =	ssub.s32 @!p0 $0x0, s1;
	[sflag:s0] =	ssyncset.done @!p0 $0x0  }
0x68: {  	[sflag:s0] =	ssyncadd.s32 @!p0 s1  }
0x69: {  	[bflag:$0x3] =	sbarrier.arrive $0xFFFF  }
0x6a: {  	_ =	shalt  }

// kernel: kernel.24.cloned.1.call-start
scs
__scs_entry_jumppad:
0x0: {  	(pc) =	sbr.rel $0x88, $3  }
0x1: {  	(tag) =	ssettag $0x0;
	lr =	simm.s32 $0x1  }
0x2: {  	[smem:$0x3F71] =	sst lr;
	_ =	strace $0xD0000000  }
0x3: {  	_ = 	snop  }
0x4: {  	_ = 	snop  }
0x5: {  	_ = 	snop  }
0x6: {  	_ = 	snop  }
0x7: {  	_ = 	snop  }
__scs_overlays_trampoline_lowered:
0x8: {  	[smem:$0x3F80] =	sst s0  }
0x9: {  	[smem:$0x3F81] =	sst s1  }
0xa: {  	[smem:$0x3F82] =	sst s2  }
0xb: {  	[smem:$0x3F83] =	sst s3  }
0xc: {  	[smem:$0x3F84] =	sst s4  }
0xd: {  	[smem:$0x3F85] =	sst s5  }
0xe: {  	[smem:$0x3F86] =	sst s6  }
0xf: {  	[smem:$0x3F87] =	sst s7  }
0x10: {  	[smem:$0x3F88] =	sst s8  }
0x11: {  	[smem:$0x3F89] =	sst s9;
	s0 =	simm.s32 @!p0 $0x0  }
0x12: {  	s1 =	sld [smem:$0x3F6F];
	s0 =	simm.s32 @p0 $0x1  }
0x13: {  	[smem:$0x3F8A] =	sst s0;
	s0 =	simm.s32 @!p1 $0x0  }
0x14: {  	s2 =	sld [smem:$0x3F6E];
	s0 =	simm.s32 @p1 $0x1  }
0x15: {  	[smem:$0x3F8B] =	sst s0;
	s0 =	simm.s32 @!p2 $0x0  }
0x16: {  	s3 =	sld [smem:$0x3FDB];
	s0 =	simm.s32 @p2 $0x1  }
0x17: {  	s4 =	simm.s32 $0x1BF5;
	[smem:$0x3F8D] =	sst s0  }
0x18: {  	s0 =	sld [smem:$0x3F70];
	_ =	swait.ge [sflag:s4], $0x0  }
0x19: {  	s7 =	sld [smem:$0x3F71]  }
0x1a: {  	s8 =	sadd.s32 $0xFFFFE003, lr  }
0x1b: {  	s9 =	sadd.s32 $0xFFFFFEF7, lr;
	s5 =	simm.s32 $0xFFFFFFFF;
	p2 =	slt.u32 s8, $0xFFFFF086  }
0x1c: {  	p1 =	slt.u32 s9, $0xF7A;
	s5 =	simm.s32 @!p2 $0x0  }
0x1d: {  	s5 =	simm.s32 @p1 $0x1;
	p0 =	seq.s32 s7, s2  }
0x1e: {  	s7 =	smul.u32 @!p0 $0xF7A, s2;
	p2 =	seq.s32 @!p0 s5, $0x0  }
0x1f: {  	s9 =	smul.u32 $0xF7A, s1;
	s8 =	simm.s32 @!p0 $0x1BF5;
	p2 =	por !p2, p0  }
0x20: {  	[sflag:s8] =	ssyncset.s32 @!p0 $0xFFFFF086;
	s6 =	sadd.s32 @!p0 s3, s7;
	s7 =	simm.s32 @!p0 $0x108  }
0x21: {  	s3 =	sadd.s32 s3, s9;
	s6 =	sadd.s32 @!p0 $0x88, s6;
	s7 =	simm.s32 @p2 $0x1082  }
0x22: {  	[simem:s7], [sflag:s8] =	dma.local @!p0 [hbm:s6], $0xF7A  }
0x23: {  	s9 =	sor.u32 $0xD0000000, s2;
	s6 =	simm.s32 $0x108;
	_ =	swait.ge @!p0 [sflag:s8], $0x0  }
0x24: {  	s3 =	sadd.s32 $0x88, s3;
	s6 =	simm.s32 @!p1 $0x1082;
	[sflag:s4] =	ssyncset.s32 $0xFFFFF086  }
0x25: {  	[simem:s6], [sflag:s4] =	dma.local [hbm:s3], $0xF7A  }
0x26: {  	[smem:$0x3F71] =	sst s1;
	(tag) =	ssettag s2;
	_ =	strace s9  }
0x27: {  	s1 =	sld [smem:$0x3F81]  }
0x28: {  	s2 =	sld [smem:$0x3F82]  }
0x29: {  	s4 =	sld [smem:$0x3F84]  }
0x2a: {  	p0 =	seq.s32 s5, $0x0;
	s5 =	sld [smem:$0x3F85]  }
0x2b: {  	s6 =	sld [smem:$0x3F86]  }
0x2c: {  	s7 =	sld [smem:$0x3F87]  }
0x2d: {  	s3 =	simm.s32 $0x108;
	s8 =	sld [smem:$0x3F88]  }
0x2e: {  	s3 =	simm.s32 @!p0 $0x1082;
	s9 =	sld [smem:$0x3F89]  }
0x2f: {  	lr =	sadd.s32 s0, s3;
	s0 =	sld [smem:$0x3F80]  }
0x30: {  	s3 =	sld [smem:$0x3F83]  }
0x31: {  	[smem:$0x3F8C] =	sst s10  }
0x32: {  	s10 =	sld [smem:$0x3F8A];
	_ =	sdelay $0x3  }
0x33: {  	p0 =	seq.s32 s10, $0x1;
	s10 =	sld [smem:$0x3F8C];
	_ =	sdelay $0x3  }
0x34: {  	[smem:$0x3F8C] =	sst s10  }
0x35: {  	s10 =	sld [smem:$0x3F8B];
	_ =	sdelay $0x3  }
0x36: {  	p1 =	seq.s32 s10, $0x1;
	s10 =	sld [smem:$0x3F8C];
	_ =	sdelay $0x3  }
0x37: {  	[smem:$0x3F8C] =	sst s10  }
0x38: {  	s10 =	sld [smem:$0x3F8D]  }
0x39: {  	_ = 	snop;
	(pc) =	sbr.ind lr, $3  }
0x3a: {  	_ = 	snop  }
0x3b: {  	_ = 	snop  }
0x3c: {  	p2 =	seq.s32 s10, $0x1;
	s10 =	sld [smem:$0x3F8C]  }
0x3d: {  	_ =	shalt  }
0x3e: {  	_ =	shalt  }
0x3f: {  	_ =	shalt  }
0x40: {  	_ =	shalt  }
0x41: {  	_ =	shalt  }
0x42: {  	_ =	shalt  }
0x43: {  	_ =	shalt  }
0x44: {  	_ =	shalt  }
0x45: {  	_ =	shalt  }
0x46: {  	_ =	shalt  }
0x47: {  	_ =	shalt  }
0x48: {  	_ =	shalt  }
0x49: {  	_ =	shalt  }
0x4a: {  	_ =	shalt  }
0x4b: {  	_ =	shalt  }
0x4c: {  	_ =	shalt  }
0x4d: {  	_ =	shalt  }
0x4e: {  	_ =	shalt  }
0x4f: {  	_ =	shalt  }
0x50: {  	_ =	shalt  }
0x51: {  	_ =	shalt  }
0x52: {  	_ =	shalt  }
0x53: {  	_ =	shalt  }
0x54: {  	_ =	shalt  }
0x55: {  	_ =	shalt  }
0x56: {  	_ =	shalt  }
0x57: {  	_ =	shalt  }
0x58: {  	_ =	shalt  }
0x59: {  	_ =	shalt  }
0x5a: {  	_ =	shalt  }
0x5b: {  	_ =	shalt  }
0x5c: {  	_ =	shalt  }
0x5d: {  	_ =	shalt  }
0x5e: {  	_ =	shalt  }
0x5f: {  	_ =	shalt  }
0x60: {  	_ =	shalt  }
0x61: {  	_ =	shalt  }
0x62: {  	_ =	shalt  }
0x63: {  	_ =	shalt  }
0x64: {  	_ =	shalt  }
0x65: {  	_ =	shalt  }
0x66: {  	_ =	shalt  }
0x67: {  	_ =	shalt  }
0x68: {  	_ =	shalt  }
0x69: {  	_ =	shalt  }
0x6a: {  	_ =	shalt  }
0x6b: {  	_ =	shalt  }
0x6c: {  	_ =	shalt  }
0x6d: {  	_ =	shalt  }
0x6e: {  	_ =	shalt  }
0x6f: {  	_ =	shalt  }
0x70: {  	_ =	shalt  }
0x71: {  	_ =	shalt  }
0x72: {  	_ =	shalt  }
0x73: {  	_ =	shalt  }
0x74: {  	_ =	shalt  }
0x75: {  	_ =	shalt  }
0x76: {  	_ =	shalt  }
0x77: {  	_ =	shalt  }
0x78: {  	_ =	shalt  }
0x79: {  	_ =	shalt  }
0x7a: {  	_ =	shalt  }
0x7b: {  	_ =	shalt  }
0x7c: {  	_ =	shalt  }
0x7d: {  	_ =	shalt  }
0x7e: {  	_ =	shalt  }
0x7f: {  	_ =	shalt  }
0x80: {  	_ =	shalt  }
0x81: {  	_ =	shalt  }
0x82: {  	_ =	shalt  }
0x83: {  	_ =	shalt  }
0x84: {  	_ =	shalt  }
0x85: {  	_ =	shalt  }
0x86: {  	_ =	shalt  }
0x87: {  	_ =	shalt  }
.Lfunc_end0:
.L_simem_size_0:
called_computation.2_lowered:
.L_overlay_start_0:
0x88: {  	s2 =	sld [smem:$0x3FD9]  }
0x89: {  	s3 =	sld [smem:$0x3FFE];
	_ =	sdelay $0x1  }
0x8a: {  	s1 =	srdreg.scid  }
0x8b: {  	s0 =	sand.u32 $0x1, s1  }
0x8c: {  	s17 =	sshll.u32 s0, $0xA;
	s2 =	sadd.s32 s3, s2  }
0x8d: {  	s2 =	sadd.s32 s2, s17  }
0x8e: {  	[smem:$0x3F98] =	sst s2  }
0x8f: {  	_ = 	snop  }
0x90: {  	(tm) =	ssettm $0x1  }
0x91: {  	s18 =	sld [smem:$0x3FFB];
	_ =	sdelay $0x3  }
0x92: {  	_ =	strace s18  }
0x93: {  	s2 =	sld [smem:$0x3FFC];
	_ =	sdelay $0x3  }
0x94: {  	_ =	strace s2  }
0x95: {  	s2 =	sld [smem:$0x3FFD];
	_ =	sdelay $0x3  }
0x96: {  	_ =	strace s2  }
0x97: {  	_ =	strace $0x8FFFFFFF  }
0x98: {  	s19 =	sld [smem:$0x3FDB];
	_ =	sdelay $0x1  }
0x99: {  	s20 =	simm.s32 $_scs_section_size  }
0x9a: {  	s4 =	simm.s32 $_size__tile_overlayer_lowered;
	s5 =	simm.s32 $_tile_overlayer_lowered  }
0x9b: {  	s6 =	simm.s32 $0x1BFF;
	s21 =	sshll.u32 s5, $0x1;
	s3 =	sadd.s32 s20, s19  }
0x9c: {  	s22 =	simm.s32 $0x0;
	s4 =	sshll.u32 s4, $0x1;
	s5 =	sadd.s32 s21, s3  }
0x9d: {  	[timem:s22], [sflag:s6] =	dma.local [hbm:s5], s4  }
0x9e: {  	_ =	swait.ge [sflag:s6], s4  }
0x9f: {  	s4 =	ssub.s32 $0x0, s4;
	[sflag:s6] =	ssyncset.done $0x0  }
0xa0: {  	[sflag:s6] =	ssyncadd.s32 s4;
	_ =	sdelay $0x1  }
0xa1: {  	s23 =	simm.s32 $0x1B8B  }
0xa2: {  	_ =	swait.ge [sflag:s23], $0x1  }
0xa3: {  	[sflag:s23] =	ssyncset.done $0x0  }
0xa4: {  	[sflag:s23] =	ssyncadd.s32 $0xFFFFFFFF  }
0xa5: {  	s4 =	sld [smem:$0x0]  }
0xa6: {  	s5 =	sand.u32 $0xFFFFFFFE, s1  }
0xa7: {  	p0 =	sne.s32 s1, s5  }
0xa8: {  	s5 =	sshll.u32 @p0 s5, $0xE  }
0xa9: {  	s5 =	sadd.s32 @p0 $0x11B8D, s5;
	s6 =	sshll.u32 @p0 s4, $0x11  }
0xaa: {  	s5 =	sor.u32 @p0 s6, s5  }
0xab: {  	[sflag:s5] =	ssyncadd.remote.s32 @p0 $0x1;
	_ =	sdelay $0x1  }
0xac: {  	s5 =	simm.s32 @p0 $0x1B8D  }
0xad: {  	_ =	swait.eq @p0 [sflag:s5], $0x1  }
0xae: {  	[sflag:s5] =	ssyncadd.s32 @p0 $0xFFFFFFFF  }
0xaf: {  	s6 =	sshll.u32 @!p0 s1, $0xE  }
0xb0: {  	s6 =	sor.u32 @!p0 $0x4000, s6;
	s5 =	simm.s32 @!p0 $0x1B8D  }
0xb1: {  	s4 =	sshll.u32 @!p0 s4, $0x11;
	s6 =	sadd.s32 @!p0 $0x11B8D, s6;
	_ =	swait.eq @!p0 [sflag:s5], $0x1  }
0xb2: {  	s4 =	sor.u32 @!p0 s4, s6;
	[sflag:s5] =	ssyncadd.s32 @!p0 $0xFFFFFFFF  }
0xb3: {  	s25 =	simm.s32 $0x1B8E;
	s24 =	sld [smem:$0x3FFE];
	[sflag:s4] =	ssyncadd.remote.s32 @!p0 $0x1  }
0xb4: {  	s26 =	simm.s32 $execute0_lowered;
	[smem:$0x3FD2] =	sst s25  }
0xb5: {  	s5 =	sshll.u32 s26, $0x1;
	_ =	strace $0x8000004C;
	[dreg:$0x1] =	wrdreg $0xFFFFFFFF  }
0xb6: {  	s28 =	simm.s32 $_size_execute0_lowered;
	s3 =	sadd.s32 s3, s5;
	[dreg:$0x0] =	wrdreg $0x0  }
0xb7: {  	s5 =	sshll.u32 s28, $0x1;
	[dreg:$0x2] =	wrdreg s3  }
0xb8: {  	[dreg:$0x3] =	wrdreg s5  }
0xb9: {  	[dreg:$0x4] =	wrdreg $0xC0  }
0xba: {  	_ =	task [dreg:s22], $0x5FFFF  }
0xbb: {  	[dreg:$0x1] =	wrdreg $0xFFFFFFFF  }
0xbc: {  	[dreg:$0x0] =	wrdreg $0x60  }
0xbd: {  	[dreg:$0x2] =	wrdreg s24  }
0xbe: {  	[dreg:$0x3] =	wrdreg $0x10800  }
0xbf: {  	[dreg:$0x4] =	wrdreg $0xA  }
0xc0: {  	_ =	task.clear_ibuf [dreg:s22], $0x5FFFF;
	_ =	strace $0x9000004C  }
0xc1: {  	s29 =	simm.s32 $0xA;
	_ =	strace $0x8000004E  }
0xc2: {  	_ =	swait.ge [sflag:s29], $0x1  }
0xc3: {  	[sflag:s29] =	ssyncadd.s32 $0xFFFFFFFF  }
0xc4: {  	_ =	strace $0x9000004E  }
0xc5: {  	_ =	sfence  }
0xc6: {  	s30 =	sld [smem:$0x0];
	_ =	sdelay $0x2  }
0xc7: {  	s31 =	sshll.u32 s1, $0xD;
	s1 =	sshrl.u32 s1, $0x2  }
0xc8: {  	s4 =	sand.u32 $0x4000, s31;
	s1 =	sadd.s32 s1, s30  }
0xc9: {  	s0 =	sor.u32 s4, s0;
	s1 =	sshll.u32 s1, $0x11  }
0xca: {  	s0 =	sor.u32 s1, s0  }
0xcb: {  	s0 =	sadd.s32 $0x8F2B, s0  }
0xcc: {  	[sflag:s0] =	ssyncadd.remote.s32 $0x1  }
0xcd: {  	_ =	sfence.sel $0xFFFF  }
0xce: {  	[dreg:$0x0] =	wrdreg $0xFFFFFFFF;
	(pc) =	sbr.abs _section_cstart, $3  }
0xcf: {  	[dreg:$0x1] =	wrdreg $0xFFFFFFFF  }
0xd0: {  	_ =	task.clear_ibuf [dreg:s22], $0x2FFFF;
	_ =	strace $0x9FFFFFFF  }
0xd1: {  	(tm) =	ssettm $0x7FFFFFFF  }
tec
execute0_lowered:
.L_overlay_start_1:
0x0: {  	(tag) =	ssettag $0x1  }
0x1: {  	s4 =	rddreg [dreg:$0x0]  }
0x2: {  	s2 =	rddreg [dreg:$0x1]  }
0x3: {  	s0 =	rddreg [dreg:$0x2];
	s5 =	srdreg.scid  }
0x4: {  	s3 =	simm.s32 $0x0;
	s1 =	stileid.u32;
	s5 =	sand.u32 $0x1, s5  }
0x5: {  	[smem:$0x7FF] =	sst s3;
	s6 =	sshll.u32 s1, $0x9;
	s8 =	sshll.u32 s1, $0xB  }
0x6: {  	s9 =	sshll.u32 s1, $0x5;
	s7 =	smul.u32 $0x187000, s5;
	_ =	strace $0x8000004D  }
0x7: {  	s6 =	sadd.s32 s6, s4;
	s10 =	ssub.s32 $0x2, s5;
	s9 =	sadd.s32 s9, s4  }
0x8: {  	s30 =	sshll.u32 s5, $0x8;
	s31 =	sshll.u32 s5, $0x4;
	s11 =	sshrl.u32 s10, $0x1  }
0x9: {  	s6 =	sadd.s32 s30, s6;
	s9 =	sadd.s32 s31, s9;
	s7 =	sadd.s32 s8, s7  }
0xa: {  	s29 =	ssub.s32 s10, s11;
	s6 =	sadd.s32 $0x53F8600, s6;
	s7 =	sshrl.u32 s7, $0x3  }
0xb: {  	s5 =	smax.u32 s29, $0x1;
	s12 =	sadd.s32 s7, s4;
	s4 =	sshll.u32 s1, $0x1  }
0xc: {  	v0 =	vimm.f32 $0.0e+00;
	s7 =	sadd.s32 s8, s2;
	s8 =	sadd.s32 $0x3CC00, s9;
	s9 =	sadd.s32 $0x100A00, s12  }
.LBB2_1:
0xd: {  	s10 =	simm.s32 $0x0  }
.LBB2_2:
0xe: {  	p0 =	sne.s32 s10, $0x1FC0  }
.Ltmp0:
0xf: {  	_ = 	snop;
	(pc) =	sbr.rel @p0 .LBB2_2-.Ltmp0, $3  }
0x10: {  	_ =	sdelay $0x1  }
0x11: {  	s11 =	sshra.s32 s10, $0x2  }
0x12: {  	s10 =	sadd.s32 $0x40, s10;
	[tilespmem:s11+$0x880] =	vst v0  }
0x13: {  	s10 =	sadd.s32 $0x0, s1  }
0x14: {  	p0 =	sgt.u32 s10, $0x30D  }
0x15: {  	s10 =	simm.s32 @!p0 $0x880;
	s13 =	simm.s32 @!p0 $0x1  }
0x16: {  	[spmem:s7] =	stream.linear.scatter @!p0 [tilespmem:s10], [sflag:$0x1], $0x800, $0x38;
	[tilespmem:$0x19780] =	vst v63  }
0x17: {  	s11 =	simm.s32 $0x10;
	_ =	swait.ge @!p0 [sflag:s13], $0x800  }
0x18: {  	s12 =	simm.s32 $0x20;
	s10 =	sadd.s32 $0x8000, s7;
	[sflag:s13] =	ssyncset.done @!p0 $0x0  }
.LBB2_4:
0x19: {  	s14 =	sadd.s32 s11, s1;
	s11 =	smov.u32 s12;
	s12 =	sadd.s32 $0x10, s12  }
0x1a: {  	[sflag:s13] =	ssyncadd.s32 @!p0 $0xFFFFF800;
	p1 =	sne.s32 s12, $0x310  }
.Ltmp1:
0x1b: {  	p0 =	sgt.u32 s14, $0x30D;
	(pc) =	sbr.rel @p1 .LBB2_4-.Ltmp1, $4  }
0x1c: {  	s14 =	simm.s32 @!p0 $0x880;
	s13 =	simm.s32 @!p0 $0x1  }
0x1d: {  	[spmem:s10] =	stream.linear.scatter @!p0 [tilespmem:s14], [sflag:$0x1], $0x800, $0x38;
	[tilespmem:$0x19780] =	vst v63  }
0x1e: {  	_ =	swait.ge @!p0 [sflag:s13], $0x800  }
0x1f: {  	s10 =	sadd.s32 $0x8000, s10;
	[sflag:s13] =	ssyncset.done @!p0 $0x0  }
0x20: {  	s11 =	sadd.s32 s11, s1  }
0x21: {  	p1 =	sgt.u32 s11, $0x30D  }
0x22: {  	[sflag:s13] =	ssyncadd.s32 @!p0 $0xFFFFF800;
	s11 =	simm.s32 @!p1 $0x880;
	s12 =	simm.s32 @!p1 $0x1  }
0x23: {  	[spmem:s10] =	stream.linear.scatter @!p1 [tilespmem:s11], [sflag:$0x1], $0x800, $0x38;
	[tilespmem:$0x19780] =	vst v63  }
0x24: {  	_ =	swait.ge @!p1 [sflag:s12], $0x800  }
0x25: {  	s30 =	sadd.s32 $0x0, s4;
	[sflag:s12] =	ssyncset.done @!p1 $0x0  }
0x26: {  	p0 =	sgt.u32 s30, $0x30D3;
	[sflag:s12] =	ssyncadd.s32 @!p1 $0xFFFFF800  }
0x27: {  	s10 =	simm.s32 @!p0 $0x0;
	s12 =	simm.s32 @!p0 $0x2;
	[bflag:$0x0] =	sbarrier.arrive $0xFFFF  }
0x28: {  	[tilespmem:s10], [sflag:$0x2] =	stream.linear.gather @!p0 [hbm4b:s8+s10], $0x80, $0x38;
	[tilespmem:$0x19780] =	vst v63  }
0x29: {  	_ =	swait.ge @!p0 [sflag:s12], $0x80  }
0x2a: {  	[sflag:s12] =	ssyncset.done @!p0 $0x0;
	p0 =	por p0, p0  }
0x2b: {  	[sflag:s12] =	ssyncadd.s32 @!p0 $0xFFFFFF80;
	s14 =	simm.s32 @!p0 $0x80  }
0x2c: {  	[tilespmem:s14], [sflag:$0x2] =	stream.linear.gather @!p0 [hbm4b:s6+s10], $0x800, $0x38;
	[tilespmem:$0x19780] =	vst v63  }
0x2d: {  	_ =	swait.ge @!p0 [sflag:s12], $0x800  }
0x2e: {  	[sflag:s12] =	ssyncset.done @!p0 $0x0  }
0x2f: {  	s31 =	sadd.s32 $0x20, s4;
	s13 =	simm.s32 @!p0 $0x1;
	[sflag:s12] =	ssyncadd.s32 @!p0 $0xFFFFF800  }
0x30: {  	[spmem:s2] =	stream.indirect.scatter.add.f32 @!p0 [tilespmem:s14], [sflag:$0x1], $0x10, s10, s14, $0xb8;
	[tilespmem:$0x19780] =	vst v63  }
0x31: {  	s11 =	simm.s32 $0x40;
	p1 =	sgt.u32 s31, $0x30D3;
	_ =	swait.ge @!p0 [sflag:s13], $0x800  }
0x32: {  	s12 =	sadd.s32 $0x200, s8;
	s10 =	sadd.s32 $0x2000, s6;
	[sflag:s13] =	ssyncset.done @!p0 $0x0  }
.LBB2_6:
0x33: {  	s14 =	simm.s32 @!p1 $0x0;
	s15 =	simm.s32 @!p1 $0x2;
	[sflag:s13] =	ssyncadd.s32 @!p0 $0xFFFFF800  }
0x34: {  	[tilespmem:s14], [sflag:$0x2] =	stream.linear.gather @!p1 [hbm4b:s12+s14], $0x80, $0x38;
	[tilespmem:$0x19780] =	vst v63  }
0x35: {  	s16 =	smov.u32 s11;
	s11 =	sadd.s32 $0x20, s11;
	_ =	swait.ge @!p1 [sflag:s15], $0x80  }
0x36: {  	p0 =	por p1, p1;
	p2 =	sne.s32 s11, $0x30E0;
	[sflag:s15] =	ssyncset.done @!p1 $0x0  }
0x37: {  	s17 =	simm.s32 @!p0 $0x80;
	[sflag:s15] =	ssyncadd.s32 @!p0 $0xFFFFFF80  }
0x38: {  	[tilespmem:s17], [sflag:$0x2] =	stream.linear.gather @!p0 [hbm4b:s10+s14], $0x800, $0x38;
	[tilespmem:$0x19780] =	vst v63  }
0x39: {  	_ =	swait.ge @!p0 [sflag:s15], $0x800  }
.Ltmp2:
0x3a: {  	[sflag:s15] =	ssyncset.done @!p0 $0x0;
	(pc) =	sbr.rel @p2 .LBB2_6-.Ltmp2, $4  }
0x3b: {  	s13 =	simm.s32 @!p0 $0x1;
	[sflag:s15] =	ssyncadd.s32 @!p0 $0xFFFFF800  }
0x3c: {  	[spmem:s2] =	stream.indirect.scatter.add.f32 @!p0 [tilespmem:s17], [sflag:$0x1], $0x10, s14, s17, $0xb8;
	[tilespmem:$0x19780] =	vst v63  }
0x3d: {  	s12 =	sadd.s32 $0x200, s12;
	s14 =	sadd.s32 s16, s4;
	_ =	swait.ge @!p0 [sflag:s13], $0x800  }
0x3e: {  	s10 =	sadd.s32 $0x2000, s10;
	p1 =	sgt.u32 s14, $0x30D3;
	[sflag:s13] =	ssyncset.done @!p0 $0x0  }
0x3f: {  	s11 =	simm.s32 @!p1 $0x0;
	s14 =	simm.s32 @!p1 $0x2;
	[sflag:s13] =	ssyncadd.s32 @!p0 $0xFFFFF800  }
0x40: {  	[tilespmem:s11], [sflag:$0x2] =	stream.linear.gather @!p1 [hbm4b:s12+s11], $0x80, $0x38;
	[tilespmem:$0x19780] =	vst v63  }
0x41: {  	_ =	swait.ge @!p1 [sflag:s14], $0x80  }
0x42: {  	p0 =	por p1, p1;
	[sflag:s14] =	ssyncset.done @!p1 $0x0  }
0x43: {  	s12 =	simm.s32 @!p0 $0x80;
	[sflag:s14] =	ssyncadd.s32 @!p0 $0xFFFFFF80  }
0x44: {  	[tilespmem:s12], [sflag:$0x2] =	stream.linear.gather @!p0 [hbm4b:s10+s11], $0x800, $0x38;
	[tilespmem:$0x19780] =	vst v63  }
0x45: {  	_ =	swait.ge @!p0 [sflag:s14], $0x800  }
0x46: {  	[sflag:s14] =	ssyncset.done @!p0 $0x0  }
0x47: {  	s10 =	simm.s32 @!p0 $0x1;
	[sflag:s14] =	ssyncadd.s32 @!p0 $0xFFFFF800  }
0x48: {  	[spmem:s2] =	stream.indirect.scatter.add.f32 @!p0 [tilespmem:s12], [sflag:$0x1], $0x10, s11, s12, $0xb8;
	[tilespmem:$0x19780] =	vst v63  }
0x49: {  	_ =	swait.ge @!p0 [sflag:s10], $0x800  }
0x4a: {  	s31 =	sadd.s32 $0x0, s1;
	[sflag:s10] =	ssyncset.done @!p0 $0x0  }
0x4b: {  	[sflag:s10] =	ssyncadd.s32 @!p0 $0xFFFFF800;
	p0 =	sgt.u32 s31, $0x30D  }
0x4c: {  	[bflag:$0x0] =	sbarrier.arrive $0xFFFF;
	s10 =	sshll.u32 @!p0 s1, $0x6  }
0x4d: {  	s11 =	sshrl.u32 @!p0 s7, $0x3;
	s13 =	simm.s32 @!p0 $0x1;
	s10 =	sor.u32 @!p0 $0x1C01, s10  }
0x4e: {  	[hbm:s9], [sflag:s10] =	dma.local @!p0 [spmem:s11], $0x100  }
0x4f: {  	s14 =	sadd.s32 $0x10, s1;
	s12 =	sadd.s32 $0x8000, s7;
	_ =	swait.ge @!p0 [sflag:s13], $0x100  }
0x50: {  	s11 =	simm.s32 $0x20;
	s10 =	sadd.s32 $0x1000, s9;
	[sflag:s13] =	ssyncset.done @!p0 $0x0  }
.LBB2_8:
0x51: {  	[sflag:s13] =	ssyncadd.s32 @!p0 $0xFFFFFF00  }
0x52: {  	p0 =	sgt.u32 s14, $0x30D;
	s14 =	smov.u32 s11;
	s11 =	sadd.s32 $0x10, s11  }
0x53: {  	p1 =	sne.s32 s11, $0x310  }
.Ltmp3:
0x54: {  	s13 =	sshll.u32 @!p0 s1, $0x6;
	s15 =	sshrl.u32 @!p0 s12, $0x3;
	(pc) =	sbr.rel @p1 .LBB2_8-.Ltmp3, $4  }
0x55: {  	s16 =	sor.u32 @!p0 $0x1C01, s13;
	s13 =	simm.s32 @!p0 $0x1  }
0x56: {  	[hbm:s10], [sflag:s16] =	dma.local @!p0 [spmem:s15], $0x100  }
0x57: {  	s10 =	sadd.s32 $0x1000, s10;
	_ =	swait.ge @!p0 [sflag:s13], $0x100  }
0x58: {  	s14 =	sadd.s32 s14, s1;
	s12 =	sadd.s32 $0x8000, s12;
	[sflag:s13] =	ssyncset.done @!p0 $0x0  }
0x59: {  	p1 =	sgt.u32 s14, $0x30D;
	[sflag:s13] =	ssyncadd.s32 @!p0 $0xFFFFFF00;
	s3 =	sadd.s32 $0x1, s3  }
0x5a: {  	s11 =	sshll.u32 @!p1 s1, $0x6;
	s12 =	sshrl.u32 @!p1 s12, $0x3;
	p0 =	sne.s32 s3, s5  }
.Ltmp4:
0x5b: {  	s13 =	simm.s32 @!p1 $0x1;
	s11 =	sor.u32 @!p1 $0x1C01, s11;
	(pc) =	sbr.rel @p0 .LBB2_1-.Ltmp4, $4  }
0x5c: {  	[hbm:s10], [sflag:s11] =	dma.local @!p1 [spmem:s12], $0x100  }
0x5d: {  	_ =	swait.ge @!p1 [sflag:s13], $0x100  }
0x5e: {  	[sflag:s13] =	ssyncset.done @!p1 $0x0  }
0x5f: {  	[sflag:s13] =	ssyncadd.s32 @!p1 $0xFFFFFF00  }
0x60: {  	_ =	sfence.sel $0x180000  }
0x61: {  	[bflag:$0x0] =	sbarrier.arrive $0xFFFF  }
0x62: {  	p0 =	sne.s32 s1, $0x0;
	_ =	strace $0x9000004D  }
0x63: {  	s0 =	sadd.s32 @!p0 $0x100000, s0;
	[bflag:$0x2] =	sbarrier.arrive $0xFFFF  }
0x64: {  	[sflag:s0] =	ssyncadd.tile.s32 @!p0 $0x1;
	_ =	shalt  }
.Lfunc_end2:
_tile_overlayer_lowered:
.L_overlay_start_2:
0x65: {  	(tag) =	ssettag $0x2  }
0x66: {  	s0 =	rddreg [dreg:$0x0];
	s2 =	stileid.u32  }
0x67: {  	s1 =	rddreg [dreg:$0x1];
	p0 =	sne.s32 s2, $0x0  }
0x68: {  	s3 =	rddreg [dreg:$0x2];
	[bflag:$0x3] =	sbarrier.arrive $0xFFFF;
	s2 =	simm.s32 @!p0 $0x1C01  }
0x69: {  	[timem:s3], [sflag:s2] =	dma.local @!p0 [hbm:s0], s1  }
0x6a: {  	s0 =	simm.s32 @!p0 $0x1  }
0x6b: {  	_ =	swait.ge @!p0 [sflag:s0], s1  }
0x6c: {  	s1 =	ssub.s32 @!p0 $0x0, s1;
	[sflag:s0] =	ssyncset.done @!p0 $0x0  }
0x6d: {  	[sflag:s0] =	ssyncadd.s32 @!p0 s1  }
0x6e: {  	[bflag:$0x3] =	sbarrier.arrive $0xFFFF  }
0x6f: {  	_ =	shalt  }

// kernel: kernel.27.cloned.1.call-start
scs
__scs_entry_jumppad:
0x0: {  	(pc) =	sbr.rel $0x88, $3  }
0x1: {  	(tag) =	ssettag $0x0;
	lr =	simm.s32 $0x1  }
0x2: {  	[smem:$0x3F71] =	sst lr;
	_ =	strace $0xD0000000  }
0x3: {  	_ = 	snop  }
0x4: {  	_ = 	snop  }
0x5: {  	_ = 	snop  }
0x6: {  	_ = 	snop  }
0x7: {  	_ = 	snop  }
__scs_overlays_trampoline_lowered:
0x8: {  	[smem:$0x3F80] =	sst s0  }
0x9: {  	[smem:$0x3F81] =	sst s1  }
0xa: {  	[smem:$0x3F82] =	sst s2  }
0xb: {  	[smem:$0x3F83] =	sst s3  }
0xc: {  	[smem:$0x3F84] =	sst s4  }
0xd: {  	[smem:$0x3F85] =	sst s5  }
0xe: {  	[smem:$0x3F86] =	sst s6  }
0xf: {  	[smem:$0x3F87] =	sst s7  }
0x10: {  	[smem:$0x3F88] =	sst s8  }
0x11: {  	[smem:$0x3F89] =	sst s9;
	s0 =	simm.s32 @!p0 $0x0  }
0x12: {  	s1 =	sld [smem:$0x3F6F];
	s0 =	simm.s32 @p0 $0x1  }
0x13: {  	[smem:$0x3F8A] =	sst s0;
	s0 =	simm.s32 @!p1 $0x0  }
0x14: {  	s2 =	sld [smem:$0x3F6E];
	s0 =	simm.s32 @p1 $0x1  }
0x15: {  	[smem:$0x3F8B] =	sst s0;
	s0 =	simm.s32 @!p2 $0x0  }
0x16: {  	s3 =	sld [smem:$0x3FDB];
	s0 =	simm.s32 @p2 $0x1  }
0x17: {  	s4 =	simm.s32 $0x1BF5;
	[smem:$0x3F8D] =	sst s0  }
0x18: {  	s0 =	sld [smem:$0x3F70];
	_ =	swait.ge [sflag:s4], $0x0  }
0x19: {  	s7 =	sld [smem:$0x3F71]  }
0x1a: {  	s8 =	sadd.s32 $0xFFFFE003, lr  }
0x1b: {  	s9 =	sadd.s32 $0xFFFFFEF7, lr;
	s5 =	simm.s32 $0xFFFFFFFF;
	p2 =	slt.u32 s8, $0xFFFFF086  }
0x1c: {  	p1 =	slt.u32 s9, $0xF7A;
	s5 =	simm.s32 @!p2 $0x0  }
0x1d: {  	s5 =	simm.s32 @p1 $0x1;
	p0 =	seq.s32 s7, s2  }
0x1e: {  	s7 =	smul.u32 @!p0 $0xF7A, s2;
	p2 =	seq.s32 @!p0 s5, $0x0  }
0x1f: {  	s9 =	smul.u32 $0xF7A, s1;
	s8 =	simm.s32 @!p0 $0x1BF5;
	p2 =	por !p2, p0  }
0x20: {  	[sflag:s8] =	ssyncset.s32 @!p0 $0xFFFFF086;
	s6 =	sadd.s32 @!p0 s3, s7;
	s7 =	simm.s32 @!p0 $0x108  }
0x21: {  	s3 =	sadd.s32 s3, s9;
	s6 =	sadd.s32 @!p0 $0x88, s6;
	s7 =	simm.s32 @p2 $0x1082  }
0x22: {  	[simem:s7], [sflag:s8] =	dma.local @!p0 [hbm:s6], $0xF7A  }
0x23: {  	s9 =	sor.u32 $0xD0000000, s2;
	s6 =	simm.s32 $0x108;
	_ =	swait.ge @!p0 [sflag:s8], $0x0  }
0x24: {  	s3 =	sadd.s32 $0x88, s3;
	s6 =	simm.s32 @!p1 $0x1082;
	[sflag:s4] =	ssyncset.s32 $0xFFFFF086  }
0x25: {  	[simem:s6], [sflag:s4] =	dma.local [hbm:s3], $0xF7A  }
0x26: {  	[smem:$0x3F71] =	sst s1;
	(tag) =	ssettag s2;
	_ =	strace s9  }
0x27: {  	s1 =	sld [smem:$0x3F81]  }
0x28: {  	s2 =	sld [smem:$0x3F82]  }
0x29: {  	s4 =	sld [smem:$0x3F84]  }
0x2a: {  	p0 =	seq.s32 s5, $0x0;
	s5 =	sld [smem:$0x3F85]  }
0x2b: {  	s6 =	sld [smem:$0x3F86]  }
0x2c: {  	s7 =	sld [smem:$0x3F87]  }
0x2d: {  	s3 =	simm.s32 $0x108;
	s8 =	sld [smem:$0x3F88]  }
0x2e: {  	s3 =	simm.s32 @!p0 $0x1082;
	s9 =	sld [smem:$0x3F89]  }
0x2f: {  	lr =	sadd.s32 s0, s3;
	s0 =	sld [smem:$0x3F80]  }
0x30: {  	s3 =	sld [smem:$0x3F83]  }
0x31: {  	[smem:$0x3F8C] =	sst s10  }
0x32: {  	s10 =	sld [smem:$0x3F8A];
	_ =	sdelay $0x3  }
0x33: {  	p0 =	seq.s32 s10, $0x1;
	s10 =	sld [smem:$0x3F8C];
	_ =	sdelay $0x3  }
0x34: {  	[smem:$0x3F8C] =	sst s10  }
0x35: {  	s10 =	sld [smem:$0x3F8B];
	_ =	sdelay $0x3  }
0x36: {  	p1 =	seq.s32 s10, $0x1;
	s10 =	sld [smem:$0x3F8C];
	_ =	sdelay $0x3  }
0x37: {  	[smem:$0x3F8C] =	sst s10  }
0x38: {  	s10 =	sld [smem:$0x3F8D]  }
0x39: {  	_ = 	snop;
	(pc) =	sbr.ind lr, $3  }
0x3a: {  	_ = 	snop  }
0x3b: {  	_ = 	snop  }
0x3c: {  	p2 =	seq.s32 s10, $0x1;
	s10 =	sld [smem:$0x3F8C]  }
0x3d: {  	_ =	shalt  }
0x3e: {  	_ =	shalt  }
0x3f: {  	_ =	shalt  }
0x40: {  	_ =	shalt  }
0x41: {  	_ =	shalt  }
0x42: {  	_ =	shalt  }
0x43: {  	_ =	shalt  }
0x44: {  	_ =	shalt  }
0x45: {  	_ =	shalt  }
0x46: {  	_ =	shalt  }
0x47: {  	_ =	shalt  }
0x48: {  	_ =	shalt  }
0x49: {  	_ =	shalt  }
0x4a: {  	_ =	shalt  }
0x4b: {  	_ =	shalt  }
0x4c: {  	_ =	shalt  }
0x4d: {  	_ =	shalt  }
0x4e: {  	_ =	shalt  }
0x4f: {  	_ =	shalt  }
0x50: {  	_ =	shalt  }
0x51: {  	_ =	shalt  }
0x52: {  	_ =	shalt  }
0x53: {  	_ =	shalt  }
0x54: {  	_ =	shalt  }
0x55: {  	_ =	shalt  }
0x56: {  	_ =	shalt  }
0x57: {  	_ =	shalt  }
0x58: {  	_ =	shalt  }
0x59: {  	_ =	shalt  }
0x5a: {  	_ =	shalt  }
0x5b: {  	_ =	shalt  }
0x5c: {  	_ =	shalt  }
0x5d: {  	_ =	shalt  }
0x5e: {  	_ =	shalt  }
0x5f: {  	_ =	shalt  }
0x60: {  	_ =	shalt  }
0x61: {  	_ =	shalt  }
0x62: {  	_ =	shalt  }
0x63: {  	_ =	shalt  }
0x64: {  	_ =	shalt  }
0x65: {  	_ =	shalt  }
0x66: {  	_ =	shalt  }
0x67: {  	_ =	shalt  }
0x68: {  	_ =	shalt  }
0x69: {  	_ =	shalt  }
0x6a: {  	_ =	shalt  }
0x6b: {  	_ =	shalt  }
0x6c: {  	_ =	shalt  }
0x6d: {  	_ =	shalt  }
0x6e: {  	_ =	shalt  }
0x6f: {  	_ =	shalt  }
0x70: {  	_ =	shalt  }
0x71: {  	_ =	shalt  }
0x72: {  	_ =	shalt  }
0x73: {  	_ =	shalt  }
0x74: {  	_ =	shalt  }
0x75: {  	_ =	shalt  }
0x76: {  	_ =	shalt  }
0x77: {  	_ =	shalt  }
0x78: {  	_ =	shalt  }
0x79: {  	_ =	shalt  }
0x7a: {  	_ =	shalt  }
0x7b: {  	_ =	shalt  }
0x7c: {  	_ =	shalt  }
0x7d: {  	_ =	shalt  }
0x7e: {  	_ =	shalt  }
0x7f: {  	_ =	shalt  }
0x80: {  	_ =	shalt  }
0x81: {  	_ =	shalt  }
0x82: {  	_ =	shalt  }
0x83: {  	_ =	shalt  }
0x84: {  	_ =	shalt  }
0x85: {  	_ =	shalt  }
0x86: {  	_ =	shalt  }
0x87: {  	_ =	shalt  }
.Lfunc_end0:
.L_simem_size_0:
called_computation.3_lowered:
.L_overlay_start_0:
0x88: {  	s2 =	sld [smem:$0x3FD9]  }
0x89: {  	s3 =	sld [smem:$0x3FFE];
	_ =	sdelay $0x1  }
0x8a: {  	s1 =	srdreg.scid  }
0x8b: {  	s0 =	sand.u32 $0x1, s1  }
0x8c: {  	s17 =	sshll.u32 s0, $0xA;
	s2 =	sadd.s32 s3, s2  }
0x8d: {  	s2 =	sadd.s32 s2, s17  }
0x8e: {  	[smem:$0x3F98] =	sst s2  }
0x8f: {  	_ = 	snop  }
0x90: {  	s2 =	sld [smem:$0x3FD0];
	(tm) =	ssettm $0x1  }
0x91: {  	s18 =	sld [smem:$0x3FFB];
	_ =	sdelay $0x3  }
0x92: {  	_ =	strace s18  }
0x93: {  	s3 =	sld [smem:$0x3FFC];
	_ =	sdelay $0x3  }
0x94: {  	_ =	strace s3  }
0x95: {  	s3 =	sld [smem:$0x3FFD];
	_ =	sdelay $0x3  }
0x96: {  	_ =	strace s3  }
0x97: {  	_ =	strace $0x8FFFFFFF  }
0x98: {  	s19 =	sld [smem:$0x3FDB];
	_ =	sdelay $0x1  }
0x99: {  	s4 =	simm.s32 $_scs_section_size  }
0x9a: {  	s5 =	simm.s32 $_size__tile_overlayer_lowered;
	s6 =	simm.s32 $_tile_overlayer_lowered  }
0x9b: {  	s22 =	simm.s32 $0x1BFF;
	s21 =	sshll.u32 s6, $0x1;
	s3 =	sadd.s32 s4, s19  }
0x9c: {  	s7 =	simm.s32 $0x0;
	s20 =	sshll.u32 s5, $0x1;
	s5 =	sadd.s32 s21, s3  }
0x9d: {  	[timem:s7], [sflag:s22] =	dma.local [hbm:s5], s20  }
0x9e: {  	_ =	swait.ge [sflag:s22], s20  }
0x9f: {  	s4 =	ssub.s32 $0x0, s20;
	[sflag:s22] =	ssyncset.done $0x0  }
0xa0: {  	[sflag:s22] =	ssyncadd.s32 s4;
	_ =	sdelay $0x1  }
0xa1: {  	s23 =	simm.s32 $0x1B8B  }
0xa2: {  	_ =	swait.ge [sflag:s23], $0x1  }
0xa3: {  	[sflag:s23] =	ssyncset.done $0x0  }
0xa4: {  	s25 =	simm.s32 $0x1B8E;
	s24 =	sld [smem:$0x3FFE];
	[sflag:s23] =	ssyncadd.s32 $0xFFFFFFFF  }
0xa5: {  	s26 =	simm.s32 $execute0_lowered;
	[smem:$0x3FD2] =	sst s25  }
0xa6: {  	s5 =	sshll.u32 s26, $0x1;
	_ =	strace $0x8000004F;
	[dreg:$0x1] =	wrdreg $0xFFFFFFFF  }
0xa7: {  	s28 =	simm.s32 $_size_execute0_lowered;
	s3 =	sadd.s32 s3, s5;
	[dreg:$0x0] =	wrdreg $0x0  }
0xa8: {  	s5 =	sshll.u32 s28, $0x1;
	[dreg:$0x2] =	wrdreg s3  }
0xa9: {  	[dreg:$0x3] =	wrdreg s5  }
0xaa: {  	[dreg:$0x4] =	wrdreg $0xC0  }
0xab: {  	_ =	task [dreg:s7], $0x5FFFF  }
0xac: {  	[dreg:$0x1] =	wrdreg $0xFFFFFFFF  }
0xad: {  	[dreg:$0x0] =	wrdreg $0x60  }
0xae: {  	[dreg:$0x2] =	wrdreg s2  }
0xaf: {  	[dreg:$0x3] =	wrdreg s24  }
0xb0: {  	[dreg:$0x4] =	wrdreg $0x9  }
0xb1: {  	_ =	task.clear_ibuf [dreg:s7], $0x5FFFF;
	_ =	strace $0x9000004F  }
0xb2: {  	s29 =	simm.s32 $0x9;
	_ =	strace $0x80000051  }
0xb3: {  	_ =	swait.ge [sflag:s29], $0x1  }
0xb4: {  	[sflag:s29] =	ssyncadd.s32 $0xFFFFFFFF  }
0xb5: {  	_ =	strace $0x90000051  }
0xb6: {  	_ =	sfence  }
0xb7: {  	s30 =	sld [smem:$0x0];
	_ =	sdelay $0x2  }
0xb8: {  	s31 =	sshll.u32 s1, $0xD;
	s1 =	sshrl.u32 s1, $0x2  }
0xb9: {  	s3 =	sand.u32 $0x4000, s31;
	s1 =	sadd.s32 s1, s30  }
0xba: {  	s0 =	sor.u32 s3, s0;
	s1 =	sshll.u32 s1, $0x11  }
0xbb: {  	s0 =	sor.u32 s1, s0  }
0xbc: {  	s0 =	sadd.s32 $0x8F2B, s0  }
0xbd: {  	[sflag:s0] =	ssyncadd.remote.s32 $0x1  }
0xbe: {  	_ =	sfence.sel $0xFFFF  }
0xbf: {  	[dreg:$0x0] =	wrdreg $0xFFFFFFFF;
	(pc) =	sbr.abs _section_cstart, $3  }
0xc0: {  	[dreg:$0x1] =	wrdreg $0xFFFFFFFF  }
0xc1: {  	_ =	task.clear_ibuf [dreg:s7], $0x2FFFF;
	_ =	strace $0x9FFFFFFF  }
0xc2: {  	(tm) =	ssettm $0x7FFFFFFF  }
0xc3: {  	_ =	shalt  }
tec
execute0_lowered:
.L_overlay_start_1:
0x0: {  	(tag) =	ssettag $0x1  }
0x1: {  	s1 =	rddreg [dreg:$0x0]  }
0x2: {  	s5 =	rddreg [dreg:$0x1]  }
0x3: {  	s0 =	rddreg [dreg:$0x2]  }
0x4: {  	s3 =	simm.s32 $0x0;
	s4 =	srdreg.scid;
	s2 =	stileid.u32  }
0x5: {  	[smem:$0x7FF] =	sst s3;
	s6 =	sand.u32 $0x1, s4;
	s4 =	sadd.s32 $0xBE00, s5  }
0x6: {  	s7 =	sshll.u32 s2, $0x5;
	s9 =	sshll.u32 s2, $0x9;
	_ =	strace $0x80000050  }
0x7: {  	s8 =	ssub.s32 $0x2, s6;
	s7 =	sadd.s32 s7, s5;
	s9 =	sadd.s32 s9, s5  }
0x8: {  	s30 =	sshll.u32 s6, $0x4;
	s5 =	sshll.u32 s2, $0x1;
	s10 =	sshrl.u32 s8, $0x1  }
0x9: {  	s31 =	sshll.u32 s6, $0x8;
	s7 =	sadd.s32 s30, s7;
	s8 =	ssub.s32 s8, s10  }
0xa: {  	s6 =	sadd.s32 $0x3CC00, s7;
	s7 =	sadd.s32 $0x6DA00, s7;
	s10 =	sadd.s32 s31, s9  }
0xb: {  	s8 =	smax.u32 s8, $0x1;
	s9 =	sadd.s32 $0x6649600, s10;
	s10 =	sadd.s32 $0x633C200, s10  }
.LBB2_1:
0xc: {  	p0 =	sgt.u32 s5, $0x30D3  }
0xd: {  	s11 =	sadd.s32 @!p0 $0x0, s7;
	s12 =	simm.s32 @!p0 $0x0;
	s15 =	simm.s32 @!p0 $0x4  }
0xe: {  	[tilespmem:s12], [sflag:$0x4] =	stream.linear.gather @!p0 [hbm4b:s11+s12], $0x80, $0x38;
	[tilespmem:$0x1100] =	vst v63  }
0xf: {  	_ =	swait.ge @!p0 [sflag:s15], $0x80;
	p0 =	por p0, p0  }
0x10: {  	[sflag:s15] =	ssyncset.done @!p0 $0x0  }
0x11: {  	s11 =	sadd.s32 @!p0 $0x0, s6;
	s13 =	simm.s32 @!p0 $0x80;
	[sflag:s15] =	ssyncadd.s32 @!p0 $0xFFFFFF80  }
0x12: {  	[tilespmem:s13], [sflag:$0x4] =	stream.linear.gather @!p0 [hbm4b:s11+s12], $0x80, $0x38;
	[tilespmem:$0x1100] =	vst v63  }
0x13: {  	_ =	swait.ge @!p0 [sflag:s15], $0x80  }
0x14: {  	[sflag:s15] =	ssyncset.done @!p0 $0x0  }
0x15: {  	s11 =	simm.s32 @!p0 $0x100;
	[sflag:s15] =	ssyncadd.s32 @!p0 $0xFFFFFF80  }
0x16: {  	[tilespmem:s11], [sflag:$0x1] =	stream.indirect.gather @!p0 [hbm4b:s1+s13], $0x10, s12, s13, $0xb8;
	[tilespmem:$0x1100] =	vst v63  }
0x17: {  	s16 =	simm.s32 @!p0 $0x900;
	s14 =	simm.s32 @!p0 $0x1  }
0x18: {  	[tilespmem:s16], [sflag:$0x2] =	stream.indirect.gather @!p0 [hbm4b:s4+s13], $0x10, s13, s13, $0xb8;
	[tilespmem:$0x1100] =	vst v63  }
0x19: {  	_ =	swait.ge @!p0 [sflag:s14], $0x800  }
0x1a: {  	[sflag:s14] =	ssyncset.done @!p0 $0x0  }
0x1b: {  	s13 =	simm.s32 @!p0 $0x2;
	[sflag:s14] =	ssyncadd.s32 @!p0 $0xFFFFF800  }
0x1c: {  	_ =	swait.ge @!p0 [sflag:s13], $0x800  }
0x1d: {  	[sflag:s13] =	ssyncset.done @!p0 $0x0  }
0x1e: {  	[sflag:s13] =	ssyncadd.s32 @!p0 $0xFFFFF800  }
0x1f: {  	[hbm4b:s10+s12] =	stream.linear.scatter @!p0 [tilespmem:s11], [sflag:$0x4], $0x800, $0x38;
	[tilespmem:$0x1100] =	vst v63  }
0x20: {  	_ =	swait.ge @!p0 [sflag:s15], $0x800  }
0x21: {  	[sflag:s15] =	ssyncset.done @!p0 $0x0  }
0x22: {  	s14 =	simm.s32 $0x400;
	s13 =	simm.s32 $0x200;
	[sflag:s15] =	ssyncadd.s32 @!p0 $0xFFFFF800  }
0x23: {  	[hbm4b:s9+s12] =	stream.linear.scatter @!p0 [tilespmem:s16], [sflag:$0x3], $0x800, $0x38;
	[tilespmem:$0x1100] =	vst v63  }
0x24: {  	s11 =	sadd.s32 $0x2000, s10;
	s15 =	sadd.s32 $0x20, s5;
	s16 =	simm.s32 @!p0 $0x3  }
0x25: {  	p2 =	sgt.u32 s15, $0x30D3;
	s12 =	sadd.s32 $0x2000, s9;
	_ =	swait.ge @!p0 [sflag:s16], $0x800  }
.LBB2_2:
0x26: {  	s17 =	sadd.s32 @!p2 s13, s7  }
0x27: {  	s18 =	simm.s32 @!p2 $0x0;
	[sflag:s16] =	ssyncset.done @!p0 $0x0;
	s19 =	smov.u32 s14  }
0x28: {  	s14 =	sadd.s32 $0x200, s14;
	s20 =	simm.s32 @!p2 $0x4;
	[sflag:s16] =	ssyncadd.s32 @!p0 $0xFFFFF800  }
0x29: {  	[tilespmem:s18], [sflag:$0x4] =	stream.linear.gather @!p2 [hbm4b:s17+s18], $0x80, $0x38;
	[tilespmem:$0x1100] =	vst v63  }
0x2a: {  	p1 =	sne.s32 s14, $0x30E00;
	p0 =	por p2, p2;
	_ =	swait.ge @!p2 [sflag:s20], $0x80  }
0x2b: {  	[sflag:s20] =	ssyncset.done @!p0 $0x0  }
0x2c: {  	s13 =	sadd.s32 @!p0 s13, s6;
	s16 =	simm.s32 @!p0 $0x80;
	[sflag:s20] =	ssyncadd.s32 @!p0 $0xFFFFFF80  }
0x2d: {  	[tilespmem:s16], [sflag:$0x4] =	stream.linear.gather @!p0 [hbm4b:s13+s18], $0x80, $0x38;
	[tilespmem:$0x1100] =	vst v63  }
0x2e: {  	s13 =	smov.u32 s19;
	_ =	swait.ge @!p0 [sflag:s20], $0x80  }
0x2f: {  	[sflag:s20] =	ssyncset.done @!p0 $0x0  }
0x30: {  	s17 =	simm.s32 @!p0 $0x100;
	[sflag:s20] =	ssyncadd.s32 @!p0 $0xFFFFFF80  }
0x31: {  	[tilespmem:s17], [sflag:$0x1] =	stream.indirect.gather @!p0 [hbm4b:s1+s16], $0x10, s18, s16, $0xb8;
	[tilespmem:$0x1100] =	vst v63  }
0x32: {  	s21 =	simm.s32 @!p0 $0x1;
	s19 =	simm.s32 @!p0 $0x900  }
0x33: {  	[tilespmem:s19], [sflag:$0x2] =	stream.indirect.gather @!p0 [hbm4b:s4+s16], $0x10, s16, s16, $0xb8;
	[tilespmem:$0x1100] =	vst v63  }
0x34: {  	_ =	swait.ge @!p0 [sflag:s21], $0x800  }
0x35: {  	[sflag:s21] =	ssyncset.done @!p0 $0x0  }
0x36: {  	s16 =	simm.s32 @!p0 $0x2;
	[sflag:s21] =	ssyncadd.s32 @!p0 $0xFFFFF800  }
0x37: {  	_ =	swait.ge @!p0 [sflag:s16], $0x800  }
0x38: {  	[sflag:s16] =	ssyncset.done @!p0 $0x0  }
0x39: {  	[sflag:s16] =	ssyncadd.s32 @!p0 $0xFFFFF800  }
0x3a: {  	[hbm4b:s11+s18] =	stream.linear.scatter @!p0 [tilespmem:s17], [sflag:$0x4], $0x800, $0x38;
	[tilespmem:$0x1100] =	vst v63  }
.Ltmp0:
0x3b: {  	_ =	swait.ge @!p0 [sflag:s20], $0x800;
	(pc) =	sbr.rel @p1 .LBB2_2-.Ltmp0, $4  }
0x3c: {  	s11 =	sadd.s32 $0x2000, s11;
	[sflag:s20] =	ssyncset.done @!p0 $0x0  }
0x3d: {  	s15 =	sadd.s32 $0x20, s15;
	s16 =	simm.s32 @!p0 $0x3;
	[sflag:s20] =	ssyncadd.s32 @!p0 $0xFFFFF800  }
0x3e: {  	[hbm4b:s12+s18] =	stream.linear.scatter @!p0 [tilespmem:s19], [sflag:$0x3], $0x800, $0x38;
	[tilespmem:$0x1100] =	vst v63  }
0x3f: {  	p2 =	sgt.u32 s15, $0x30D3;
	s12 =	sadd.s32 $0x2000, s12;
	_ =	swait.ge @!p0 [sflag:s16], $0x800  }
0x40: {  	s14 =	sadd.s32 @!p2 s13, s7;
	[sflag:s16] =	ssyncset.done @!p0 $0x0  }
0x41: {  	s15 =	simm.s32 @!p2 $0x0;
	s17 =	simm.s32 @!p2 $0x4;
	[sflag:s16] =	ssyncadd.s32 @!p0 $0xFFFFF800  }
0x42: {  	[tilespmem:s15], [sflag:$0x4] =	stream.linear.gather @!p2 [hbm4b:s14+s15], $0x80, $0x38;
	[tilespmem:$0x1100] =	vst v63  }
0x43: {  	p0 =	por p2, p2;
	_ =	swait.ge @!p2 [sflag:s17], $0x80  }
0x44: {  	[sflag:s17] =	ssyncset.done @!p0 $0x0  }
0x45: {  	s13 =	sadd.s32 @!p0 s13, s6;
	s14 =	simm.s32 @!p0 $0x80;
	[sflag:s17] =	ssyncadd.s32 @!p0 $0xFFFFFF80  }
0x46: {  	[tilespmem:s14], [sflag:$0x4] =	stream.linear.gather @!p0 [hbm4b:s13+s15], $0x80, $0x38;
	[tilespmem:$0x1100] =	vst v63  }
0x47: {  	_ =	swait.ge @!p0 [sflag:s17], $0x80  }
0x48: {  	[sflag:s17] =	ssyncset.done @!p0 $0x0  }
0x49: {  	s13 =	simm.s32 @!p0 $0x100;
	[sflag:s17] =	ssyncadd.s32 @!p0 $0xFFFFFF80  }
0x4a: {  	[tilespmem:s13], [sflag:$0x1] =	stream.indirect.gather @!p0 [hbm4b:s1+s14], $0x10, s15, s14, $0xb8;
	[tilespmem:$0x1100] =	vst v63  }
0x4b: {  	s16 =	simm.s32 @!p0 $0x900;
	s18 =	simm.s32 @!p0 $0x1  }
0x4c: {  	[tilespmem:s16], [sflag:$0x2] =	stream.indirect.gather @!p0 [hbm4b:s4+s14], $0x10, s14, s14, $0xb8;
	[tilespmem:$0x1100] =	vst v63  }
0x4d: {  	_ =	swait.ge @!p0 [sflag:s18], $0x800  }
0x4e: {  	[sflag:s18] =	ssyncset.done @!p0 $0x0  }
0x4f: {  	s14 =	simm.s32 @!p0 $0x2;
	[sflag:s18] =	ssyncadd.s32 @!p0 $0xFFFFF800  }
0x50: {  	_ =	swait.ge @!p0 [sflag:s14], $0x800  }
0x51: {  	[sflag:s14] =	ssyncset.done @!p0 $0x0  }
0x52: {  	[sflag:s14] =	ssyncadd.s32 @!p0 $0xFFFFF800  }
0x53: {  	[hbm4b:s11+s15] =	stream.linear.scatter @!p0 [tilespmem:s13], [sflag:$0x4], $0x800, $0x38;
	[tilespmem:$0x1100] =	vst v63  }
0x54: {  	s3 =	sadd.s32 $0x1, s3;
	_ =	swait.ge @!p0 [sflag:s17], $0x800  }
0x55: {  	p1 =	sne.s32 s3, s8;
	[sflag:s17] =	ssyncset.done @!p0 $0x0  }
.Ltmp1:
0x56: {  	s11 =	simm.s32 @!p0 $0x3;
	[sflag:s17] =	ssyncadd.s32 @!p0 $0xFFFFF800;
	(pc) =	sbr.rel @p1 .LBB2_1-.Ltmp1, $4  }
0x57: {  	[hbm4b:s12+s15] =	stream.linear.scatter @!p0 [tilespmem:s16], [sflag:$0x3], $0x800, $0x38;
	[tilespmem:$0x1100] =	vst v63  }
0x58: {  	_ =	swait.ge @!p0 [sflag:s11], $0x800  }
0x59: {  	[sflag:s11] =	ssyncset.done @!p0 $0x0  }
0x5a: {  	[sflag:s11] =	ssyncadd.s32 @!p0 $0xFFFFF800  }
0x5b: {  	_ =	sfence.sel $0x180000  }
0x5c: {  	[bflag:$0x0] =	sbarrier.arrive $0xFFFF  }
0x5d: {  	p0 =	sne.s32 s2, $0x0;
	_ =	strace $0x90000050  }
0x5e: {  	s0 =	sadd.s32 @!p0 $0x100000, s0;
	[bflag:$0x2] =	sbarrier.arrive $0xFFFF  }
0x5f: {  	[sflag:s0] =	ssyncadd.tile.s32 @!p0 $0x1;
	_ =	shalt  }
.Lfunc_end2:
_tile_overlayer_lowered:
.L_overlay_start_2:
0x60: {  	(tag) =	ssettag $0x2  }
0x61: {  	s0 =	rddreg [dreg:$0x0];
	s2 =	stileid.u32  }
0x62: {  	s1 =	rddreg [dreg:$0x1];
	p0 =	sne.s32 s2, $0x0  }
0x63: {  	s3 =	rddreg [dreg:$0x2];
	[bflag:$0x3] =	sbarrier.arrive $0xFFFF;
	s2 =	simm.s32 @!p0 $0x1C03  }
0x64: {  	[timem:s3], [sflag:s2] =	dma.local @!p0 [hbm:s0], s1  }
0x65: {  	s0 =	simm.s32 @!p0 $0x3  }
0x66: {  	_ =	swait.ge @!p0 [sflag:s0], s1  }
0x67: {  	s1 =	ssub.s32 @!p0 $0x0, s1;
	[sflag:s0] =	ssyncset.done @!p0 $0x0  }
0x68: {  	[sflag:s0] =	ssyncadd.s32 @!p0 s1  }
0x69: {  	[bflag:$0x3] =	sbarrier.arrive $0xFFFF  }
0x6a: {  	_ =	shalt  }

// kernel: kernel.30.cloned.1.call-start
scs
__scs_entry_jumppad:
0x0: {  	(pc) =	sbr.rel $0x88, $3  }
0x1: {  	(tag) =	ssettag $0x0;
	lr =	simm.s32 $0x1  }
0x2: {  	[smem:$0x3F71] =	sst lr;
	_ =	strace $0xD0000000  }
0x3: {  	_ = 	snop  }
0x4: {  	_ = 	snop  }
0x5: {  	_ = 	snop  }
0x6: {  	_ = 	snop  }
0x7: {  	_ = 	snop  }
__scs_overlays_trampoline_lowered:
0x8: {  	[smem:$0x3F80] =	sst s0  }
0x9: {  	[smem:$0x3F81] =	sst s1  }
0xa: {  	[smem:$0x3F82] =	sst s2  }
0xb: {  	[smem:$0x3F83] =	sst s3  }
0xc: {  	[smem:$0x3F84] =	sst s4  }
0xd: {  	[smem:$0x3F85] =	sst s5  }
0xe: {  	[smem:$0x3F86] =	sst s6  }
0xf: {  	[smem:$0x3F87] =	sst s7  }
0x10: {  	[smem:$0x3F88] =	sst s8  }
0x11: {  	[smem:$0x3F89] =	sst s9;
	s0 =	simm.s32 @!p0 $0x0  }
0x12: {  	s1 =	sld [smem:$0x3F6F];
	s0 =	simm.s32 @p0 $0x1  }
0x13: {  	[smem:$0x3F8A] =	sst s0;
	s0 =	simm.s32 @!p1 $0x0  }
0x14: {  	s2 =	sld [smem:$0x3F6E];
	s0 =	simm.s32 @p1 $0x1  }
0x15: {  	[smem:$0x3F8B] =	sst s0;
	s0 =	simm.s32 @!p2 $0x0  }
0x16: {  	s3 =	sld [smem:$0x3FDB];
	s0 =	simm.s32 @p2 $0x1  }
0x17: {  	s4 =	simm.s32 $0x1BF5;
	[smem:$0x3F8D] =	sst s0  }
0x18: {  	s0 =	sld [smem:$0x3F70];
	_ =	swait.ge [sflag:s4], $0x0  }
0x19: {  	s7 =	sld [smem:$0x3F71]  }
0x1a: {  	s8 =	sadd.s32 $0xFFFFE003, lr  }
0x1b: {  	s9 =	sadd.s32 $0xFFFFFEF7, lr;
	s5 =	simm.s32 $0xFFFFFFFF;
	p2 =	slt.u32 s8, $0xFFFFF086  }
0x1c: {  	p1 =	slt.u32 s9, $0xF7A;
	s5 =	simm.s32 @!p2 $0x0  }
0x1d: {  	s5 =	simm.s32 @p1 $0x1;
	p0 =	seq.s32 s7, s2  }
0x1e: {  	s7 =	smul.u32 @!p0 $0xF7A, s2;
	p2 =	seq.s32 @!p0 s5, $0x0  }
0x1f: {  	s9 =	smul.u32 $0xF7A, s1;
	s8 =	simm.s32 @!p0 $0x1BF5;
	p2 =	por !p2, p0  }
0x20: {  	[sflag:s8] =	ssyncset.s32 @!p0 $0xFFFFF086;
	s6 =	sadd.s32 @!p0 s3, s7;
	s7 =	simm.s32 @!p0 $0x108  }
0x21: {  	s3 =	sadd.s32 s3, s9;
	s6 =	sadd.s32 @!p0 $0x88, s6;
	s7 =	simm.s32 @p2 $0x1082  }
0x22: {  	[simem:s7], [sflag:s8] =	dma.local @!p0 [hbm:s6], $0xF7A  }
0x23: {  	s9 =	sor.u32 $0xD0000000, s2;
	s6 =	simm.s32 $0x108;
	_ =	swait.ge @!p0 [sflag:s8], $0x0  }
0x24: {  	s3 =	sadd.s32 $0x88, s3;
	s6 =	simm.s32 @!p1 $0x1082;
	[sflag:s4] =	ssyncset.s32 $0xFFFFF086  }
0x25: {  	[simem:s6], [sflag:s4] =	dma.local [hbm:s3], $0xF7A  }
0x26: {  	[smem:$0x3F71] =	sst s1;
	(tag) =	ssettag s2;
	_ =	strace s9  }
0x27: {  	s1 =	sld [smem:$0x3F81]  }
0x28: {  	s2 =	sld [smem:$0x3F82]  }
0x29: {  	s4 =	sld [smem:$0x3F84]  }
0x2a: {  	p0 =	seq.s32 s5, $0x0;
	s5 =	sld [smem:$0x3F85]  }
0x2b: {  	s6 =	sld [smem:$0x3F86]  }
0x2c: {  	s7 =	sld [smem:$0x3F87]  }
0x2d: {  	s3 =	simm.s32 $0x108;
	s8 =	sld [smem:$0x3F88]  }
0x2e: {  	s3 =	simm.s32 @!p0 $0x1082;
	s9 =	sld [smem:$0x3F89]  }
0x2f: {  	lr =	sadd.s32 s0, s3;
	s0 =	sld [smem:$0x3F80]  }
0x30: {  	s3 =	sld [smem:$0x3F83]  }
0x31: {  	[smem:$0x3F8C] =	sst s10  }
0x32: {  	s10 =	sld [smem:$0x3F8A];
	_ =	sdelay $0x3  }
0x33: {  	p0 =	seq.s32 s10, $0x1;
	s10 =	sld [smem:$0x3F8C];
	_ =	sdelay $0x3  }
0x34: {  	[smem:$0x3F8C] =	sst s10  }
0x35: {  	s10 =	sld [smem:$0x3F8B];
	_ =	sdelay $0x3  }
0x36: {  	p1 =	seq.s32 s10, $0x1;
	s10 =	sld [smem:$0x3F8C];
	_ =	sdelay $0x3  }
0x37: {  	[smem:$0x3F8C] =	sst s10  }
0x38: {  	s10 =	sld [smem:$0x3F8D]  }
0x39: {  	_ = 	snop;
	(pc) =	sbr.ind lr, $3  }
0x3a: {  	_ = 	snop  }
0x3b: {  	_ = 	snop  }
0x3c: {  	p2 =	seq.s32 s10, $0x1;
	s10 =	sld [smem:$0x3F8C]  }
0x3d: {  	_ =	shalt  }
0x3e: {  	_ =	shalt  }
0x3f: {  	_ =	shalt  }
0x40: {  	_ =	shalt  }
0x41: {  	_ =	shalt  }
0x42: {  	_ =	shalt  }
0x43: {  	_ =	shalt  }
0x44: {  	_ =	shalt  }
0x45: {  	_ =	shalt  }
0x46: {  	_ =	shalt  }
0x47: {  	_ =	shalt  }
0x48: {  	_ =	shalt  }
0x49: {  	_ =	shalt  }
0x4a: {  	_ =	shalt  }
0x4b: {  	_ =	shalt  }
0x4c: {  	_ =	shalt  }
0x4d: {  	_ =	shalt  }
0x4e: {  	_ =	shalt  }
0x4f: {  	_ =	shalt  }
0x50: {  	_ =	shalt  }
0x51: {  	_ =	shalt  }
0x52: {  	_ =	shalt  }
0x53: {  	_ =	shalt  }
0x54: {  	_ =	shalt  }
0x55: {  	_ =	shalt  }
0x56: {  	_ =	shalt  }
0x57: {  	_ =	shalt  }
0x58: {  	_ =	shalt  }
0x59: {  	_ =	shalt  }
0x5a: {  	_ =	shalt  }
0x5b: {  	_ =	shalt  }
0x5c: {  	_ =	shalt  }
0x5d: {  	_ =	shalt  }
0x5e: {  	_ =	shalt  }
0x5f: {  	_ =	shalt  }
0x60: {  	_ =	shalt  }
0x61: {  	_ =	shalt  }
0x62: {  	_ =	shalt  }
0x63: {  	_ =	shalt  }
0x64: {  	_ =	shalt  }
0x65: {  	_ =	shalt  }
0x66: {  	_ =	shalt  }
0x67: {  	_ =	shalt  }
0x68: {  	_ =	shalt  }
0x69: {  	_ =	shalt  }
0x6a: {  	_ =	shalt  }
0x6b: {  	_ =	shalt  }
0x6c: {  	_ =	shalt  }
0x6d: {  	_ =	shalt  }
0x6e: {  	_ =	shalt  }
0x6f: {  	_ =	shalt  }
0x70: {  	_ =	shalt  }
0x71: {  	_ =	shalt  }
0x72: {  	_ =	shalt  }
0x73: {  	_ =	shalt  }
0x74: {  	_ =	shalt  }
0x75: {  	_ =	shalt  }
0x76: {  	_ =	shalt  }
0x77: {  	_ =	shalt  }
0x78: {  	_ =	shalt  }
0x79: {  	_ =	shalt  }
0x7a: {  	_ =	shalt  }
0x7b: {  	_ =	shalt  }
0x7c: {  	_ =	shalt  }
0x7d: {  	_ =	shalt  }
0x7e: {  	_ =	shalt  }
0x7f: {  	_ =	shalt  }
0x80: {  	_ =	shalt  }
0x81: {  	_ =	shalt  }
0x82: {  	_ =	shalt  }
0x83: {  	_ =	shalt  }
0x84: {  	_ =	shalt  }
0x85: {  	_ =	shalt  }
0x86: {  	_ =	shalt  }
0x87: {  	_ =	shalt  }
.Lfunc_end0:
.L_simem_size_0:
called_computation.4_lowered:
.L_overlay_start_0:
0x88: {  	s2 =	sld [smem:$0x3FD9]  }
0x89: {  	s3 =	sld [smem:$0x3FFE];
	_ =	sdelay $0x1  }
0x8a: {  	s1 =	srdreg.scid  }
0x8b: {  	s0 =	sand.u32 $0x1, s1  }
0x8c: {  	s16 =	sshll.u32 s0, $0xA;
	s2 =	sadd.s32 s3, s2  }
0x8d: {  	s2 =	sadd.s32 s2, s16  }
0x8e: {  	[smem:$0x3F98] =	sst s2  }
0x8f: {  	_ = 	snop  }
0x90: {  	(tm) =	ssettm $0x1  }
0x91: {  	s17 =	sld [smem:$0x3FFB];
	_ =	sdelay $0x3  }
0x92: {  	_ =	strace s17  }
0x93: {  	s2 =	sld [smem:$0x3FFC];
	_ =	sdelay $0x3  }
0x94: {  	_ =	strace s2  }
0x95: {  	s2 =	sld [smem:$0x3FFD];
	_ =	sdelay $0x3  }
0x96: {  	_ =	strace s2  }
0x97: {  	_ =	strace $0x8FFFFFFF  }
0x98: {  	s18 =	sld [smem:$0x3FDB];
	_ =	sdelay $0x1  }
0x99: {  	s19 =	simm.s32 $_scs_section_size  }
0x9a: {  	s4 =	simm.s32 $_size__tile_overlayer_lowered;
	s5 =	simm.s32 $_tile_overlayer_lowered  }
0x9b: {  	s22 =	simm.s32 $0x1BFF;
	s21 =	sshll.u32 s5, $0x1;
	s2 =	sadd.s32 s19, s18  }
0x9c: {  	s6 =	simm.s32 $0x0;
	s20 =	sshll.u32 s4, $0x1;
	s4 =	sadd.s32 s21, s2  }
0x9d: {  	[timem:s6], [sflag:s22] =	dma.local [hbm:s4], s20  }
0x9e: {  	_ =	swait.ge [sflag:s22], s20  }
0x9f: {  	s3 =	ssub.s32 $0x0, s20;
	[sflag:s22] =	ssyncset.done $0x0  }
0xa0: {  	[sflag:s22] =	ssyncadd.s32 s3;
	_ =	sdelay $0x1  }
0xa1: {  	s23 =	simm.s32 $0x1B8B  }
0xa2: {  	_ =	swait.ge [sflag:s23], $0x1  }
0xa3: {  	[sflag:s23] =	ssyncset.done $0x0  }
0xa4: {  	s25 =	simm.s32 $0x1B8E;
	s24 =	sld [smem:$0x3FFE];
	[sflag:s23] =	ssyncadd.s32 $0xFFFFFFFF  }
0xa5: {  	s26 =	simm.s32 $execute0_lowered;
	[smem:$0x3FD2] =	sst s25  }
0xa6: {  	s4 =	sshll.u32 s26, $0x1;
	_ =	strace $0x80000052;
	[dreg:$0x1] =	wrdreg $0xFFFFFFFF  }
0xa7: {  	s28 =	simm.s32 $_size_execute0_lowered;
	s2 =	sadd.s32 s2, s4;
	[dreg:$0x0] =	wrdreg $0x0  }
0xa8: {  	s4 =	sshll.u32 s28, $0x1;
	[dreg:$0x2] =	wrdreg s2  }
0xa9: {  	[dreg:$0x3] =	wrdreg s4  }
0xaa: {  	[dreg:$0x4] =	wrdreg $0xC0  }
0xab: {  	_ =	task [dreg:s6], $0x5FFFF  }
0xac: {  	[dreg:$0x1] =	wrdreg $0xFFFFFFFF  }
0xad: {  	[dreg:$0x0] =	wrdreg $0x60  }
0xae: {  	[dreg:$0x2] =	wrdreg s24  }
0xaf: {  	[dreg:$0x3] =	wrdreg $0x10800  }
0xb0: {  	[dreg:$0x4] =	wrdreg $0x9  }
0xb1: {  	_ =	task.clear_ibuf [dreg:s6], $0x5FFFF;
	_ =	strace $0x90000052  }
0xb2: {  	s29 =	simm.s32 $0x9;
	_ =	strace $0x80000054  }
0xb3: {  	_ =	swait.ge [sflag:s29], $0x1  }
0xb4: {  	[sflag:s29] =	ssyncadd.s32 $0xFFFFFFFF  }
0xb5: {  	_ =	strace $0x90000054  }
0xb6: {  	_ =	sfence  }
0xb7: {  	s30 =	sld [smem:$0x0];
	_ =	sdelay $0x2  }
0xb8: {  	s31 =	sshll.u32 s1, $0xD;
	s1 =	sshrl.u32 s1, $0x2  }
0xb9: {  	s3 =	sand.u32 $0x4000, s31;
	s1 =	sadd.s32 s1, s30  }
0xba: {  	s0 =	sor.u32 s3, s0;
	s1 =	sshll.u32 s1, $0x11  }
0xbb: {  	s0 =	sor.u32 s1, s0  }
0xbc: {  	s0 =	sadd.s32 $0x8F2B, s0  }
0xbd: {  	[sflag:s0] =	ssyncadd.remote.s32 $0x1  }
0xbe: {  	_ =	sfence.sel $0xFFFF  }
0xbf: {  	[dreg:$0x0] =	wrdreg $0xFFFFFFFF;
	(pc) =	sbr.abs _section_cstart, $3  }
0xc0: {  	[dreg:$0x1] =	wrdreg $0xFFFFFFFF  }
0xc1: {  	_ =	task.clear_ibuf [dreg:s6], $0x2FFFF;
	_ =	strace $0x9FFFFFFF  }
0xc2: {  	(tm) =	ssettm $0x7FFFFFFF  }
0xc3: {  	_ =	shalt  }
tec
execute0_lowered:
.L_overlay_start_1:
0x0: {  	(tag) =	ssettag $0x1  }
0x1: {  	s4 =	rddreg [dreg:$0x0]  }
0x2: {  	s2 =	rddreg [dreg:$0x1]  }
0x3: {  	s0 =	rddreg [dreg:$0x2];
	s5 =	srdreg.scid  }
0x4: {  	s3 =	simm.s32 $0x0;
	s1 =	stileid.u32;
	s5 =	sand.u32 $0x1, s5  }
0x5: {  	[smem:$0x7FF] =	sst s3;
	s6 =	sshll.u32 s1, $0x9;
	s8 =	sshll.u32 s1, $0xB  }
0x6: {  	s9 =	sshll.u32 s1, $0x5;
	s7 =	smul.u32 $0x187000, s5;
	_ =	strace $0x80000053  }
0x7: {  	s6 =	sadd.s32 s6, s4;
	s10 =	ssub.s32 $0x2, s5;
	s9 =	sadd.s32 s9, s4  }
0x8: {  	s30 =	sshll.u32 s5, $0x8;
	s31 =	sshll.u32 s5, $0x4;
	s11 =	sshrl.u32 s10, $0x1  }
0x9: {  	s6 =	sadd.s32 s30, s6;
	s9 =	sadd.s32 s31, s9;
	s7 =	sadd.s32 s8, s7  }
0xa: {  	s29 =	ssub.s32 s10, s11;
	s6 =	sadd.s32 $0x633C200, s6;
	s7 =	sshrl.u32 s7, $0x3  }
0xb: {  	s5 =	smax.u32 s29, $0x1;
	s12 =	sadd.s32 s7, s4;
	s4 =	sshll.u32 s1, $0x1  }
0xc: {  	v0 =	vimm.f32 $0.0e+00;
	s7 =	sadd.s32 s8, s2;
	s8 =	sadd.s32 $0x3CC00, s9;
	s9 =	sadd.s32 $0x6649600, s12  }
.LBB2_1:
0xd: {  	s10 =	simm.s32 $0x0  }
.LBB2_2:
0xe: {  	p0 =	sne.s32 s10, $0x1FC0  }
.Ltmp0:
0xf: {  	_ = 	snop;
	(pc) =	sbr.rel @p0 .LBB2_2-.Ltmp0, $3  }
0x10: {  	_ =	sdelay $0x1  }
0x11: {  	s11 =	sshra.s32 s10, $0x2  }
0x12: {  	s10 =	sadd.s32 $0x40, s10;
	[tilespmem:s11+$0x880] =	vst v0  }
0x13: {  	s10 =	sadd.s32 $0x0, s1  }
0x14: {  	p0 =	sgt.u32 s10, $0x30D  }
0x15: {  	s10 =	simm.s32 @!p0 $0x880;
	s13 =	simm.s32 @!p0 $0x1  }
0x16: {  	[spmem:s7] =	stream.linear.scatter @!p0 [tilespmem:s10], [sflag:$0x1], $0x800, $0x38;
	[tilespmem:$0x19780] =	vst v63  }
0x17: {  	s11 =	simm.s32 $0x10;
	_ =	swait.ge @!p0 [sflag:s13], $0x800  }
0x18: {  	s12 =	simm.s32 $0x20;
	s10 =	sadd.s32 $0x8000, s7;
	[sflag:s13] =	ssyncset.done @!p0 $0x0  }
.LBB2_4:
0x19: {  	s14 =	sadd.s32 s11, s1;
	s11 =	smov.u32 s12;
	s12 =	sadd.s32 $0x10, s12  }
0x1a: {  	[sflag:s13] =	ssyncadd.s32 @!p0 $0xFFFFF800;
	p1 =	sne.s32 s12, $0x310  }
.Ltmp1:
0x1b: {  	p0 =	sgt.u32 s14, $0x30D;
	(pc) =	sbr.rel @p1 .LBB2_4-.Ltmp1, $4  }
0x1c: {  	s14 =	simm.s32 @!p0 $0x880;
	s13 =	simm.s32 @!p0 $0x1  }
0x1d: {  	[spmem:s10] =	stream.linear.scatter @!p0 [tilespmem:s14], [sflag:$0x1], $0x800, $0x38;
	[tilespmem:$0x19780] =	vst v63  }
0x1e: {  	_ =	swait.ge @!p0 [sflag:s13], $0x800  }
0x1f: {  	s10 =	sadd.s32 $0x8000, s10;
	[sflag:s13] =	ssyncset.done @!p0 $0x0  }
0x20: {  	s11 =	sadd.s32 s11, s1  }
0x21: {  	p1 =	sgt.u32 s11, $0x30D  }
0x22: {  	[sflag:s13] =	ssyncadd.s32 @!p0 $0xFFFFF800;
	s11 =	simm.s32 @!p1 $0x880;
	s12 =	simm.s32 @!p1 $0x1  }
0x23: {  	[spmem:s10] =	stream.linear.scatter @!p1 [tilespmem:s11], [sflag:$0x1], $0x800, $0x38;
	[tilespmem:$0x19780] =	vst v63  }
0x24: {  	_ =	swait.ge @!p1 [sflag:s12], $0x800  }
0x25: {  	s30 =	sadd.s32 $0x0, s4;
	[sflag:s12] =	ssyncset.done @!p1 $0x0  }
0x26: {  	p0 =	sgt.u32 s30, $0x30D3;
	[sflag:s12] =	ssyncadd.s32 @!p1 $0xFFFFF800  }
0x27: {  	s10 =	simm.s32 @!p0 $0x0;
	s12 =	simm.s32 @!p0 $0x2;
	[bflag:$0x0] =	sbarrier.arrive $0xFFFF  }
0x28: {  	[tilespmem:s10], [sflag:$0x2] =	stream.linear.gather @!p0 [hbm4b:s8+s10], $0x80, $0x38;
	[tilespmem:$0x19780] =	vst v63  }
0x29: {  	_ =	swait.ge @!p0 [sflag:s12], $0x80  }
0x2a: {  	[sflag:s12] =	ssyncset.done @!p0 $0x0;
	p0 =	por p0, p0  }
0x2b: {  	[sflag:s12] =	ssyncadd.s32 @!p0 $0xFFFFFF80;
	s14 =	simm.s32 @!p0 $0x80  }
0x2c: {  	[tilespmem:s14], [sflag:$0x2] =	stream.linear.gather @!p0 [hbm4b:s6+s10], $0x800, $0x38;
	[tilespmem:$0x19780] =	vst v63  }
0x2d: {  	_ =	swait.ge @!p0 [sflag:s12], $0x800  }
0x2e: {  	[sflag:s12] =	ssyncset.done @!p0 $0x0  }
0x2f: {  	s31 =	sadd.s32 $0x20, s4;
	s13 =	simm.s32 @!p0 $0x1;
	[sflag:s12] =	ssyncadd.s32 @!p0 $0xFFFFF800  }
0x30: {  	[spmem:s2] =	stream.indirect.scatter.add.f32 @!p0 [tilespmem:s14], [sflag:$0x1], $0x10, s10, s14, $0xb8;
	[tilespmem:$0x19780] =	vst v63  }
0x31: {  	s11 =	simm.s32 $0x40;
	p1 =	sgt.u32 s31, $0x30D3;
	_ =	swait.ge @!p0 [sflag:s13], $0x800  }
0x32: {  	s12 =	sadd.s32 $0x200, s8;
	s10 =	sadd.s32 $0x2000, s6;
	[sflag:s13] =	ssyncset.done @!p0 $0x0  }
.LBB2_6:
0x33: {  	s14 =	simm.s32 @!p1 $0x0;
	s15 =	simm.s32 @!p1 $0x2;
	[sflag:s13] =	ssyncadd.s32 @!p0 $0xFFFFF800  }
0x34: {  	[tilespmem:s14], [sflag:$0x2] =	stream.linear.gather @!p1 [hbm4b:s12+s14], $0x80, $0x38;
	[tilespmem:$0x19780] =	vst v63  }
0x35: {  	s16 =	smov.u32 s11;
	s11 =	sadd.s32 $0x20, s11;
	_ =	swait.ge @!p1 [sflag:s15], $0x80  }
0x36: {  	p0 =	por p1, p1;
	p2 =	sne.s32 s11, $0x30E0;
	[sflag:s15] =	ssyncset.done @!p1 $0x0  }
0x37: {  	s17 =	simm.s32 @!p0 $0x80;
	[sflag:s15] =	ssyncadd.s32 @!p0 $0xFFFFFF80  }
0x38: {  	[tilespmem:s17], [sflag:$0x2] =	stream.linear.gather @!p0 [hbm4b:s10+s14], $0x800, $0x38;
	[tilespmem:$0x19780] =	vst v63  }
0x39: {  	_ =	swait.ge @!p0 [sflag:s15], $0x800  }
.Ltmp2:
0x3a: {  	[sflag:s15] =	ssyncset.done @!p0 $0x0;
	(pc) =	sbr.rel @p2 .LBB2_6-.Ltmp2, $4  }
0x3b: {  	s13 =	simm.s32 @!p0 $0x1;
	[sflag:s15] =	ssyncadd.s32 @!p0 $0xFFFFF800  }
0x3c: {  	[spmem:s2] =	stream.indirect.scatter.add.f32 @!p0 [tilespmem:s17], [sflag:$0x1], $0x10, s14, s17, $0xb8;
	[tilespmem:$0x19780] =	vst v63  }
0x3d: {  	s12 =	sadd.s32 $0x200, s12;
	s14 =	sadd.s32 s16, s4;
	_ =	swait.ge @!p0 [sflag:s13], $0x800  }
0x3e: {  	s10 =	sadd.s32 $0x2000, s10;
	p1 =	sgt.u32 s14, $0x30D3;
	[sflag:s13] =	ssyncset.done @!p0 $0x0  }
0x3f: {  	s11 =	simm.s32 @!p1 $0x0;
	s14 =	simm.s32 @!p1 $0x2;
	[sflag:s13] =	ssyncadd.s32 @!p0 $0xFFFFF800  }
0x40: {  	[tilespmem:s11], [sflag:$0x2] =	stream.linear.gather @!p1 [hbm4b:s12+s11], $0x80, $0x38;
	[tilespmem:$0x19780] =	vst v63  }
0x41: {  	_ =	swait.ge @!p1 [sflag:s14], $0x80  }
0x42: {  	p0 =	por p1, p1;
	[sflag:s14] =	ssyncset.done @!p1 $0x0  }
0x43: {  	s12 =	simm.s32 @!p0 $0x80;
	[sflag:s14] =	ssyncadd.s32 @!p0 $0xFFFFFF80  }
0x44: {  	[tilespmem:s12], [sflag:$0x2] =	stream.linear.gather @!p0 [hbm4b:s10+s11], $0x800, $0x38;
	[tilespmem:$0x19780] =	vst v63  }
0x45: {  	_ =	swait.ge @!p0 [sflag:s14], $0x800  }
0x46: {  	[sflag:s14] =	ssyncset.done @!p0 $0x0  }
0x47: {  	s10 =	simm.s32 @!p0 $0x1;
	[sflag:s14] =	ssyncadd.s32 @!p0 $0xFFFFF800  }
0x48: {  	[spmem:s2] =	stream.indirect.scatter.add.f32 @!p0 [tilespmem:s12], [sflag:$0x1], $0x10, s11, s12, $0xb8;
	[tilespmem:$0x19780] =	vst v63  }
0x49: {  	_ =	swait.ge @!p0 [sflag:s10], $0x800  }
0x4a: {  	s31 =	sadd.s32 $0x0, s1;
	[sflag:s10] =	ssyncset.done @!p0 $0x0  }
0x4b: {  	[sflag:s10] =	ssyncadd.s32 @!p0 $0xFFFFF800;
	p0 =	sgt.u32 s31, $0x30D  }
0x4c: {  	[bflag:$0x0] =	sbarrier.arrive $0xFFFF;
	s10 =	sshll.u32 @!p0 s1, $0x6  }
0x4d: {  	s11 =	sshrl.u32 @!p0 s7, $0x3;
	s13 =	simm.s32 @!p0 $0x1;
	s10 =	sor.u32 @!p0 $0x1C01, s10  }
0x4e: {  	[hbm:s9], [sflag:s10] =	dma.local @!p0 [spmem:s11], $0x100  }
0x4f: {  	s14 =	sadd.s32 $0x10, s1;
	s12 =	sadd.s32 $0x8000, s7;
	_ =	swait.ge @!p0 [sflag:s13], $0x100  }
0x50: {  	s11 =	simm.s32 $0x20;
	s10 =	sadd.s32 $0x1000, s9;
	[sflag:s13] =	ssyncset.done @!p0 $0x0  }
.LBB2_8:
0x51: {  	[sflag:s13] =	ssyncadd.s32 @!p0 $0xFFFFFF00  }
0x52: {  	p0 =	sgt.u32 s14, $0x30D;
	s14 =	smov.u32 s11;
	s11 =	sadd.s32 $0x10, s11  }
0x53: {  	p1 =	sne.s32 s11, $0x310  }
.Ltmp3:
0x54: {  	s13 =	sshll.u32 @!p0 s1, $0x6;
	s15 =	sshrl.u32 @!p0 s12, $0x3;
	(pc) =	sbr.rel @p1 .LBB2_8-.Ltmp3, $4  }
0x55: {  	s16 =	sor.u32 @!p0 $0x1C01, s13;
	s13 =	simm.s32 @!p0 $0x1  }
0x56: {  	[hbm:s10], [sflag:s16] =	dma.local @!p0 [spmem:s15], $0x100  }
0x57: {  	s10 =	sadd.s32 $0x1000, s10;
	_ =	swait.ge @!p0 [sflag:s13], $0x100  }
0x58: {  	s14 =	sadd.s32 s14, s1;
	s12 =	sadd.s32 $0x8000, s12;
	[sflag:s13] =	ssyncset.done @!p0 $0x0  }
0x59: {  	p1 =	sgt.u32 s14, $0x30D;
	[sflag:s13] =	ssyncadd.s32 @!p0 $0xFFFFFF00;
	s3 =	sadd.s32 $0x1, s3  }
0x5a: {  	s11 =	sshll.u32 @!p1 s1, $0x6;
	s12 =	sshrl.u32 @!p1 s12, $0x3;
	p0 =	sne.s32 s3, s5  }
.Ltmp4:
0x5b: {  	s13 =	simm.s32 @!p1 $0x1;
	s11 =	sor.u32 @!p1 $0x1C01, s11;
	(pc) =	sbr.rel @p0 .LBB2_1-.Ltmp4, $4  }
0x5c: {  	[hbm:s10], [sflag:s11] =	dma.local @!p1 [spmem:s12], $0x100  }
0x5d: {  	_ =	swait.ge @!p1 [sflag:s13], $0x100  }
0x5e: {  	[sflag:s13] =	ssyncset.done @!p1 $0x0  }
0x5f: {  	[sflag:s13] =	ssyncadd.s32 @!p1 $0xFFFFFF00  }
0x60: {  	_ =	sfence.sel $0x180000  }
0x61: {  	[bflag:$0x0] =	sbarrier.arrive $0xFFFF  }
0x62: {  	p0 =	sne.s32 s1, $0x0;
	_ =	strace $0x90000053  }
0x63: {  	s0 =	sadd.s32 @!p0 $0x100000, s0;
	[bflag:$0x2] =	sbarrier.arrive $0xFFFF  }
0x64: {  	[sflag:s0] =	ssyncadd.tile.s32 @!p0 $0x1;
	_ =	shalt  }
.Lfunc_end2:
_tile_overlayer_lowered:
.L_overlay_start_2:
0x65: {  	(tag) =	ssettag $0x2  }
0x66: {  	s0 =	rddreg [dreg:$0x0];
	s2 =	stileid.u32  }
0x67: {  	s1 =	rddreg [dreg:$0x1];
	p0 =	sne.s32 s2, $0x0  }
0x68: {  	s3 =	rddreg [dreg:$0x2];
	[bflag:$0x3] =	sbarrier.arrive $0xFFFF;
	s2 =	simm.s32 @!p0 $0x1C01  }
0x69: {  	[timem:s3], [sflag:s2] =	dma.local @!p0 [hbm:s0], s1  }
0x6a: {  	s0 =	simm.s32 @!p0 $0x1  }
0x6b: {  	_ =	swait.ge @!p0 [sflag:s0], s1  }
0x6c: {  	s1 =	ssub.s32 @!p0 $0x0, s1;
	[sflag:s0] =	ssyncset.done @!p0 $0x0  }
0x6d: {  	[sflag:s0] =	ssyncadd.s32 @!p0 s1  }
0x6e: {  	[bflag:$0x3] =	sbarrier.arrive $0xFFFF  }
0x6f: {  	_ =	shalt  }

// kernel: kernel.33.cloned.1.call-start
scs
__scs_entry_jumppad:
0x0: {  	(pc) =	sbr.rel $0x88, $3  }
0x1: {  	(tag) =	ssettag $0x0;
	lr =	simm.s32 $0x1  }
0x2: {  	[smem:$0x3F71] =	sst lr;
	_ =	strace $0xD0000000  }
0x3: {  	_ = 	snop  }
0x4: {  	_ = 	snop  }
0x5: {  	_ = 	snop  }
0x6: {  	_ = 	snop  }
0x7: {  	_ = 	snop  }
__scs_overlays_trampoline_lowered:
0x8: {  	[smem:$0x3F80] =	sst s0  }
0x9: {  	[smem:$0x3F81] =	sst s1  }
0xa: {  	[smem:$0x3F82] =	sst s2  }
0xb: {  	[smem:$0x3F83] =	sst s3  }
0xc: {  	[smem:$0x3F84] =	sst s4  }
0xd: {  	[smem:$0x3F85] =	sst s5  }
0xe: {  	[smem:$0x3F86] =	sst s6  }
0xf: {  	[smem:$0x3F87] =	sst s7  }
0x10: {  	[smem:$0x3F88] =	sst s8  }
0x11: {  	[smem:$0x3F89] =	sst s9;
	s0 =	simm.s32 @!p0 $0x0  }
0x12: {  	s1 =	sld [smem:$0x3F6F];
	s0 =	simm.s32 @p0 $0x1  }
0x13: {  	[smem:$0x3F8A] =	sst s0;
	s0 =	simm.s32 @!p1 $0x0  }
0x14: {  	s2 =	sld [smem:$0x3F6E];
	s0 =	simm.s32 @p1 $0x1  }
0x15: {  	[smem:$0x3F8B] =	sst s0;
	s0 =	simm.s32 @!p2 $0x0  }
0x16: {  	s3 =	sld [smem:$0x3FDB];
	s0 =	simm.s32 @p2 $0x1  }
0x17: {  	s4 =	simm.s32 $0x1BF5;
	[smem:$0x3F8D] =	sst s0  }
0x18: {  	s0 =	sld [smem:$0x3F70];
	_ =	swait.ge [sflag:s4], $0x0  }
0x19: {  	s7 =	sld [smem:$0x3F71]  }
0x1a: {  	s8 =	sadd.s32 $0xFFFFE003, lr  }
0x1b: {  	s9 =	sadd.s32 $0xFFFFFEF7, lr;
	s5 =	simm.s32 $0xFFFFFFFF;
	p2 =	slt.u32 s8, $0xFFFFF086  }
0x1c: {  	p1 =	slt.u32 s9, $0xF7A;
	s5 =	simm.s32 @!p2 $0x0  }
0x1d: {  	s5 =	simm.s32 @p1 $0x1;
	p0 =	seq.s32 s7, s2  }
0x1e: {  	s7 =	smul.u32 @!p0 $0xF7A, s2;
	p2 =	seq.s32 @!p0 s5, $0x0  }
0x1f: {  	s9 =	smul.u32 $0xF7A, s1;
	s8 =	simm.s32 @!p0 $0x1BF5;
	p2 =	por !p2, p0  }
0x20: {  	[sflag:s8] =	ssyncset.s32 @!p0 $0xFFFFF086;
	s6 =	sadd.s32 @!p0 s3, s7;
	s7 =	simm.s32 @!p0 $0x108  }
0x21: {  	s3 =	sadd.s32 s3, s9;
	s6 =	sadd.s32 @!p0 $0x88, s6;
	s7 =	simm.s32 @p2 $0x1082  }
0x22: {  	[simem:s7], [sflag:s8] =	dma.local @!p0 [hbm:s6], $0xF7A  }
0x23: {  	s9 =	sor.u32 $0xD0000000, s2;
	s6 =	simm.s32 $0x108;
	_ =	swait.ge @!p0 [sflag:s8], $0x0  }
0x24: {  	s3 =	sadd.s32 $0x88, s3;
	s6 =	simm.s32 @!p1 $0x1082;
	[sflag:s4] =	ssyncset.s32 $0xFFFFF086  }
0x25: {  	[simem:s6], [sflag:s4] =	dma.local [hbm:s3], $0xF7A  }
0x26: {  	[smem:$0x3F71] =	sst s1;
	(tag) =	ssettag s2;
	_ =	strace s9  }
0x27: {  	s1 =	sld [smem:$0x3F81]  }
0x28: {  	s2 =	sld [smem:$0x3F82]  }
0x29: {  	s4 =	sld [smem:$0x3F84]  }
0x2a: {  	p0 =	seq.s32 s5, $0x0;
	s5 =	sld [smem:$0x3F85]  }
0x2b: {  	s6 =	sld [smem:$0x3F86]  }
0x2c: {  	s7 =	sld [smem:$0x3F87]  }
0x2d: {  	s3 =	simm.s32 $0x108;
	s8 =	sld [smem:$0x3F88]  }
0x2e: {  	s3 =	simm.s32 @!p0 $0x1082;
	s9 =	sld [smem:$0x3F89]  }
0x2f: {  	lr =	sadd.s32 s0, s3;
	s0 =	sld [smem:$0x3F80]  }
0x30: {  	s3 =	sld [smem:$0x3F83]  }
0x31: {  	[smem:$0x3F8C] =	sst s10  }
0x32: {  	s10 =	sld [smem:$0x3F8A];
	_ =	sdelay $0x3  }
0x33: {  	p0 =	seq.s32 s10, $0x1;
	s10 =	sld [smem:$0x3F8C];
	_ =	sdelay $0x3  }
0x34: {  	[smem:$0x3F8C] =	sst s10  }
0x35: {  	s10 =	sld [smem:$0x3F8B];
	_ =	sdelay $0x3  }
0x36: {  	p1 =	seq.s32 s10, $0x1;
	s10 =	sld [smem:$0x3F8C];
	_ =	sdelay $0x3  }
0x37: {  	[smem:$0x3F8C] =	sst s10  }
0x38: {  	s10 =	sld [smem:$0x3F8D]  }
0x39: {  	_ = 	snop;
	(pc) =	sbr.ind lr, $3  }
0x3a: {  	_ = 	snop  }
0x3b: {  	_ = 	snop  }
0x3c: {  	p2 =	seq.s32 s10, $0x1;
	s10 =	sld [smem:$0x3F8C]  }
0x3d: {  	_ =	shalt  }
0x3e: {  	_ =	shalt  }
0x3f: {  	_ =	shalt  }
0x40: {  	_ =	shalt  }
0x41: {  	_ =	shalt  }
0x42: {  	_ =	shalt  }
0x43: {  	_ =	shalt  }
0x44: {  	_ =	shalt  }
0x45: {  	_ =	shalt  }
0x46: {  	_ =	shalt  }
0x47: {  	_ =	shalt  }
0x48: {  	_ =	shalt  }
0x49: {  	_ =	shalt  }
0x4a: {  	_ =	shalt  }
0x4b: {  	_ =	shalt  }
0x4c: {  	_ =	shalt  }
0x4d: {  	_ =	shalt  }
0x4e: {  	_ =	shalt  }
0x4f: {  	_ =	shalt  }
0x50: {  	_ =	shalt  }
0x51: {  	_ =	shalt  }
0x52: {  	_ =	shalt  }
0x53: {  	_ =	shalt  }
0x54: {  	_ =	shalt  }
0x55: {  	_ =	shalt  }
0x56: {  	_ =	shalt  }
0x57: {  	_ =	shalt  }
0x58: {  	_ =	shalt  }
0x59: {  	_ =	shalt  }
0x5a: {  	_ =	shalt  }
0x5b: {  	_ =	shalt  }
0x5c: {  	_ =	shalt  }
0x5d: {  	_ =	shalt  }
0x5e: {  	_ =	shalt  }
0x5f: {  	_ =	shalt  }
0x60: {  	_ =	shalt  }
0x61: {  	_ =	shalt  }
0x62: {  	_ =	shalt  }
0x63: {  	_ =	shalt  }
0x64: {  	_ =	shalt  }
0x65: {  	_ =	shalt  }
0x66: {  	_ =	shalt  }
0x67: {  	_ =	shalt  }
0x68: {  	_ =	shalt  }
0x69: {  	_ =	shalt  }
0x6a: {  	_ =	shalt  }
0x6b: {  	_ =	shalt  }
0x6c: {  	_ =	shalt  }
0x6d: {  	_ =	shalt  }
0x6e: {  	_ =	shalt  }
0x6f: {  	_ =	shalt  }
0x70: {  	_ =	shalt  }
0x71: {  	_ =	shalt  }
0x72: {  	_ =	shalt  }
0x73: {  	_ =	shalt  }
0x74: {  	_ =	shalt  }
0x75: {  	_ =	shalt  }
0x76: {  	_ =	shalt  }
0x77: {  	_ =	shalt  }
0x78: {  	_ =	shalt  }
0x79: {  	_ =	shalt  }
0x7a: {  	_ =	shalt  }
0x7b: {  	_ =	shalt  }
0x7c: {  	_ =	shalt  }
0x7d: {  	_ =	shalt  }
0x7e: {  	_ =	shalt  }
0x7f: {  	_ =	shalt  }
0x80: {  	_ =	shalt  }
0x81: {  	_ =	shalt  }
0x82: {  	_ =	shalt  }
0x83: {  	_ =	shalt  }
0x84: {  	_ =	shalt  }
0x85: {  	_ =	shalt  }
0x86: {  	_ =	shalt  }
0x87: {  	_ =	shalt  }
.Lfunc_end0:
.L_simem_size_0:
called_computation.5_lowered:
.L_overlay_start_0:
0x88: {  	s2 =	sld [smem:$0x3FD9]  }
0x89: {  	s3 =	sld [smem:$0x3FFE];
	_ =	sdelay $0x1  }
0x8a: {  	s1 =	srdreg.scid  }
0x8b: {  	s0 =	sand.u32 $0x1, s1  }
0x8c: {  	s16 =	sshll.u32 s0, $0xA;
	s2 =	sadd.s32 s3, s2  }
0x8d: {  	s2 =	sadd.s32 s2, s16  }
0x8e: {  	[smem:$0x3F98] =	sst s2  }
0x8f: {  	_ = 	snop  }
0x90: {  	(tm) =	ssettm $0x1  }
0x91: {  	s17 =	sld [smem:$0x3FFB];
	_ =	sdelay $0x3  }
0x92: {  	_ =	strace s17  }
0x93: {  	s2 =	sld [smem:$0x3FFC];
	_ =	sdelay $0x3  }
0x94: {  	_ =	strace s2  }
0x95: {  	s2 =	sld [smem:$0x3FFD];
	_ =	sdelay $0x3  }
0x96: {  	_ =	strace s2  }
0x97: {  	_ =	strace $0x8FFFFFFF  }
0x98: {  	s18 =	sld [smem:$0x3FDB];
	_ =	sdelay $0x1  }
0x99: {  	s19 =	simm.s32 $_scs_section_size  }
0x9a: {  	s4 =	simm.s32 $_size__tile_overlayer_lowered;
	s5 =	simm.s32 $_tile_overlayer_lowered  }
0x9b: {  	s22 =	simm.s32 $0x1BFF;
	s21 =	sshll.u32 s5, $0x1;
	s2 =	sadd.s32 s19, s18  }
0x9c: {  	s6 =	simm.s32 $0x0;
	s20 =	sshll.u32 s4, $0x1;
	s4 =	sadd.s32 s21, s2  }
0x9d: {  	[timem:s6], [sflag:s22] =	dma.local [hbm:s4], s20  }
0x9e: {  	_ =	swait.ge [sflag:s22], s20  }
0x9f: {  	s3 =	ssub.s32 $0x0, s20;
	[sflag:s22] =	ssyncset.done $0x0  }
0xa0: {  	[sflag:s22] =	ssyncadd.s32 s3;
	_ =	sdelay $0x1  }
0xa1: {  	s23 =	simm.s32 $0x1B8B  }
0xa2: {  	_ =	swait.ge [sflag:s23], $0x1  }
0xa3: {  	[sflag:s23] =	ssyncset.done $0x0  }
0xa4: {  	s25 =	simm.s32 $0x1B8E;
	s24 =	sld [smem:$0x3FFE];
	[sflag:s23] =	ssyncadd.s32 $0xFFFFFFFF  }
0xa5: {  	s26 =	simm.s32 $execute0_lowered;
	[smem:$0x3FD2] =	sst s25  }
0xa6: {  	s4 =	sshll.u32 s26, $0x1;
	_ =	strace $0x80000055;
	[dreg:$0x1] =	wrdreg $0xFFFFFFFF  }
0xa7: {  	s28 =	simm.s32 $_size_execute0_lowered;
	s2 =	sadd.s32 s2, s4;
	[dreg:$0x0] =	wrdreg $0x0  }
0xa8: {  	s4 =	sshll.u32 s28, $0x1;
	[dreg:$0x2] =	wrdreg s2  }
0xa9: {  	[dreg:$0x3] =	wrdreg s4  }
0xaa: {  	[dreg:$0x4] =	wrdreg $0xC0  }
0xab: {  	_ =	task [dreg:s6], $0x5FFFF  }
0xac: {  	[dreg:$0x1] =	wrdreg $0xFFFFFFFF  }
0xad: {  	[dreg:$0x0] =	wrdreg $0x60  }
0xae: {  	[dreg:$0x2] =	wrdreg s24  }
0xaf: {  	[dreg:$0x3] =	wrdreg $0x9  }
0xb0: {  	_ =	task.clear_ibuf [dreg:s6], $0x4FFFF;
	_ =	strace $0x90000055  }
0xb1: {  	s29 =	simm.s32 $0x9;
	_ =	strace $0x80000057  }
0xb2: {  	_ =	swait.ge [sflag:s29], $0x1  }
0xb3: {  	[sflag:s29] =	ssyncadd.s32 $0xFFFFFFFF  }
0xb4: {  	_ =	strace $0x90000057  }
0xb5: {  	_ =	sfence  }
0xb6: {  	s30 =	sld [smem:$0x0];
	_ =	sdelay $0x2  }
0xb7: {  	s31 =	sshll.u32 s1, $0xD;
	s1 =	sshrl.u32 s1, $0x2  }
0xb8: {  	s3 =	sand.u32 $0x4000, s31;
	s1 =	sadd.s32 s1, s30  }
0xb9: {  	s0 =	sor.u32 s3, s0;
	s1 =	sshll.u32 s1, $0x11  }
0xba: {  	s0 =	sor.u32 s1, s0  }
0xbb: {  	s0 =	sadd.s32 $0x8F2B, s0  }
0xbc: {  	[sflag:s0] =	ssyncadd.remote.s32 $0x1  }
0xbd: {  	_ =	sfence.sel $0xFFFF  }
0xbe: {  	[dreg:$0x0] =	wrdreg $0xFFFFFFFF;
	(pc) =	sbr.abs _section_cstart, $3  }
0xbf: {  	[dreg:$0x1] =	wrdreg $0xFFFFFFFF  }
0xc0: {  	_ =	task.clear_ibuf [dreg:s6], $0x2FFFF;
	_ =	strace $0x9FFFFFFF  }
0xc1: {  	(tm) =	ssettm $0x7FFFFFFF  }
tec
execute0_lowered:
.L_overlay_start_1:
0x0: {  	(tag) =	ssettag $0x1  }
0x1: {  	s5 =	rddreg [dreg:$0x0]  }
0x2: {  	s0 =	rddreg [dreg:$0x1];
	s1 =	simm.s32 $0x0;
	s4 =	srdreg.scid  }
0x3: {  	s2 =	stileid.u32;
	[smem:$0x7FF] =	sst s1  }
0x4: {  	s3 =	sadd.s32 $0x6ADD400, s5;
	s6 =	sand.u32 $0x1, s4;
	s4 =	sadd.s32 $0x6BA0A00, s5  }
0x5: {  	s7 =	sshll.u32 s2, $0x5;
	s9 =	sshll.u32 s2, $0xB;
	_ =	strace $0x80000056  }
0x6: {  	s8 =	ssub.s32 $0x2, s6;
	s7 =	sadd.s32 s7, s5;
	s9 =	sadd.s32 s9, s5  }
0x7: {  	s31 =	sshll.u32 s6, $0x4;
	s11 =	sshll.u32 s6, $0xA;
	s10 =	sshrl.u32 s8, $0x1  }
0x8: {  	s5 =	sshll.u32 s2, $0x1;
	s11 =	sadd.s32 s11, s9;
	s8 =	ssub.s32 s8, s10  }
0x9: {  	s10 =	sadd.s32 s31, s7;
	s9 =	sadd.s32 $0x9E800, s11;
	s6 =	smax.u32 s8, $0x1  }
0xa: {  	s7 =	sadd.s32 $0x3CC00, s10;
	s8 =	sadd.s32 $0x6DA00, s10;
	s10 =	sadd.s32 $0x6C64000, s11  }
.LBB2_1:
0xb: {  	p0 =	sgt.u32 s5, $0x30D3  }
0xc: {  	s11 =	sadd.s32 @!p0 $0x0, s8;
	s12 =	simm.s32 @!p0 $0x0;
	s15 =	simm.s32 @!p0 $0x4  }
0xd: {  	[tilespmem:s12], [sflag:$0x4] =	stream.linear.gather @!p0 [hbm4b:s11+s12], $0x80, $0x38;
	[tilespmem:$0x4100] =	vst v63  }
0xe: {  	_ =	swait.ge @!p0 [sflag:s15], $0x80;
	p0 =	por p0, p0  }
0xf: {  	[sflag:s15] =	ssyncset.done @!p0 $0x0  }
0x10: {  	s11 =	sadd.s32 @!p0 $0x0, s7;
	s13 =	simm.s32 @!p0 $0x80;
	[sflag:s15] =	ssyncadd.s32 @!p0 $0xFFFFFF80  }
0x11: {  	[tilespmem:s13], [sflag:$0x4] =	stream.linear.gather @!p0 [hbm4b:s11+s12], $0x80, $0x38;
	[tilespmem:$0x4100] =	vst v63  }
0x12: {  	_ =	swait.ge @!p0 [sflag:s15], $0x80  }
0x13: {  	[sflag:s15] =	ssyncset.done @!p0 $0x0  }
0x14: {  	s11 =	simm.s32 @!p0 $0x100;
	[sflag:s15] =	ssyncadd.s32 @!p0 $0xFFFFFF80  }
0x15: {  	[tilespmem:s11], [sflag:$0x1] =	stream.indirect.gather @!p0 [hbm4b:s3+s13], $0x40, s12, s13, $0xb8;
	[tilespmem:$0x4100] =	vst v63  }
0x16: {  	s16 =	simm.s32 @!p0 $0x2100;
	s14 =	simm.s32 @!p0 $0x1  }
0x17: {  	[tilespmem:s16], [sflag:$0x2] =	stream.indirect.gather @!p0 [hbm4b:s4+s13], $0x40, s13, s13, $0xb8;
	[tilespmem:$0x4100] =	vst v63  }
0x18: {  	_ =	swait.ge @!p0 [sflag:s14], $0x2000  }
0x19: {  	[sflag:s14] =	ssyncset.done @!p0 $0x0  }
0x1a: {  	s13 =	simm.s32 @!p0 $0x2;
	[sflag:s14] =	ssyncadd.s32 @!p0 $0xFFFFE000  }
0x1b: {  	_ =	swait.ge @!p0 [sflag:s13], $0x2000  }
0x1c: {  	[sflag:s13] =	ssyncset.done @!p0 $0x0  }
0x1d: {  	[sflag:s13] =	ssyncadd.s32 @!p0 $0xFFFFE000  }
0x1e: {  	[hbm4b:s10+s12] =	stream.linear.scatter @!p0 [tilespmem:s11], [sflag:$0x4], $0x2000, $0x38;
	[tilespmem:$0x4100] =	vst v63  }
0x1f: {  	_ =	swait.ge @!p0 [sflag:s15], $0x2000  }
0x20: {  	[sflag:s15] =	ssyncset.done @!p0 $0x0  }
0x21: {  	s14 =	simm.s32 $0x400;
	s13 =	simm.s32 $0x200;
	[sflag:s15] =	ssyncadd.s32 @!p0 $0xFFFFE000  }
0x22: {  	[hbm4b:s9+s12] =	stream.linear.scatter @!p0 [tilespmem:s16], [sflag:$0x3], $0x2000, $0x38;
	[tilespmem:$0x4100] =	vst v63  }
0x23: {  	s11 =	sadd.s32 $0x8000, s10;
	s15 =	sadd.s32 $0x20, s5;
	s16 =	simm.s32 @!p0 $0x3  }
0x24: {  	p2 =	sgt.u32 s15, $0x30D3;
	s12 =	sadd.s32 $0x8000, s9;
	_ =	swait.ge @!p0 [sflag:s16], $0x2000  }
.LBB2_2:
0x25: {  	s17 =	sadd.s32 @!p2 s13, s8  }
0x26: {  	s18 =	simm.s32 @!p2 $0x0;
	[sflag:s16] =	ssyncset.done @!p0 $0x0;
	s19 =	smov.u32 s14  }
0x27: {  	s14 =	sadd.s32 $0x200, s14;
	s20 =	simm.s32 @!p2 $0x4;
	[sflag:s16] =	ssyncadd.s32 @!p0 $0xFFFFE000  }
0x28: {  	[tilespmem:s18], [sflag:$0x4] =	stream.linear.gather @!p2 [hbm4b:s17+s18], $0x80, $0x38;
	[tilespmem:$0x4100] =	vst v63  }
0x29: {  	p1 =	sne.s32 s14, $0x30E00;
	p0 =	por p2, p2;
	_ =	swait.ge @!p2 [sflag:s20], $0x80  }
0x2a: {  	[sflag:s20] =	ssyncset.done @!p0 $0x0  }
0x2b: {  	s13 =	sadd.s32 @!p0 s13, s7;
	s16 =	simm.s32 @!p0 $0x80;
	[sflag:s20] =	ssyncadd.s32 @!p0 $0xFFFFFF80  }
0x2c: {  	[tilespmem:s16], [sflag:$0x4] =	stream.linear.gather @!p0 [hbm4b:s13+s18], $0x80, $0x38;
	[tilespmem:$0x4100] =	vst v63  }
0x2d: {  	s13 =	smov.u32 s19;
	_ =	swait.ge @!p0 [sflag:s20], $0x80  }
0x2e: {  	[sflag:s20] =	ssyncset.done @!p0 $0x0  }
0x2f: {  	s17 =	simm.s32 @!p0 $0x100;
	[sflag:s20] =	ssyncadd.s32 @!p0 $0xFFFFFF80  }
0x30: {  	[tilespmem:s17], [sflag:$0x1] =	stream.indirect.gather @!p0 [hbm4b:s3+s16], $0x40, s18, s16, $0xb8;
	[tilespmem:$0x4100] =	vst v63  }
0x31: {  	s21 =	simm.s32 @!p0 $0x1;
	s19 =	simm.s32 @!p0 $0x2100  }
0x32: {  	[tilespmem:s19], [sflag:$0x2] =	stream.indirect.gather @!p0 [hbm4b:s4+s16], $0x40, s16, s16, $0xb8;
	[tilespmem:$0x4100] =	vst v63  }
0x33: {  	_ =	swait.ge @!p0 [sflag:s21], $0x2000  }
0x34: {  	[sflag:s21] =	ssyncset.done @!p0 $0x0  }
0x35: {  	s16 =	simm.s32 @!p0 $0x2;
	[sflag:s21] =	ssyncadd.s32 @!p0 $0xFFFFE000  }
0x36: {  	_ =	swait.ge @!p0 [sflag:s16], $0x2000  }
0x37: {  	[sflag:s16] =	ssyncset.done @!p0 $0x0  }
0x38: {  	[sflag:s16] =	ssyncadd.s32 @!p0 $0xFFFFE000  }
0x39: {  	[hbm4b:s11+s18] =	stream.linear.scatter @!p0 [tilespmem:s17], [sflag:$0x4], $0x2000, $0x38;
	[tilespmem:$0x4100] =	vst v63  }
.Ltmp0:
0x3a: {  	_ =	swait.ge @!p0 [sflag:s20], $0x2000;
	(pc) =	sbr.rel @p1 .LBB2_2-.Ltmp0, $4  }
0x3b: {  	s11 =	sadd.s32 $0x8000, s11;
	[sflag:s20] =	ssyncset.done @!p0 $0x0  }
0x3c: {  	s15 =	sadd.s32 $0x20, s15;
	s16 =	simm.s32 @!p0 $0x3;
	[sflag:s20] =	ssyncadd.s32 @!p0 $0xFFFFE000  }
0x3d: {  	[hbm4b:s12+s18] =	stream.linear.scatter @!p0 [tilespmem:s19], [sflag:$0x3], $0x2000, $0x38;
	[tilespmem:$0x4100] =	vst v63  }
0x3e: {  	p2 =	sgt.u32 s15, $0x30D3;
	s12 =	sadd.s32 $0x8000, s12;
	_ =	swait.ge @!p0 [sflag:s16], $0x2000  }
0x3f: {  	s14 =	sadd.s32 @!p2 s13, s8;
	[sflag:s16] =	ssyncset.done @!p0 $0x0  }
0x40: {  	s15 =	simm.s32 @!p2 $0x0;
	s17 =	simm.s32 @!p2 $0x4;
	[sflag:s16] =	ssyncadd.s32 @!p0 $0xFFFFE000  }
0x41: {  	[tilespmem:s15], [sflag:$0x4] =	stream.linear.gather @!p2 [hbm4b:s14+s15], $0x80, $0x38;
	[tilespmem:$0x4100] =	vst v63  }
0x42: {  	p0 =	por p2, p2;
	_ =	swait.ge @!p2 [sflag:s17], $0x80  }
0x43: {  	[sflag:s17] =	ssyncset.done @!p0 $0x0  }
0x44: {  	s13 =	sadd.s32 @!p0 s13, s7;
	s14 =	simm.s32 @!p0 $0x80;
	[sflag:s17] =	ssyncadd.s32 @!p0 $0xFFFFFF80  }
0x45: {  	[tilespmem:s14], [sflag:$0x4] =	stream.linear.gather @!p0 [hbm4b:s13+s15], $0x80, $0x38;
	[tilespmem:$0x4100] =	vst v63  }
0x46: {  	_ =	swait.ge @!p0 [sflag:s17], $0x80  }
0x47: {  	[sflag:s17] =	ssyncset.done @!p0 $0x0  }
0x48: {  	s13 =	simm.s32 @!p0 $0x100;
	[sflag:s17] =	ssyncadd.s32 @!p0 $0xFFFFFF80  }
0x49: {  	[tilespmem:s13], [sflag:$0x1] =	stream.indirect.gather @!p0 [hbm4b:s3+s14], $0x40, s15, s14, $0xb8;
	[tilespmem:$0x4100] =	vst v63  }
0x4a: {  	s16 =	simm.s32 @!p0 $0x2100;
	s18 =	simm.s32 @!p0 $0x1  }
0x4b: {  	[tilespmem:s16], [sflag:$0x2] =	stream.indirect.gather @!p0 [hbm4b:s4+s14], $0x40, s14, s14, $0xb8;
	[tilespmem:$0x4100] =	vst v63  }
0x4c: {  	_ =	swait.ge @!p0 [sflag:s18], $0x2000  }
0x4d: {  	[sflag:s18] =	ssyncset.done @!p0 $0x0  }
0x4e: {  	s14 =	simm.s32 @!p0 $0x2;
	[sflag:s18] =	ssyncadd.s32 @!p0 $0xFFFFE000  }
0x4f: {  	_ =	swait.ge @!p0 [sflag:s14], $0x2000  }
0x50: {  	[sflag:s14] =	ssyncset.done @!p0 $0x0  }
0x51: {  	[sflag:s14] =	ssyncadd.s32 @!p0 $0xFFFFE000  }
0x52: {  	[hbm4b:s11+s15] =	stream.linear.scatter @!p0 [tilespmem:s13], [sflag:$0x4], $0x2000, $0x38;
	[tilespmem:$0x4100] =	vst v63  }
0x53: {  	s1 =	sadd.s32 $0x1, s1;
	_ =	swait.ge @!p0 [sflag:s17], $0x2000  }
0x54: {  	p1 =	sne.s32 s1, s6;
	[sflag:s17] =	ssyncset.done @!p0 $0x0  }
.Ltmp1:
0x55: {  	s11 =	simm.s32 @!p0 $0x3;
	[sflag:s17] =	ssyncadd.s32 @!p0 $0xFFFFE000;
	(pc) =	sbr.rel @p1 .LBB2_1-.Ltmp1, $4  }
0x56: {  	[hbm4b:s12+s15] =	stream.linear.scatter @!p0 [tilespmem:s16], [sflag:$0x3], $0x2000, $0x38;
	[tilespmem:$0x4100] =	vst v63  }
0x57: {  	_ =	swait.ge @!p0 [sflag:s11], $0x2000  }
0x58: {  	[sflag:s11] =	ssyncset.done @!p0 $0x0  }
0x59: {  	[sflag:s11] =	ssyncadd.s32 @!p0 $0xFFFFE000  }
0x5a: {  	_ =	sfence.sel $0x180000  }
0x5b: {  	[bflag:$0x0] =	sbarrier.arrive $0xFFFF  }
0x5c: {  	p0 =	sne.s32 s2, $0x0;
	_ =	strace $0x90000056  }
0x5d: {  	s0 =	sadd.s32 @!p0 $0x100000, s0;
	[bflag:$0x2] =	sbarrier.arrive $0xFFFF  }
0x5e: {  	[sflag:s0] =	ssyncadd.tile.s32 @!p0 $0x1;
	_ =	shalt  }
.Lfunc_end2:
_tile_overlayer_lowered:
.L_overlay_start_2:
0x5f: {  	(tag) =	ssettag $0x2  }
0x60: {  	s0 =	rddreg [dreg:$0x0];
	s2 =	stileid.u32  }
0x61: {  	s1 =	rddreg [dreg:$0x1];
	p0 =	sne.s32 s2, $0x0  }
0x62: {  	s3 =	rddreg [dreg:$0x2];
	[bflag:$0x3] =	sbarrier.arrive $0xFFFF;
	s2 =	simm.s32 @!p0 $0x1C03  }
0x63: {  	[timem:s3], [sflag:s2] =	dma.local @!p0 [hbm:s0], s1  }
0x64: {  	s0 =	simm.s32 @!p0 $0x3  }
0x65: {  	_ =	swait.ge @!p0 [sflag:s0], s1  }
0x66: {  	s1 =	ssub.s32 @!p0 $0x0, s1;
	[sflag:s0] =	ssyncset.done @!p0 $0x0  }
0x67: {  	[sflag:s0] =	ssyncadd.s32 @!p0 s1  }
0x68: {  	[bflag:$0x3] =	sbarrier.arrive $0xFFFF  }
0x69: {  	_ =	shalt  }

</sc_bundles>
